<compile_context>
chip_gen: v7x
topology: tpu7x:2x2x1
jax: 0.10.2.dev20260603
libtpu: 0.0.44.dev20260713+nightly
codegen_flags: <defaults>
</compile_context>

<pallas_src>
import jax
import jax.numpy as jnp
import numpy as np
from jax import lax
from jax.experimental import pallas as pl
from jax.experimental.pallas import tpu as pltpu
from jax.experimental.pallas import tpu_sc as plsc

R = 1.1
S = 16
T = 16
B = 128
N = 10000
E = 160000
DELTA = 2.0 * R / (S - 1)
NC = 2
NS = 16
NW = NC * NS
EPW = E // NW
NODE_BLK = 320
EG = (EPW + 15) // 16
EBUF = EG * 16

LUTBITS = 12
LUTK = 1 << LUTBITS
_j = (np.arange(LUTK, dtype=np.float64) + 0.5) * (DELTA / LUTK) - DELTA / 2
_LUT = (1.0 / (1.0 + np.exp(500.0 * _j))).astype(np.float32)
_LUT = np.where(_LUT < 1e-7, np.float32(0.0), _LUT)
_LUT = np.where(_LUT > 1.0 - 3e-8, np.float32(1.0), _LUT)
LUT_SCALE = float(LUTK / DELTA)
LUT_OFF = float((S / 2) * LUTK)
GI_MAX = float(S * LUTK - 1)

_ang = np.linspace(0.0, 2.0 * np.pi, T, dtype=np.float32)
V0 = [float(x) for x in np.sin(_ang, dtype=np.float32)]
V1 = [float(x) for x in np.cos(_ang, dtype=np.float32)]


def _sc_body(x0_h, x1_h, ei0_h, ei1_h, ew_h, batch_h, lut_h, out_h,
             xc0, xc1, bt, i0b, i1b, ewb, lutb, hs, sem):
    ci = lax.axis_index("c")
    si = lax.axis_index("s")
    w = si * NC + ci

    eb = w * EPW
    cps = [
        pltpu.async_copy(x0_h, xc0, sem),
        pltpu.async_copy(x1_h, xc1, sem),
        pltpu.async_copy(batch_h, bt, sem),
        pltpu.async_copy(lut_h, lutb, sem),
        pltpu.async_copy(ei0_h.at[pl.ds(eb, EPW)], i0b.at[pl.ds(0, EPW)], sem),
        pltpu.async_copy(ei1_h.at[pl.ds(eb, EPW)], i1b.at[pl.ds(0, EPW)], sem),
        pltpu.async_copy(ew_h.at[pl.ds(eb, EPW)], ewb.at[pl.ds(0, EPW)], sem),
    ]

    zf = jnp.zeros((16,), jnp.float32)
    zi = jnp.zeros((16,), jnp.int32)

    def zbody(i, c):
        base = i * 128
        for jj in range(8):
            hs[pl.ds(base + jj * 16, 16)] = zf
        return c
    lax.fori_loop(0, (S + 1) * B * T // 128, zbody, 0)

    for cp in cps:
        cp.wait()

    i0b[pl.ds(EBUF - 16, 16)] = zi
    i1b[pl.ds(EBUF - 16, 16)] = zi
    ewb[pl.ds(EBUF - 16, 16)] = zf

    one = jnp.ones((16,), jnp.float32)

    def bin_of(h):
        fi = h * jnp.float32(LUT_SCALE) + jnp.float32(LUT_OFF)
        fic = jnp.minimum(jnp.maximum(fi, jnp.float32(0.0)),
                          jnp.float32(GI_MAX))
        gi = fic.astype(jnp.int32)
        s0 = lax.shift_right_logical(gi, LUTBITS)
        fidx = lax.bitwise_and(gi, LUTK - 1)
        fr = plsc.load_gather(lutb, [fidx])
        return s0, fr

    nb = w * NODE_BLK
    ngr = jnp.minimum(N - nb, NODE_BLK) // 16

    def nodebody(gi_, c):
        p = nb + gi_ * 16
        x0 = xc0[pl.ds(p, 16)]
        x1 = xc1[pl.ds(p, 16)]
        gbase = lax.shift_left(bt[pl.ds(p, 16)], 4)
        for t in range(T):
            h = x0 * jnp.float32(V0[t]) + x1 * jnp.float32(V1[t])
            s0, fr = bin_of(h)
            binv = lax.shift_left(s0, 11) + (gbase + t)
            bin2 = binv + (B * T)
            a2 = one - fr
            plsc.addupdate_scatter(hs, [binv], fr, mask=fr > 0.0)
            plsc.addupdate_scatter(hs, [bin2], a2,
                                   mask=(a2 > 0.0) & (bin2 < S * B * T))
        return c
    lax.fori_loop(0, ngr, nodebody, 0)

    def edgebody(gi_, c):
        p = gi_ * 16
        i0 = i0b[pl.ds(p, 16)]
        i1 = i1b[pl.ds(p, 16)]
        wn = -ewb[pl.ds(p, 16)]
        gbase = lax.shift_left(plsc.load_gather(bt, [i0]), 4)
        xa0 = plsc.load_gather(xc0, [i0])
        xa1 = plsc.load_gather(xc1, [i0])
        xb0 = plsc.load_gather(xc0, [i1])
        xb1 = plsc.load_gather(xc1, [i1])
        for t in range(T):
            h = jnp.maximum(xa0 * jnp.float32(V0[t]) + xa1 * jnp.float32(V1[t]),
                            xb0 * jnp.float32(V0[t]) + xb1 * jnp.float32(V1[t]))
            s0, fr = bin_of(h)
            binv = lax.shift_left(s0, 11) + (gbase + t)
            bin2 = binv + (B * T)
            a1 = wn * fr
            a2 = wn - a1
            plsc.addupdate_scatter(hs, [binv], a1, mask=a1 < 0.0)
            plsc.addupdate_scatter(hs, [bin2], a2,
                                   mask=(a2 < 0.0) & (bin2 < S * B * T))
        return c
    lax.fori_loop(0, EG, edgebody, 0)

    pltpu.sync_copy(hs, out_h.at[w])


_sc_fn = pl.kernel(
    _sc_body,
    out_type=jax.ShapeDtypeStruct((NW, (S + 1) * B * T), jnp.float32),
    mesh=plsc.VectorSubcoreMesh(core_axis_name="c", subcore_axis_name="s"),
    compiler_params=pltpu.CompilerParams(use_tc_tiling_on_sc=False,
                                         needs_layout_passes=False),
    scratch_types=[
        pltpu.VMEM((N,), jnp.float32),
        pltpu.VMEM((N,), jnp.float32),
        pltpu.VMEM((N,), jnp.int32),
        pltpu.VMEM((EBUF,), jnp.int32),
        pltpu.VMEM((EBUF,), jnp.int32),
        pltpu.VMEM((EBUF,), jnp.float32),
        pltpu.VMEM((LUTK,), jnp.float32),
        pltpu.VMEM(((S + 1) * B * T,), jnp.float32),
        pltpu.SemaphoreType.DMA,
    ],
)


def _fin_body(parts_ref, out_ref):
    p = parts_ref[...]
    q = jnp.sum(p, axis=0)
    h16 = q[:S]
    ri = lax.broadcasted_iota(jnp.int32, (S, S), 0)
    cI = lax.broadcasted_iota(jnp.int32, (S, S), 1)
    tri = (cI <= ri).astype(jnp.float32)
    out_ref[...] = jnp.dot(tri, h16, preferred_element_type=jnp.float32)


_fin_fn = pl.pallas_call(
    _fin_body,
    out_shape=jax.ShapeDtypeStruct((S, B * T), jnp.float32),
)


def kernel(x, edge_index, edge_weights, batch, lin, v):
    del lin, v
    x0 = x[:, 0]
    x1 = x[:, 1]
    ei0 = edge_index[0]
    ei1 = edge_index[1]
    lut = jnp.asarray(_LUT)
    parts = _sc_fn(x0, x1, ei0, ei1, edge_weights, batch, lut)
    acc = _fin_fn(parts.reshape(NW, S + 1, B * T))
    return acc.reshape(S, B, T).transpose(1, 0, 2)

# --- scband reference (transcript-rebuilt; emitter-appended) ---
"""Pipeline reference for scband-wectlayer-9088150798466 (READ-ONLY COPY).

The authoritative reference and input builder live on the scoring server;
editing this copy changes nothing except your own understanding.
"""

import jax, jax.numpy as jnp
import numpy as np

R = 1.1
BUMP_STEPS = 16
NUM_THETAS = 16
N_NODES = 10000
N_EDGES = 160000
NUM_GRAPHS = 128


def setup_inputs(seed: int = 0) -> dict:
    key = jax.random.key(seed)
    k1, k2, k3, k4 = jax.random.split(key, 4)
    x = jax.random.normal(k1, (N_NODES, 2), dtype=jnp.float32)
    edge_index = jax.random.randint(k2, (2, N_EDGES), 0, N_NODES, dtype=jnp.int32)
    edge_weights = jax.random.uniform(k3, (N_EDGES,), dtype=jnp.float32)
    batch = jnp.sort(jax.random.randint(k4, (N_NODES,), 0, NUM_GRAPHS, dtype=jnp.int32))
    # buffers built in __init__ from config
    lin = jnp.linspace(-R, R, BUMP_STEPS, dtype=jnp.float32).reshape(-1, 1, 1)
    v = jnp.vstack([
        jnp.sin(jnp.linspace(0.0, 2.0 * np.pi, NUM_THETAS, dtype=jnp.float32)),
        jnp.cos(jnp.linspace(0.0, 2.0 * np.pi, NUM_THETAS, dtype=jnp.float32)),
    ])
    return {"x": x, "edge_index": edge_index, "edge_weights": edge_weights, "batch": batch, "lin": lin, "v": v}


def _compute_wecc(h, index, lin, weight, num_graphs):
    # h: [M, T]; lin: [S,1,1]; weight: [M]
    ecc = jax.nn.sigmoid(500.0 * (lin - h)) * weight.reshape(1, -1, 1)  # [S, M, T]
    out = jnp.zeros((lin.shape[0], num_graphs, h.shape[1]), dtype=jnp.float32)
    res = out.at[:, index, :].add(ecc)  # index_add along dim 1
    return jnp.moveaxis(res, 0, 1)  # [B, S, T]


def reference(x, edge_index, edge_weights, batch, lin, v):
    num_graphs = NUM_GRAPHS
    nh = x @ v  # [N, T]
    eh = jnp.max(nh[edge_index], axis=0)  # [E, T]
    node_weights = jnp.ones((nh.shape[0],), dtype=jnp.float32)
    ew = edge_weights.reshape(-1)
    node_term = _compute_wecc(nh, batch, lin, node_weights, num_graphs)
    edge_term = _compute_wecc(eh, batch[edge_index[0]], lin, ew, num_graphs)
    return node_term - edge_term

if __name__ == "__main__":
    import jax
    _d = setup_inputs()
    print(jax.jit(kernel)(*tuple(_d.values())))

</pallas_src>

<mosaic_0001>
#map = affine_map<(d0, d1) -> (0)>
#map1 = affine_map<(d0, d1) -> (0, 0)>
module attributes {stable_mosaic.version = 14 : i64} {
  func.func @_sc_body(%arg0: i32, %arg1: i32, %arg2: memref<10000xf32, #tpu.memory_space<hbm>>, %arg3: memref<10000xf32, #tpu.memory_space<hbm>>, %arg4: memref<160000xi32, #tpu.memory_space<hbm>>, %arg5: memref<160000xi32, #tpu.memory_space<hbm>>, %arg6: memref<160000xf32, #tpu.memory_space<hbm>>, %arg7: memref<10000xi32, #tpu.memory_space<hbm>>, %arg8: memref<4096xf32, #tpu.memory_space<hbm>>, %arg9: memref<32x34816xf32, #tpu.memory_space<hbm>>, %arg10: memref<10000xf32, #tpu.memory_space<vmem>>, %arg11: memref<10000xf32, #tpu.memory_space<vmem>>, %arg12: memref<10000xi32, #tpu.memory_space<vmem>>, %arg13: memref<5008xi32, #tpu.memory_space<vmem>>, %arg14: memref<5008xi32, #tpu.memory_space<vmem>>, %arg15: memref<5008xf32, #tpu.memory_space<vmem>>, %arg16: memref<4096xf32, #tpu.memory_space<vmem>>, %arg17: memref<34816xf32, #tpu.memory_space<vmem>>, %arg18: memref<!tpu.dma_semaphore, #tpu.memory_space<semaphore_mem>>) attributes {dimension_semantics = [#tpu.dimension_semantics<core_parallel>, #tpu.dimension_semantics<subcore_parallel>], iteration_bounds = array<i64: 2, 16>, scalar_prefetch = 0 : i64, scratch_operands = 9 : i64, tpu.core_type = #tpu.core_type<sc_vector_subcore>, window_params = [{transform_indices = #map}, {transform_indices = #map}, {transform_indices = #map}, {transform_indices = #map}, {transform_indices = #map}, {transform_indices = #map}, {transform_indices = #map}, {transform_indices = #map1}]} {
    %mul3A = arith.constant 2 : i32
    %mul3A_0 = arith.muli %arg1, %mul3A : i32
    %add3A = arith.addi %mul3A_0, %arg0 : i32
    %mul3A_1 = arith.constant 5000 : i32
    %mul3A_2 = arith.muli %add3A, %mul3A_1 : i32
    tpu.enqueue_dma source(%arg2 : memref<10000xf32, #tpu.memory_space<hbm>>) target(%arg10 : memref<10000xf32, #tpu.memory_space<vmem>>) target_semaphore(%arg18 : memref<!tpu.dma_semaphore, #tpu.memory_space<semaphore_mem>>)
    tpu.enqueue_dma source(%arg3 : memref<10000xf32, #tpu.memory_space<hbm>>) target(%arg11 : memref<10000xf32, #tpu.memory_space<vmem>>) target_semaphore(%arg18 : memref<!tpu.dma_semaphore, #tpu.memory_space<semaphore_mem>>)
    tpu.enqueue_dma source(%arg7 : memref<10000xi32, #tpu.memory_space<hbm>>) target(%arg12 : memref<10000xi32, #tpu.memory_space<vmem>>) target_semaphore(%arg18 : memref<!tpu.dma_semaphore, #tpu.memory_space<semaphore_mem>>)
    tpu.enqueue_dma source(%arg8 : memref<4096xf32, #tpu.memory_space<hbm>>) target(%arg16 : memref<4096xf32, #tpu.memory_space<vmem>>) target_semaphore(%arg18 : memref<!tpu.dma_semaphore, #tpu.memory_space<semaphore_mem>>)
    %dma_start3A = arith.constant 0 : i32
    %dma_start3A_3 = tpu.memref_slice %arg13[%dma_start3A] : memref<5008xi32, #tpu.memory_space<vmem>> -> memref<5000xi32, #tpu.memory_space<vmem>>
    %dma_start3A_4 = tpu.memref_slice %arg4[%mul3A_2] : memref<160000xi32, #tpu.memory_space<hbm>> -> memref<5000xi32, #tpu.memory_space<hbm>>
    %dma_start3A_5 = arith.constant 0 : i32
    %dma_start3A_6 = tpu.memref_slice %arg13[%dma_start3A_5] : memref<5008xi32, #tpu.memory_space<vmem>> -> memref<5000xi32, #tpu.memory_space<vmem>>
    %dma_start3A_7 = tpu.memref_slice %arg4[%mul3A_2] : memref<160000xi32, #tpu.memory_space<hbm>> -> memref<5000xi32, #tpu.memory_space<hbm>>
    tpu.enqueue_dma source(%dma_start3A_7 : memref<5000xi32, #tpu.memory_space<hbm>>) target(%dma_start3A_6 : memref<5000xi32, #tpu.memory_space<vmem>>) target_semaphore(%arg18 : memref<!tpu.dma_semaphore, #tpu.memory_space<semaphore_mem>>)
    %dma_start3A_8 = arith.constant 0 : i32
    %dma_start3A_9 = tpu.memref_slice %arg14[%dma_start3A_8] : memref<5008xi32, #tpu.memory_space<vmem>> -> memref<5000xi32, #tpu.memory_space<vmem>>
    %dma_start3A_10 = tpu.memref_slice %arg5[%mul3A_2] : memref<160000xi32, #tpu.memory_space<hbm>> -> memref<5000xi32, #tpu.memory_space<hbm>>
    %dma_start3A_11 = arith.constant 0 : i32
    %dma_start3A_12 = tpu.memref_slice %arg14[%dma_start3A_11] : memref<5008xi32, #tpu.memory_space<vmem>> -> memref<5000xi32, #tpu.memory_space<vmem>>
    %dma_start3A_13 = tpu.memref_slice %arg5[%mul3A_2] : memref<160000xi32, #tpu.memory_space<hbm>> -> memref<5000xi32, #tpu.memory_space<hbm>>
    tpu.enqueue_dma source(%dma_start3A_13 : memref<5000xi32, #tpu.memory_space<hbm>>) target(%dma_start3A_12 : memref<5000xi32, #tpu.memory_space<vmem>>) target_semaphore(%arg18 : memref<!tpu.dma_semaphore, #tpu.memory_space<semaphore_mem>>)
    %dma_start3A_14 = arith.constant 0 : i32
    %dma_start3A_15 = tpu.memref_slice %arg15[%dma_start3A_14] : memref<5008xf32, #tpu.memory_space<vmem>> -> memref<5000xf32, #tpu.memory_space<vmem>>
    %dma_start3A_16 = tpu.memref_slice %arg6[%mul3A_2] : memref<160000xf32, #tpu.memory_space<hbm>> -> memref<5000xf32, #tpu.memory_space<hbm>>
    %dma_start3A_17 = arith.constant 0 : i32
    %dma_start3A_18 = tpu.memref_slice %arg15[%dma_start3A_17] : memref<5008xf32, #tpu.memory_space<vmem>> -> memref<5000xf32, #tpu.memory_space<vmem>>
    %dma_start3A_19 = tpu.memref_slice %arg6[%mul3A_2] : memref<160000xf32, #tpu.memory_space<hbm>> -> memref<5000xf32, #tpu.memory_space<hbm>>
    tpu.enqueue_dma source(%dma_start3A_19 : memref<5000xf32, #tpu.memory_space<hbm>>) target(%dma_start3A_18 : memref<5000xf32, #tpu.memory_space<vmem>>) target_semaphore(%arg18 : memref<!tpu.dma_semaphore, #tpu.memory_space<semaphore_mem>>)
    %broadcast_in_dim3A = arith.constant 0.000000e+00 : f32
    %broadcast_in_dim3A_20 = vector.broadcast %broadcast_in_dim3A : f32 to vector<16xf32>
    %broadcast_in_dim3A_21 = arith.constant 0 : i32
    %broadcast_in_dim3A_22 = vector.broadcast %broadcast_in_dim3A_21 : i32 to vector<16xi32>
    %scan3A = arith.constant 0 : i32
    %scan3A_23 = arith.constant 0 : i32
    %scan3A_24 = arith.constant 272 : i32
    %scan3A_25 = arith.addi %scan3A_23, %scan3A_24 : i32
    %scan3A_26 = arith.constant 1 : i32
    scf.for %scan3A_88 = %scan3A_23 to %scan3A_25 step %scan3A_26  : i32 {
      %mul3A_89 = arith.constant 128 : i32
      %mul3A_90 = arith.muli %scan3A_88, %mul3A_89 : i32
      %add3A_91 = arith.constant 0 : i32
      %add3A_92 = arith.addi %mul3A_90, %add3A_91 : i32
      %swap3A_93 = arith.index_cast %add3A_92 : i32 to index
      %swap3A_94 = tpu.vector_load %arg17[%swap3A_93] {strides = array<i32>} : memref<34816xf32, #tpu.memory_space<vmem>>, vector<16xf32>,
      tpu.vector_store %arg17[%swap3A_93], %broadcast_in_dim3A_20 {strides = array<i32>} : memref<34816xf32, #tpu.memory_space<vmem>>, vector<16xf32>,
      %add3A_95 = arith.constant 16 : i32
      %add3A_96 = arith.addi %mul3A_90, %add3A_95 : i32
      %swap3A_97 = arith.index_cast %add3A_96 : i32 to index
      %swap3A_98 = tpu.vector_load %arg17[%swap3A_97] {strides = array<i32>} : memref<34816xf32, #tpu.memory_space<vmem>>, vector<16xf32>,
      tpu.vector_store %arg17[%swap3A_97], %broadcast_in_dim3A_20 {strides = array<i32>} : memref<34816xf32, #tpu.memory_space<vmem>>, vector<16xf32>,
      %add3A_99 = arith.constant 32 : i32
      %add3A_100 = arith.addi %mul3A_90, %add3A_99 : i32
      %swap3A_101 = arith.index_cast %add3A_100 : i32 to index
      %swap3A_102 = tpu.vector_load %arg17[%swap3A_101] {strides = array<i32>} : memref<34816xf32, #tpu.memory_space<vmem>>, vector<16xf32>,
      tpu.vector_store %arg17[%swap3A_101], %broadcast_in_dim3A_20 {strides = array<i32>} : memref<34816xf32, #tpu.memory_space<vmem>>, vector<16xf32>,
      %add3A_103 = arith.constant 48 : i32
      %add3A_104 = arith.addi %mul3A_90, %add3A_103 : i32
      %swap3A_105 = arith.index_cast %add3A_104 : i32 to index
      %swap3A_106 = tpu.vector_load %arg17[%swap3A_105] {strides = array<i32>} : memref<34816xf32, #tpu.memory_space<vmem>>, vector<16xf32>,
      tpu.vector_store %arg17[%swap3A_105], %broadcast_in_dim3A_20 {strides = array<i32>} : memref<34816xf32, #tpu.memory_space<vmem>>, vector<16xf32>,
      %add3A_107 = arith.constant 64 : i32
      %add3A_108 = arith.addi %mul3A_90, %add3A_107 : i32
      %swap3A_109 = arith.index_cast %add3A_108 : i32 to index
      %swap3A_110 = tpu.vector_load %arg17[%swap3A_109] {strides = array<i32>} : memref<34816xf32, #tpu.memory_space<vmem>>, vector<16xf32>,
      tpu.vector_store %arg17[%swap3A_109], %broadcast_in_dim3A_20 {strides = array<i32>} : memref<34816xf32, #tpu.memory_space<vmem>>, vector<16xf32>,
      %add3A_111 = arith.constant 80 : i32
      %add3A_112 = arith.addi %mul3A_90, %add3A_111 : i32
      %swap3A_113 = arith.index_cast %add3A_112 : i32 to index
      %swap3A_114 = tpu.vector_load %arg17[%swap3A_113] {strides = array<i32>} : memref<34816xf32, #tpu.memory_space<vmem>>, vector<16xf32>,
      tpu.vector_store %arg17[%swap3A_113], %broadcast_in_dim3A_20 {strides = array<i32>} : memref<34816xf32, #tpu.memory_space<vmem>>, vector<16xf32>,
      %add3A_115 = arith.constant 96 : i32
      %add3A_116 = arith.addi %mul3A_90, %add3A_115 : i32
      %swap3A_117 = arith.index_cast %add3A_116 : i32 to index
      %swap3A_118 = tpu.vector_load %arg17[%swap3A_117] {strides = array<i32>} : memref<34816xf32, #tpu.memory_space<vmem>>, vector<16xf32>,
      tpu.vector_store %arg17[%swap3A_117], %broadcast_in_dim3A_20 {strides = array<i32>} : memref<34816xf32, #tpu.memory_space<vmem>>, vector<16xf32>,
      %add3A_119 = arith.constant 112 : i32
      %add3A_120 = arith.addi %mul3A_90, %add3A_119 : i32
      %swap3A_121 = arith.index_cast %add3A_120 : i32 to index
      %swap3A_122 = tpu.vector_load %arg17[%swap3A_121] {strides = array<i32>} : memref<34816xf32, #tpu.memory_space<vmem>>, vector<16xf32>,
      tpu.vector_store %arg17[%swap3A_121], %broadcast_in_dim3A_20 {strides = array<i32>} : memref<34816xf32, #tpu.memory_space<vmem>>, vector<16xf32>,
    }
    %scan3A_27 = arith.constant 272 : i32
    tpu.wait_dma2 semaphore(%arg18 : memref<!tpu.dma_semaphore, #tpu.memory_space<semaphore_mem>>) src(%arg2 : memref<10000xf32, #tpu.memory_space<hbm>>) dst(%arg10 : memref<10000xf32, #tpu.memory_space<vmem>>)
    tpu.wait_dma2 semaphore(%arg18 : memref<!tpu.dma_semaphore, #tpu.memory_space<semaphore_mem>>) src(%arg3 : memref<10000xf32, #tpu.memory_space<hbm>>) dst(%arg11 : memref<10000xf32, #tpu.memory_space<vmem>>)
    tpu.wait_dma2 semaphore(%arg18 : memref<!tpu.dma_semaphore, #tpu.memory_space<semaphore_mem>>) src(%arg7 : memref<10000xi32, #tpu.memory_space<hbm>>) dst(%arg12 : memref<10000xi32, #tpu.memory_space<vmem>>)
    tpu.wait_dma2 semaphore(%arg18 : memref<!tpu.dma_semaphore, #tpu.memory_space<semaphore_mem>>) src(%arg8 : memref<4096xf32, #tpu.memory_space<hbm>>) dst(%arg16 : memref<4096xf32, #tpu.memory_space<vmem>>)
    %dma_wait3A = arith.constant 0 : i32
    %dma_wait3A_28 = tpu.memref_slice %arg13[%dma_wait3A] : memref<5008xi32, #tpu.memory_space<vmem>> -> memref<5000xi32, #tpu.memory_space<vmem>>
    %dma_wait3A_29 = tpu.memref_slice %arg4[%mul3A_2] : memref<160000xi32, #tpu.memory_space<hbm>> -> memref<5000xi32, #tpu.memory_space<hbm>>
    %dma_wait3A_30 = arith.constant 0 : i32
    %dma_wait3A_31 = tpu.memref_slice %arg13[%dma_wait3A_30] : memref<5008xi32, #tpu.memory_space<vmem>> -> memref<5000xi32, #tpu.memory_space<vmem>>
    %dma_wait3A_32 = tpu.memref_slice %arg4[%mul3A_2] : memref<160000xi32, #tpu.memory_space<hbm>> -> memref<5000xi32, #tpu.memory_space<hbm>>
    tpu.wait_dma2 semaphore(%arg18 : memref<!tpu.dma_semaphore, #tpu.memory_space<semaphore_mem>>) src(%dma_wait3A_32 : memref<5000xi32, #tpu.memory_space<hbm>>) dst(%dma_wait3A_31 : memref<5000xi32, #tpu.memory_space<vmem>>)
    %dma_wait3A_33 = arith.constant 0 : i32
    %dma_wait3A_34 = tpu.memref_slice %arg14[%dma_wait3A_33] : memref<5008xi32, #tpu.memory_space<vmem>> -> memref<5000xi32, #tpu.memory_space<vmem>>
    %dma_wait3A_35 = tpu.memref_slice %arg5[%mul3A_2] : memref<160000xi32, #tpu.memory_space<hbm>> -> memref<5000xi32, #tpu.memory_space<hbm>>
    %dma_wait3A_36 = arith.constant 0 : i32
    %dma_wait3A_37 = tpu.memref_slice %arg14[%dma_wait3A_36] : memref<5008xi32, #tpu.memory_space<vmem>> -> memref<5000xi32, #tpu.memory_space<vmem>>
    %dma_wait3A_38 = tpu.memref_slice %arg5[%mul3A_2] : memref<160000xi32, #tpu.memory_space<hbm>> -> memref<5000xi32, #tpu.memory_space<hbm>>
    tpu.wait_dma2 semaphore(%arg18 : memref<!tpu.dma_semaphore, #tpu.memory_space<semaphore_mem>>) src(%dma_wait3A_38 : memref<5000xi32, #tpu.memory_space<hbm>>) dst(%dma_wait3A_37 : memref<5000xi32, #tpu.memory_space<vmem>>)
    %dma_wait3A_39 = arith.constant 0 : i32
    %dma_wait3A_40 = tpu.memref_slice %arg15[%dma_wait3A_39] : memref<5008xf32, #tpu.memory_space<vmem>> -> memref<5000xf32, #tpu.memory_space<vmem>>
    %dma_wait3A_41 = tpu.memref_slice %arg6[%mul3A_2] : memref<160000xf32, #tpu.memory_space<hbm>> -> memref<5000xf32, #tpu.memory_space<hbm>>
    %dma_wait3A_42 = arith.constant 0 : i32
    %dma_wait3A_43 = tpu.memref_slice %arg15[%dma_wait3A_42] : memref<5008xf32, #tpu.memory_space<vmem>> -> memref<5000xf32, #tpu.memory_space<vmem>>
    %dma_wait3A_44 = tpu.memref_slice %arg6[%mul3A_2] : memref<160000xf32, #tpu.memory_space<hbm>> -> memref<5000xf32, #tpu.memory_space<hbm>>
    tpu.wait_dma2 semaphore(%arg18 : memref<!tpu.dma_semaphore, #tpu.memory_space<semaphore_mem>>) src(%dma_wait3A_44 : memref<5000xf32, #tpu.memory_space<hbm>>) dst(%dma_wait3A_43 : memref<5000xf32, #tpu.memory_space<vmem>>)
    %swap3A = arith.constant 4992 : index
    %swap3A_45 = tpu.vector_load %arg13[%swap3A] {strides = array<i32>} : memref<5008xi32, #tpu.memory_space<vmem>>, vector<16xi32>,
    tpu.vector_store %arg13[%swap3A], %broadcast_in_dim3A_22 {strides = array<i32>} : memref<5008xi32, #tpu.memory_space<vmem>>, vector<16xi32>,
    %swap3A_46 = arith.constant 4992 : index
    %swap3A_47 = tpu.vector_load %arg14[%swap3A_46] {strides = array<i32>} : memref<5008xi32, #tpu.memory_space<vmem>>, vector<16xi32>,
    tpu.vector_store %arg14[%swap3A_46], %broadcast_in_dim3A_22 {strides = array<i32>} : memref<5008xi32, #tpu.memory_space<vmem>>, vector<16xi32>,
    %swap3A_48 = arith.constant 4992 : index
    %swap3A_49 = tpu.vector_load %arg15[%swap3A_48] {strides = array<i32>} : memref<5008xf32, #tpu.memory_space<vmem>>, vector<16xf32>,
    tpu.vector_store %arg15[%swap3A_48], %broadcast_in_dim3A_20 {strides = array<i32>} : memref<5008xf32, #tpu.memory_space<vmem>>, vector<16xf32>,
    %broadcast_in_dim3A_50 = arith.constant 1.000000e+00 : f32
    %broadcast_in_dim3A_51 = vector.broadcast %broadcast_in_dim3A_50 : f32 to vector<16xf32>
    %mul3A_52 = arith.constant 320 : i32
    %mul3A_53 = arith.muli %add3A, %mul3A_52 : i32
    %sub3A = arith.constant 10000 : i32
    %sub3A_54 = arith.subi %sub3A, %mul3A_53 : i32
    %min3A = arith.constant 320 : i32
    %min3A_55 = arith.minsi %sub3A_54, %min3A : i32
    %jit3A = arith.constant 16 : i32
    %div3A = arith.divsi %min3A_55, %jit3A : i32
    %sign3A = arith.constant 0 : i32
    %sign3A_56 = arith.cmpi sgt, %min3A_55, %sign3A : i32
    %sign3A_57 = arith.extui %sign3A_56 : i1 to i32
    %sign3A_58 = arith.constant 0 : i32
    %sign3A_59 = arith.cmpi slt, %min3A_55, %sign3A_58 : i32
    %sign3A_60 = arith.extui %sign3A_59 : i1 to i32
    %sign3A_61 = arith.subi %sign3A_57, %sign3A_60 : i32
    %sign3A_62 = arith.constant 0 : i32
    %sign3A_63 = arith.cmpi sgt, %jit3A, %sign3A_62 : i32
    %sign3A_64 = arith.extui %sign3A_63 : i1 to i32
    %sign3A_65 = arith.constant 0 : i32
    %sign3A_66 = arith.cmpi slt, %jit3A, %sign3A_65 : i32
    %sign3A_67 = arith.extui %sign3A_66 : i1 to i32
    %sign3A_68 = arith.subi %sign3A_64, %sign3A_67 : i32
    %ne3A = arith.cmpi ne, %sign3A_61, %sign3A_68 : i32
    %rem3A = arith.remsi %min3A_55, %jit3A : i32
    %ne3A_69 = arith.constant 0 : i32
    %ne3A_70 = arith.cmpi ne, %rem3A, %ne3A_69 : i32
    %and3A = arith.andi %ne3A, %ne3A_70 : i1
    %sub3A_71 = arith.constant 1 : i32
    %sub3A_72 = arith.subi %div3A, %sub3A_71 : i32
    %select_n3A = arith.select %and3A, %sub3A_72, %div3A : i32
    %while3A = arith.constant 0 : i32
    %while3A_73 = arith.constant 0 : i32
    %while3A_74 = arith.subi %select_n3A, %while3A_73 : i32
    %while3A_75 = arith.addi %while3A_73, %while3A_74 : i32
    %while3A_76 = arith.constant 1 : i32
    %while3A_77 = arith.divsi %while3A_74, %while3A_76 : i32
    %while3A_78 = arith.muli %while3A_77, %while3A_76 : i32
    %while3A_79 = arith.addi %while3A_73, %while3A_78 : i32
    %while3A_80 = arith.constant 1 : i32
    scf.for %while3A_88 = %while3A_73 to %while3A_79 step %while3A_80  : i32 {
      %mul3A_89 = arith.constant 16 : i32
      %mul3A_90 = arith.muli %while3A_88, %mul3A_89 : i32
      %add3A_91 = arith.addi %mul3A_53, %mul3A_90 : i32
      %get3A = arith.index_cast %add3A_91 : i32 to index
      %get3A_92 = tpu.vector_load %arg10[%get3A] {strides = array<i32>} : memref<10000xf32, #tpu.memory_space<vmem>>, vector<16xf32>,
      %get3A_93 = arith.index_cast %add3A_91 : i32 to index
      %get3A_94 = tpu.vector_load %arg11[%get3A_93] {strides = array<i32>} : memref<10000xf32, #tpu.memory_space<vmem>>, vector<16xf32>,
      %get3A_95 = arith.index_cast %add3A_91 : i32 to index
      %get3A_96 = tpu.vector_load %arg12[%get3A_95] {strides = array<i32>} : memref<10000xi32, #tpu.memory_space<vmem>>, vector<16xi32>,
      %shift_left3A = arith.constant 4 : i32
      %shift_left3A_97 = vector.broadcast %shift_left3A : i32 to vector<16xi32>
      %shift_left3A_98 = arith.shli %get3A_96, %shift_left3A_97 : vector<16xi32>
      %mul3A_99 = arith.constant 0.000000e+00 : f32
      %mul3A_100 = vector.broadcast %mul3A_99 : f32 to vector<16xf32>
      %mul3A_101 = arith.mulf %get3A_92, %mul3A_100 : vector<16xf32>
      %mul3A_102 = arith.constant 1.000000e+00 : f32
      %mul3A_103 = vector.broadcast %mul3A_102 : f32 to vector<16xf32>
      %mul3A_104 = arith.mulf %get3A_94, %mul3A_103 : vector<16xf32>
      %add3A_105 = arith.addf %mul3A_101, %mul3A_104 : vector<16xf32>
      %mul3A_106 = arith.constant 27927.2734 : f32
      %mul3A_107 = vector.broadcast %mul3A_106 : f32 to vector<16xf32>
      %mul3A_108 = arith.mulf %add3A_105, %mul3A_107 : vector<16xf32>
      %add3A_109 = arith.constant 3.276800e+04 : f32
      %add3A_110 = vector.broadcast %add3A_109 : f32 to vector<16xf32>
      %add3A_111 = arith.addf %mul3A_108, %add3A_110 : vector<16xf32>
      %max3A = arith.constant 0.000000e+00 : f32
      %max3A_112 = vector.broadcast %max3A : f32 to vector<16xf32>
      %max3A_113 = arith.maximumf %add3A_111, %max3A_112 : vector<16xf32>
      %min3A_114 = arith.constant 6.553500e+04 : f32
      %min3A_115 = vector.broadcast %min3A_114 : f32 to vector<16xf32>
      %min3A_116 = arith.minimumf %max3A_113, %min3A_115 : vector<16xf32>
      %convert_element_type3A = arith.fptosi %min3A_116 : vector<16xf32> to vector<16xi32>
      %shift_right_logical3A = arith.constant 12 : i32
      %shift_right_logical3A_117 = vector.broadcast %shift_right_logical3A : i32 to vector<16xi32>
      %shift_right_logical3A_118 = arith.shrui %convert_element_type3A, %shift_right_logical3A_117 : vector<16xi32>
      %and3A_119 = arith.constant 4095 : i32
      %and3A_120 = vector.broadcast %and3A_119 : i32 to vector<16xi32>
      %and3A_121 = arith.andi %convert_element_type3A, %and3A_120 : vector<16xi32>
      %gather3A = tpu.vector_load_idx %arg16[%and3A_121] : memref<4096xf32, #tpu.memory_space<vmem>>[vector<16xi32>], vector<16xf32>,
      %shift_left3A_122 = arith.constant 11 : i32
      %shift_left3A_123 = vector.broadcast %shift_left3A_122 : i32 to vector<16xi32>
      %shift_left3A_124 = arith.shli %shift_right_logical3A_118, %shift_left3A_123 : vector<16xi32>
      %add3A_125 = arith.constant 0 : i32
      %add3A_126 = vector.broadcast %add3A_125 : i32 to vector<16xi32>
      %add3A_127 = arith.addi %shift_left3A_98, %add3A_126 : vector<16xi32>
      %add3A_128 = arith.addi %shift_left3A_124, %add3A_127 : vector<16xi32>
      %add3A_129 = arith.constant 2048 : i32
      %add3A_130 = vector.broadcast %add3A_129 : i32 to vector<16xi32>
      %add3A_131 = arith.addi %add3A_128, %add3A_130 : vector<16xi32>
      %sub3A_132 = arith.subf %broadcast_in_dim3A_51, %gather3A : vector<16xf32>
      %gt3A = arith.constant 0.000000e+00 : f32
      %gt3A_133 = vector.broadcast %gt3A : f32 to vector<16xf32>
      %gt3A_134 = arith.cmpf ogt, %gather3A, %gt3A_133 : vector<16xf32>
      tpu.vector_store_idx %arg17[%add3A_128], %gather3A masked %gt3A_134 {add = true} : memref<34816xf32, #tpu.memory_space<vmem>>[vector<16xi32>], vector<16xf32>, vector<16xi1>
      %gt3A_135 = arith.constant 0.000000e+00 : f32
      %gt3A_136 = vector.broadcast %gt3A_135 : f32 to vector<16xf32>
      %gt3A_137 = arith.cmpf ogt, %sub3A_132, %gt3A_136 : vector<16xf32>
      %lt3A = arith.constant 32768 : i32
      %lt3A_138 = vector.broadcast %lt3A : i32 to vector<16xi32>
      %lt3A_139 = arith.cmpi slt, %add3A_131, %lt3A_138 : vector<16xi32>
      %and3A_140 = arith.andi %gt3A_137, %lt3A_139 : vector<16xi1>
      tpu.vector_store_idx %arg17[%add3A_131], %sub3A_132 masked %and3A_140 {add = true} : memref<34816xf32, #tpu.memory_space<vmem>>[vector<16xi32>], vector<16xf32>, vector<16xi1>
      %mul3A_141 = arith.constant 0.406736642 : f32
      %mul3A_142 = vector.broadcast %mul3A_141 : f32 to vector<16xf32>
      %mul3A_143 = arith.mulf %get3A_92, %mul3A_142 : vector<16xf32>
      %mul3A_144 = arith.constant 0.913545429 : f32
      %mul3A_145 = vector.broadcast %mul3A_144 : f32 to vector<16xf32>
      %mul3A_146 = arith.mulf %get3A_94, %mul3A_145 : vector<16xf32>
      %add3A_147 = arith.addf %mul3A_143, %mul3A_146 : vector<16xf32>
      %mul3A_148 = arith.constant 27927.2734 : f32
      %mul3A_149 = vector.broadcast %mul3A_148 : f32 to vector<16xf32>
      %mul3A_150 = arith.mulf %add3A_147, %mul3A_149 : vector<16xf32>
      %add3A_151 = arith.constant 3.276800e+04 : f32
      %add3A_152 = vector.broadcast %add3A_151 : f32 to vector<16xf32>
      %add3A_153 = arith.addf %mul3A_150, %add3A_152 : vector<16xf32>
      %max3A_154 = arith.constant 0.000000e+00 : f32
      %max3A_155 = vector.broadcast %max3A_154 : f32 to vector<16xf32>
      %max3A_156 = arith.maximumf %add3A_153, %max3A_155 : vector<16xf32>
      %min3A_157 = arith.constant 6.553500e+04 : f32
      %min3A_158 = vector.broadcast %min3A_157 : f32 to vector<16xf32>
      %min3A_159 = arith.minimumf %max3A_156, %min3A_158 : vector<16xf32>
      %convert_element_type3A_160 = arith.fptosi %min3A_159 : vector<16xf32> to vector<16xi32>
      %shift_right_logical3A_161 = arith.constant 12 : i32
      %shift_right_logical3A_162 = vector.broadcast %shift_right_logical3A_161 : i32 to vector<16xi32>
      %shift_right_logical3A_163 = arith.shrui %convert_element_type3A_160, %shift_right_logical3A_162 : vector<16xi32>
      %and3A_164 = arith.constant 4095 : i32
      %and3A_165 = vector.broadcast %and3A_164 : i32 to vector<16xi32>
      %and3A_166 = arith.andi %convert_element_type3A_160, %and3A_165 : vector<16xi32>
      %gather3A_167 = tpu.vector_load_idx %arg16[%and3A_166] : memref<4096xf32, #tpu.memory_space<vmem>>[vector<16xi32>], vector<16xf32>,
      %shift_left3A_168 = arith.constant 11 : i32
      %shift_left3A_169 = vector.broadcast %shift_left3A_168 : i32 to vector<16xi32>
      %shift_left3A_170 = arith.shli %shift_right_logical3A_163, %shift_left3A_169 : vector<16xi32>
      %add3A_171 = arith.constant 1 : i32
      %add3A_172 = vector.broadcast %add3A_171 : i32 to vector<16xi32>
      %add3A_173 = arith.addi %shift_left3A_98, %add3A_172 : vector<16xi32>
      %add3A_174 = arith.addi %shift_left3A_170, %add3A_173 : vector<16xi32>
      %add3A_175 = arith.constant 2048 : i32
      %add3A_176 = vector.broadcast %add3A_175 : i32 to vector<16xi32>
      %add3A_177 = arith.addi %add3A_174, %add3A_176 : vector<16xi32>
      %sub3A_178 = arith.subf %broadcast_in_dim3A_51, %gather3A_167 : vector<16xf32>
      %gt3A_179 = arith.constant 0.000000e+00 : f32
      %gt3A_180 = vector.broadcast %gt3A_179 : f32 to vector<16xf32>
      %gt3A_181 = arith.cmpf ogt, %gather3A_167, %gt3A_180 : vector<16xf32>
      tpu.vector_store_idx %arg17[%add3A_174], %gather3A_167 masked %gt3A_181 {add = true} : memref<34816xf32, #tpu.memory_space<vmem>>[vector<16xi32>], vector<16xf32>, vector<16xi1>
      %gt3A_182 = arith.constant 0.000000e+00 : f32
      %gt3A_183 = vector.broadcast %gt3A_182 : f32 to vector<16xf32>
      %gt3A_184 = arith.cmpf ogt, %sub3A_178, %gt3A_183 : vector<16xf32>
      %lt3A_185 = arith.constant 32768 : i32
      %lt3A_186 = vector.broadcast %lt3A_185 : i32 to vector<16xi32>
      %lt3A_187 = arith.cmpi slt, %add3A_177, %lt3A_186 : vector<16xi32>
      %and3A_188 = arith.andi %gt3A_184, %lt3A_187 : vector<16xi1>
      tpu.vector_store_idx %arg17[%add3A_177], %sub3A_178 masked %and3A_188 {add = true} : memref<34816xf32, #tpu.memory_space<vmem>>[vector<16xi32>], vector<16xf32>, vector<16xi1>
      %mul3A_189 = arith.constant 0.74314487 : f32
      %mul3A_190 = vector.broadcast %mul3A_189 : f32 to vector<16xf32>
      %mul3A_191 = arith.mulf %get3A_92, %mul3A_190 : vector<16xf32>
      %mul3A_192 = arith.constant 0.669130564 : f32
      %mul3A_193 = vector.broadcast %mul3A_192 : f32 to vector<16xf32>
      %mul3A_194 = arith.mulf %get3A_94, %mul3A_193 : vector<16xf32>
      %add3A_195 = arith.addf %mul3A_191, %mul3A_194 : vector<16xf32>
      %mul3A_196 = arith.constant 27927.2734 : f32
      %mul3A_197 = vector.broadcast %mul3A_196 : f32 to vector<16xf32>
      %mul3A_198 = arith.mulf %add3A_195, %mul3A_197 : vector<16xf32>
      %add3A_199 = arith.constant 3.276800e+04 : f32
      %add3A_200 = vector.broadcast %add3A_199 : f32 to vector<16xf32>
      %add3A_201 = arith.addf %mul3A_198, %add3A_200 : vector<16xf32>
      %max3A_202 = arith.constant 0.000000e+00 : f32
      %max3A_203 = vector.broadcast %max3A_202 : f32 to vector<16xf32>
      %max3A_204 = arith.maximumf %add3A_201, %max3A_203 : vector<16xf32>
      %min3A_205 = arith.constant 6.553500e+04 : f32
      %min3A_206 = vector.broadcast %min3A_205 : f32 to vector<16xf32>
      %min3A_207 = arith.minimumf %max3A_204, %min3A_206 : vector<16xf32>
      %convert_element_type3A_208 = arith.fptosi %min3A_207 : vector<16xf32> to vector<16xi32>
      %shift_right_logical3A_209 = arith.constant 12 : i32
      %shift_right_logical3A_210 = vector.broadcast %shift_right_logical3A_209 : i32 to vector<16xi32>
      %shift_right_logical3A_211 = arith.shrui %convert_element_type3A_208, %shift_right_logical3A_210 : vector<16xi32>
      %and3A_212 = arith.constant 4095 : i32
      %and3A_213 = vector.broadcast %and3A_212 : i32 to vector<16xi32>
      %and3A_214 = arith.andi %convert_element_type3A_208, %and3A_213 : vector<16xi32>
      %gather3A_215 = tpu.vector_load_idx %arg16[%and3A_214] : memref<4096xf32, #tpu.memory_space<vmem>>[vector<16xi32>], vector<16xf32>,
      %shift_left3A_216 = arith.constant 11 : i32
      %shift_left3A_217 = vector.broadcast %shift_left3A_216 : i32 to vector<16xi32>
      %shift_left3A_218 = arith.shli %shift_right_logical3A_211, %shift_left3A_217 : vector<16xi32>
      %add3A_219 = arith.constant 2 : i32
      %add3A_220 = vector.broadcast %add3A_219 : i32 to vector<16xi32>
      %add3A_221 = arith.addi %shift_left3A_98, %add3A_220 : vector<16xi32>
      %add3A_222 = arith.addi %shift_left3A_218, %add3A_221 : vector<16xi32>
      %add3A_223 = arith.constant 2048 : i32
      %add3A_224 = vector.broadcast %add3A_223 : i32 to vector<16xi32>
      %add3A_225 = arith.addi %add3A_222, %add3A_224 : vector<16xi32>
      %sub3A_226 = arith.subf %broadcast_in_dim3A_51, %gather3A_215 : vector<16xf32>
      %gt3A_227 = arith.constant 0.000000e+00 : f32
      %gt3A_228 = vector.broadcast %gt3A_227 : f32 to vector<16xf32>
      %gt3A_229 = arith.cmpf ogt, %gather3A_215, %gt3A_228 : vector<16xf32>
      tpu.vector_store_idx %arg17[%add3A_222], %gather3A_215 masked %gt3A_229 {add = true} : memref<34816xf32, #tpu.memory_space<vmem>>[vector<16xi32>], vector<16xf32>, vector<16xi1>
      %gt3A_230 = arith.constant 0.000000e+00 : f32
      %gt3A_231 = vector.broadcast %gt3A_230 : f32 to vector<16xf32>
      %gt3A_232 = arith.cmpf ogt, %sub3A_226, %gt3A_231 : vector<16xf32>
      %lt3A_233 = arith.constant 32768 : i32
      %lt3A_234 = vector.broadcast %lt3A_233 : i32 to vector<16xi32>
      %lt3A_235 = arith.cmpi slt, %add3A_225, %lt3A_234 : vector<16xi32>
      %and3A_236 = arith.andi %gt3A_232, %lt3A_235 : vector<16xi1>
      tpu.vector_store_idx %arg17[%add3A_225], %sub3A_226 masked %and3A_236 {add = true} : memref<34816xf32, #tpu.memory_space<vmem>>[vector<16xi32>], vector<16xf32>, vector<16xi1>
      %mul3A_237 = arith.constant 0.95105654 : f32
      %mul3A_238 = vector.broadcast %mul3A_237 : f32 to vector<16xf32>
      %mul3A_239 = arith.mulf %get3A_92, %mul3A_238 : vector<16xf32>
      %mul3A_240 = arith.constant 0.309016973 : f32
      %mul3A_241 = vector.broadcast %mul3A_240 : f32 to vector<16xf32>
      %mul3A_242 = arith.mulf %get3A_94, %mul3A_241 : vector<16xf32>
      %add3A_243 = arith.addf %mul3A_239, %mul3A_242 : vector<16xf32>
      %mul3A_244 = arith.constant 27927.2734 : f32
      %mul3A_245 = vector.broadcast %mul3A_244 : f32 to vector<16xf32>
      %mul3A_246 = arith.mulf %add3A_243, %mul3A_245 : vector<16xf32>
      %add3A_247 = arith.constant 3.276800e+04 : f32
      %add3A_248 = vector.broadcast %add3A_247 : f32 to vector<16xf32>
      %add3A_249 = arith.addf %mul3A_246, %add3A_248 : vector<16xf32>
      %max3A_250 = arith.constant 0.000000e+00 : f32
      %max3A_251 = vector.broadcast %max3A_250 : f32 to vector<16xf32>
      %max3A_252 = arith.maximumf %add3A_249, %max3A_251 : vector<16xf32>
      %min3A_253 = arith.constant 6.553500e+04 : f32
      %min3A_254 = vector.broadcast %min3A_253 : f32 to vector<16xf32>
      %min3A_255 = arith.minimumf %max3A_252, %min3A_254 : vector<16xf32>
      %convert_element_type3A_256 = arith.fptosi %min3A_255 : vector<16xf32> to vector<16xi32>
      %shift_right_logical3A_257 = arith.constant 12 : i32
      %shift_right_logical3A_258 = vector.broadcast %shift_right_logical3A_257 : i32 to vector<16xi32>
      %shift_right_logical3A_259 = arith.shrui %convert_element_type3A_256, %shift_right_logical3A_258 : vector<16xi32>
      %and3A_260 = arith.constant 4095 : i32
      %and3A_261 = vector.broadcast %and3A_260 : i32 to vector<16xi32>
      %and3A_262 = arith.andi %convert_element_type3A_256, %and3A_261 : vector<16xi32>
      %gather3A_263 = tpu.vector_load_idx %arg16[%and3A_262] : memref<4096xf32, #tpu.memory_space<vmem>>[vector<16xi32>], vector<16xf32>,
      %shift_left3A_264 = arith.constant 11 : i32
      %shift_left3A_265 = vector.broadcast %shift_left3A_264 : i32 to vector<16xi32>
      %shift_left3A_266 = arith.shli %shift_right_logical3A_259, %shift_left3A_265 : vector<16xi32>
      %add3A_267 = arith.constant 3 : i32
      %add3A_268 = vector.broadcast %add3A_267 : i32 to vector<16xi32>
      %add3A_269 = arith.addi %shift_left3A_98, %add3A_268 : vector<16xi32>
      %add3A_270 = arith.addi %shift_left3A_266, %add3A_269 : vector<16xi32>
      %add3A_271 = arith.constant 2048 : i32
      %add3A_272 = vector.broadcast %add3A_271 : i32 to vector<16xi32>
      %add3A_273 = arith.addi %add3A_270, %add3A_272 : vector<16xi32>
      %sub3A_274 = arith.subf %broadcast_in_dim3A_51, %gather3A_263 : vector<16xf32>
      %gt3A_275 = arith.constant 0.000000e+00 : f32
      %gt3A_276 = vector.broadcast %gt3A_275 : f32 to vector<16xf32>
      %gt3A_277 = arith.cmpf ogt, %gather3A_263, %gt3A_276 : vector<16xf32>
      tpu.vector_store_idx %arg17[%add3A_270], %gather3A_263 masked %gt3A_277 {add = true} : memref<34816xf32, #tpu.memory_space<vmem>>[vector<16xi32>], vector<16xf32>, vector<16xi1>
      %gt3A_278 = arith.constant 0.000000e+00 : f32
      %gt3A_279 = vector.broadcast %gt3A_278 : f32 to vector<16xf32>
      %gt3A_280 = arith.cmpf ogt, %sub3A_274, %gt3A_279 : vector<16xf32>
      %lt3A_281 = arith.constant 32768 : i32
      %lt3A_282 = vector.broadcast %lt3A_281 : i32 to vector<16xi32>
      %lt3A_283 = arith.cmpi slt, %add3A_273, %lt3A_282 : vector<16xi32>
      %and3A_284 = arith.andi %gt3A_280, %lt3A_283 : vector<16xi1>
      tpu.vector_store_idx %arg17[%add3A_273], %sub3A_274 masked %and3A_284 {add = true} : memref<34816xf32, #tpu.memory_space<vmem>>[vector<16xi32>], vector<16xf32>, vector<16xi1>
      %mul3A_285 = arith.constant 0.994521915 : f32
      %mul3A_286 = vector.broadcast %mul3A_285 : f32 to vector<16xf32>
      %mul3A_287 = arith.mulf %get3A_92, %mul3A_286 : vector<16xf32>
      %mul3A_288 = arith.constant -0.104528509 : f32
      %mul3A_289 = vector.broadcast %mul3A_288 : f32 to vector<16xf32>
      %mul3A_290 = arith.mulf %get3A_94, %mul3A_289 : vector<16xf32>
      %add3A_291 = arith.addf %mul3A_287, %mul3A_290 : vector<16xf32>
      %mul3A_292 = arith.constant 27927.2734 : f32
      %mul3A_293 = vector.broadcast %mul3A_292 : f32 to vector<16xf32>
      %mul3A_294 = arith.mulf %add3A_291, %mul3A_293 : vector<16xf32>
      %add3A_295 = arith.constant 3.276800e+04 : f32
      %add3A_296 = vector.broadcast %add3A_295 : f32 to vector<16xf32>
      %add3A_297 = arith.addf %mul3A_294, %add3A_296 : vector<16xf32>
      %max3A_298 = arith.constant 0.000000e+00 : f32
      %max3A_299 = vector.broadcast %max3A_298 : f32 to vector<16xf32>
      %max3A_300 = arith.maximumf %add3A_297, %max3A_299 : vector<16xf32>
      %min3A_301 = arith.constant 6.553500e+04 : f32
      %min3A_302 = vector.broadcast %min3A_301 : f32 to vector<16xf32>
      %min3A_303 = arith.minimumf %max3A_300, %min3A_302 : vector<16xf32>
      %convert_element_type3A_304 = arith.fptosi %min3A_303 : vector<16xf32> to vector<16xi32>
      %shift_right_logical3A_305 = arith.constant 12 : i32
      %shift_right_logical3A_306 = vector.broadcast %shift_right_logical3A_305 : i32 to vector<16xi32>
      %shift_right_logical3A_307 = arith.shrui %convert_element_type3A_304, %shift_right_logical3A_306 : vector<16xi32>
      %and3A_308 = arith.constant 4095 : i32
      %and3A_309 = vector.broadcast %and3A_308 : i32 to vector<16xi32>
      %and3A_310 = arith.andi %convert_element_type3A_304, %and3A_309 : vector<16xi32>
      %gather3A_311 = tpu.vector_load_idx %arg16[%and3A_310] : memref<4096xf32, #tpu.memory_space<vmem>>[vector<16xi32>], vector<16xf32>,
      %shift_left3A_312 = arith.constant 11 : i32
      %shift_left3A_313 = vector.broadcast %shift_left3A_312 : i32 to vector<16xi32>
      %shift_left3A_314 = arith.shli %shift_right_logical3A_307, %shift_left3A_313 : vector<16xi32>
      %add3A_315 = arith.constant 4 : i32
      %add3A_316 = vector.broadcast %add3A_315 : i32 to vector<16xi32>
      %add3A_317 = arith.addi %shift_left3A_98, %add3A_316 : vector<16xi32>
      %add3A_318 = arith.addi %shift_left3A_314, %add3A_317 : vector<16xi32>
      %add3A_319 = arith.constant 2048 : i32
      %add3A_320 = vector.broadcast %add3A_319 : i32 to vector<16xi32>
      %add3A_321 = arith.addi %add3A_318, %add3A_320 : vector<16xi32>
      %sub3A_322 = arith.subf %broadcast_in_dim3A_51, %gather3A_311 : vector<16xf32>
      %gt3A_323 = arith.constant 0.000000e+00 : f32
      %gt3A_324 = vector.broadcast %gt3A_323 : f32 to vector<16xf32>
      %gt3A_325 = arith.cmpf ogt, %gather3A_311, %gt3A_324 : vector<16xf32>
      tpu.vector_store_idx %arg17[%add3A_318], %gather3A_311 masked %gt3A_325 {add = true} : memref<34816xf32, #tpu.memory_space<vmem>>[vector<16xi32>], vector<16xf32>, vector<16xi1>
      %gt3A_326 = arith.constant 0.000000e+00 : f32
      %gt3A_327 = vector.broadcast %gt3A_326 : f32 to vector<16xf32>
      %gt3A_328 = arith.cmpf ogt, %sub3A_322, %gt3A_327 : vector<16xf32>
      %lt3A_329 = arith.constant 32768 : i32
      %lt3A_330 = vector.broadcast %lt3A_329 : i32 to vector<16xi32>
      %lt3A_331 = arith.cmpi slt, %add3A_321, %lt3A_330 : vector<16xi32>
      %and3A_332 = arith.andi %gt3A_328, %lt3A_331 : vector<16xi1>
      tpu.vector_store_idx %arg17[%add3A_321], %sub3A_322 masked %and3A_332 {add = true} : memref<34816xf32, #tpu.memory_space<vmem>>[vector<16xi32>], vector<16xf32>, vector<16xi1>
      %mul3A_333 = arith.constant 0.866025388 : f32
      %mul3A_334 = vector.broadcast %mul3A_333 : f32 to vector<16xf32>
      %mul3A_335 = arith.mulf %get3A_92, %mul3A_334 : vector<16xf32>
      %mul3A_336 = arith.constant -0.50000006 : f32
      %mul3A_337 = vector.broadcast %mul3A_336 : f32 to vector<16xf32>
      %mul3A_338 = arith.mulf %get3A_94, %mul3A_337 : vector<16xf32>
      %add3A_339 = arith.addf %mul3A_335, %mul3A_338 : vector<16xf32>
      %mul3A_340 = arith.constant 27927.2734 : f32
      %mul3A_341 = vector.broadcast %mul3A_340 : f32 to vector<16xf32>
      %mul3A_342 = arith.mulf %add3A_339, %mul3A_341 : vector<16xf32>
      %add3A_343 = arith.constant 3.276800e+04 : f32
      %add3A_344 = vector.broadcast %add3A_343 : f32 to vector<16xf32>
      %add3A_345 = arith.addf %mul3A_342, %add3A_344 : vector<16xf32>
      %max3A_346 = arith.constant 0.000000e+00 : f32
      %max3A_347 = vector.broadcast %max3A_346 : f32 to vector<16xf32>
      %max3A_348 = arith.maximumf %add3A_345, %max3A_347 : vector<16xf32>
      %min3A_349 = arith.constant 6.553500e+04 : f32
      %min3A_350 = vector.broadcast %min3A_349 : f32 to vector<16xf32>
      %min3A_351 = arith.minimumf %max3A_348, %min3A_350 : vector<16xf32>
      %convert_element_type3A_352 = arith.fptosi %min3A_351 : vector<16xf32> to vector<16xi32>
      %shift_right_logical3A_353 = arith.constant 12 : i32
      %shift_right_logical3A_354 = vector.broadcast %shift_right_logical3A_353 : i32 to vector<16xi32>
      %shift_right_logical3A_355 = arith.shrui %convert_element_type3A_352, %shift_right_logical3A_354 : vector<16xi32>
      %and3A_356 = arith.constant 4095 : i32
      %and3A_357 = vector.broadcast %and3A_356 : i32 to vector<16xi32>
      %and3A_358 = arith.andi %convert_element_type3A_352, %and3A_357 : vector<16xi32>
      %gather3A_359 = tpu.vector_load_idx %arg16[%and3A_358] : memref<4096xf32, #tpu.memory_space<vmem>>[vector<16xi32>], vector<16xf32>,
      %shift_left3A_360 = arith.constant 11 : i32
      %shift_left3A_361 = vector.broadcast %shift_left3A_360 : i32 to vector<16xi32>
      %shift_left3A_362 = arith.shli %shift_right_logical3A_355, %shift_left3A_361 : vector<16xi32>
      %add3A_363 = arith.constant 5 : i32
      %add3A_364 = vector.broadcast %add3A_363 : i32 to vector<16xi32>
      %add3A_365 = arith.addi %shift_left3A_98, %add3A_364 : vector<16xi32>
      %add3A_366 = arith.addi %shift_left3A_362, %add3A_365 : vector<16xi32>
      %add3A_367 = arith.constant 2048 : i32
      %add3A_368 = vector.broadcast %add3A_367 : i32 to vector<16xi32>
      %add3A_369 = arith.addi %add3A_366, %add3A_368 : vector<16xi32>
      %sub3A_370 = arith.subf %broadcast_in_dim3A_51, %gather3A_359 : vector<16xf32>
      %gt3A_371 = arith.constant 0.000000e+00 : f32
      %gt3A_372 = vector.broadcast %gt3A_371 : f32 to vector<16xf32>
      %gt3A_373 = arith.cmpf ogt, %gather3A_359, %gt3A_372 : vector<16xf32>
      tpu.vector_store_idx %arg17[%add3A_366], %gather3A_359 masked %gt3A_373 {add = true} : memref<34816xf32, #tpu.memory_space<vmem>>[vector<16xi32>], vector<16xf32>, vector<16xi1>
      %gt3A_374 = arith.constant 0.000000e+00 : f32
      %gt3A_375 = vector.broadcast %gt3A_374 : f32 to vector<16xf32>
      %gt3A_376 = arith.cmpf ogt, %sub3A_370, %gt3A_375 : vector<16xf32>
      %lt3A_377 = arith.constant 32768 : i32
      %lt3A_378 = vector.broadcast %lt3A_377 : i32 to vector<16xi32>
      %lt3A_379 = arith.cmpi slt, %add3A_369, %lt3A_378 : vector<16xi32>
      %and3A_380 = arith.andi %gt3A_376, %lt3A_379 : vector<16xi1>
      tpu.vector_store_idx %arg17[%add3A_369], %sub3A_370 masked %and3A_380 {add = true} : memref<34816xf32, #tpu.memory_space<vmem>>[vector<16xi32>], vector<16xf32>, vector<16xi1>
      %mul3A_381 = arith.constant 0.587785244 : f32
      %mul3A_382 = vector.broadcast %mul3A_381 : f32 to vector<16xf32>
      %mul3A_383 = arith.mulf %get3A_92, %mul3A_382 : vector<16xf32>
      %mul3A_384 = arith.constant -8.090170e-01 : f32
      %mul3A_385 = vector.broadcast %mul3A_384 : f32 to vector<16xf32>
      %mul3A_386 = arith.mulf %get3A_94, %mul3A_385 : vector<16xf32>
      %add3A_387 = arith.addf %mul3A_383, %mul3A_386 : vector<16xf32>
      %mul3A_388 = arith.constant 27927.2734 : f32
      %mul3A_389 = vector.broadcast %mul3A_388 : f32 to vector<16xf32>
      %mul3A_390 = arith.mulf %add3A_387, %mul3A_389 : vector<16xf32>
      %add3A_391 = arith.constant 3.276800e+04 : f32
      %add3A_392 = vector.broadcast %add3A_391 : f32 to vector<16xf32>
      %add3A_393 = arith.addf %mul3A_390, %add3A_392 : vector<16xf32>
      %max3A_394 = arith.constant 0.000000e+00 : f32
      %max3A_395 = vector.broadcast %max3A_394 : f32 to vector<16xf32>
      %max3A_396 = arith.maximumf %add3A_393, %max3A_395 : vector<16xf32>
      %min3A_397 = arith.constant 6.553500e+04 : f32
      %min3A_398 = vector.broadcast %min3A_397 : f32 to vector<16xf32>
      %min3A_399 = arith.minimumf %max3A_396, %min3A_398 : vector<16xf32>
      %convert_element_type3A_400 = arith.fptosi %min3A_399 : vector<16xf32> to vector<16xi32>
      %shift_right_logical3A_401 = arith.constant 12 : i32
      %shift_right_logical3A_402 = vector.broadcast %shift_right_logical3A_401 : i32 to vector<16xi32>
      %shift_right_logical3A_403 = arith.shrui %convert_element_type3A_400, %shift_right_logical3A_402 : vector<16xi32>
      %and3A_404 = arith.constant 4095 : i32
      %and3A_405 = vector.broadcast %and3A_404 : i32 to vector<16xi32>
      %and3A_406 = arith.andi %convert_element_type3A_400, %and3A_405 : vector<16xi32>
      %gather3A_407 = tpu.vector_load_idx %arg16[%and3A_406] : memref<4096xf32, #tpu.memory_space<vmem>>[vector<16xi32>], vector<16xf32>,
      %shift_left3A_408 = arith.constant 11 : i32
      %shift_left3A_409 = vector.broadcast %shift_left3A_408 : i32 to vector<16xi32>
      %shift_left3A_410 = arith.shli %shift_right_logical3A_403, %shift_left3A_409 : vector<16xi32>
      %add3A_411 = arith.constant 6 : i32
      %add3A_412 = vector.broadcast %add3A_411 : i32 to vector<16xi32>
      %add3A_413 = arith.addi %shift_left3A_98, %add3A_412 : vector<16xi32>
      %add3A_414 = arith.addi %shift_left3A_410, %add3A_413 : vector<16xi32>
      %add3A_415 = arith.constant 2048 : i32
      %add3A_416 = vector.broadcast %add3A_415 : i32 to vector<16xi32>
      %add3A_417 = arith.addi %add3A_414, %add3A_416 : vector<16xi32>
      %sub3A_418 = arith.subf %broadcast_in_dim3A_51, %gather3A_407 : vector<16xf32>
      %gt3A_419 = arith.constant 0.000000e+00 : f32
      %gt3A_420 = vector.broadcast %gt3A_419 : f32 to vector<16xf32>
      %gt3A_421 = arith.cmpf ogt, %gather3A_407, %gt3A_420 : vector<16xf32>
      tpu.vector_store_idx %arg17[%add3A_414], %gather3A_407 masked %gt3A_421 {add = true} : memref<34816xf32, #tpu.memory_space<vmem>>[vector<16xi32>], vector<16xf32>, vector<16xi1>
      %gt3A_422 = arith.constant 0.000000e+00 : f32
      %gt3A_423 = vector.broadcast %gt3A_422 : f32 to vector<16xf32>
      %gt3A_424 = arith.cmpf ogt, %sub3A_418, %gt3A_423 : vector<16xf32>
      %lt3A_425 = arith.constant 32768 : i32
      %lt3A_426 = vector.broadcast %lt3A_425 : i32 to vector<16xi32>
      %lt3A_427 = arith.cmpi slt, %add3A_417, %lt3A_426 : vector<16xi32>
      %and3A_428 = arith.andi %gt3A_424, %lt3A_427 : vector<16xi1>
      tpu.vector_store_idx %arg17[%add3A_417], %sub3A_418 masked %and3A_428 {add = true} : memref<34816xf32, #tpu.memory_space<vmem>>[vector<16xi32>], vector<16xf32>, vector<16xi1>
      %mul3A_429 = arith.constant 0.207911611 : f32
      %mul3A_430 = vector.broadcast %mul3A_429 : f32 to vector<16xf32>
      %mul3A_431 = arith.mulf %get3A_92, %mul3A_430 : vector<16xf32>
      %mul3A_432 = arith.constant -0.978147625 : f32
      %mul3A_433 = vector.broadcast %mul3A_432 : f32 to vector<16xf32>
      %mul3A_434 = arith.mulf %get3A_94, %mul3A_433 : vector<16xf32>
      %add3A_435 = arith.addf %mul3A_431, %mul3A_434 : vector<16xf32>
      %mul3A_436 = arith.constant 27927.2734 : f32
      %mul3A_437 = vector.broadcast %mul3A_436 : f32 to vector<16xf32>
      %mul3A_438 = arith.mulf %add3A_435, %mul3A_437 : vector<16xf32>
      %add3A_439 = arith.constant 3.276800e+04 : f32
      %add3A_440 = vector.broadcast %add3A_439 : f32 to vector<16xf32>
      %add3A_441 = arith.addf %mul3A_438, %add3A_440 : vector<16xf32>
      %max3A_442 = arith.constant 0.000000e+00 : f32
      %max3A_443 = vector.broadcast %max3A_442 : f32 to vector<16xf32>
      %max3A_444 = arith.maximumf %add3A_441, %max3A_443 : vector<16xf32>
      %min3A_445 = arith.constant 6.553500e+04 : f32
      %min3A_446 = vector.broadcast %min3A_445 : f32 to vector<16xf32>
      %min3A_447 = arith.minimumf %max3A_444, %min3A_446 : vector<16xf32>
      %convert_element_type3A_448 = arith.fptosi %min3A_447 : vector<16xf32> to vector<16xi32>
      %shift_right_logical3A_449 = arith.constant 12 : i32
      %shift_right_logical3A_450 = vector.broadcast %shift_right_logical3A_449 : i32 to vector<16xi32>
      %shift_right_logical3A_451 = arith.shrui %convert_element_type3A_448, %shift_right_logical3A_450 : vector<16xi32>
      %and3A_452 = arith.constant 4095 : i32
      %and3A_453 = vector.broadcast %and3A_452 : i32 to vector<16xi32>
      %and3A_454 = arith.andi %convert_element_type3A_448, %and3A_453 : vector<16xi32>
      %gather3A_455 = tpu.vector_load_idx %arg16[%and3A_454] : memref<4096xf32, #tpu.memory_space<vmem>>[vector<16xi32>], vector<16xf32>,
      %shift_left3A_456 = arith.constant 11 : i32
      %shift_left3A_457 = vector.broadcast %shift_left3A_456 : i32 to vector<16xi32>
      %shift_left3A_458 = arith.shli %shift_right_logical3A_451, %shift_left3A_457 : vector<16xi32>
      %add3A_459 = arith.constant 7 : i32
      %add3A_460 = vector.broadcast %add3A_459 : i32 to vector<16xi32>
      %add3A_461 = arith.addi %shift_left3A_98, %add3A_460 : vector<16xi32>
      %add3A_462 = arith.addi %shift_left3A_458, %add3A_461 : vector<16xi32>
      %add3A_463 = arith.constant 2048 : i32
      %add3A_464 = vector.broadcast %add3A_463 : i32 to vector<16xi32>
      %add3A_465 = arith.addi %add3A_462, %add3A_464 : vector<16xi32>
      %sub3A_466 = arith.subf %broadcast_in_dim3A_51, %gather3A_455 : vector<16xf32>
      %gt3A_467 = arith.constant 0.000000e+00 : f32
      %gt3A_468 = vector.broadcast %gt3A_467 : f32 to vector<16xf32>
      %gt3A_469 = arith.cmpf ogt, %gather3A_455, %gt3A_468 : vector<16xf32>
      tpu.vector_store_idx %arg17[%add3A_462], %gather3A_455 masked %gt3A_469 {add = true} : memref<34816xf32, #tpu.memory_space<vmem>>[vector<16xi32>], vector<16xf32>, vector<16xi1>
      %gt3A_470 = arith.constant 0.000000e+00 : f32
      %gt3A_471 = vector.broadcast %gt3A_470 : f32 to vector<16xf32>
      %gt3A_472 = arith.cmpf ogt, %sub3A_466, %gt3A_471 : vector<16xf32>
      %lt3A_473 = arith.constant 32768 : i32
      %lt3A_474 = vector.broadcast %lt3A_473 : i32 to vector<16xi32>
      %lt3A_475 = arith.cmpi slt, %add3A_465, %lt3A_474 : vector<16xi32>
      %and3A_476 = arith.andi %gt3A_472, %lt3A_475 : vector<16xi1>
      tpu.vector_store_idx %arg17[%add3A_465], %sub3A_466 masked %and3A_476 {add = true} : memref<34816xf32, #tpu.memory_space<vmem>>[vector<16xi32>], vector<16xf32>, vector<16xi1>
      %mul3A_477 = arith.constant -0.207911789 : f32
      %mul3A_478 = vector.broadcast %mul3A_477 : f32 to vector<16xf32>
      %mul3A_479 = arith.mulf %get3A_92, %mul3A_478 : vector<16xf32>
      %mul3A_480 = arith.constant -0.978147566 : f32
      %mul3A_481 = vector.broadcast %mul3A_480 : f32 to vector<16xf32>
      %mul3A_482 = arith.mulf %get3A_94, %mul3A_481 : vector<16xf32>
      %add3A_483 = arith.addf %mul3A_479, %mul3A_482 : vector<16xf32>
      %mul3A_484 = arith.constant 27927.2734 : f32
      %mul3A_485 = vector.broadcast %mul3A_484 : f32 to vector<16xf32>
      %mul3A_486 = arith.mulf %add3A_483, %mul3A_485 : vector<16xf32>
      %add3A_487 = arith.constant 3.276800e+04 : f32
      %add3A_488 = vector.broadcast %add3A_487 : f32 to vector<16xf32>
      %add3A_489 = arith.addf %mul3A_486, %add3A_488 : vector<16xf32>
      %max3A_490 = arith.constant 0.000000e+00 : f32
      %max3A_491 = vector.broadcast %max3A_490 : f32 to vector<16xf32>
      %max3A_492 = arith.maximumf %add3A_489, %max3A_491 : vector<16xf32>
      %min3A_493 = arith.constant 6.553500e+04 : f32
      %min3A_494 = vector.broadcast %min3A_493 : f32 to vector<16xf32>
      %min3A_495 = arith.minimumf %max3A_492, %min3A_494 : vector<16xf32>
      %convert_element_type3A_496 = arith.fptosi %min3A_495 : vector<16xf32> to vector<16xi32>
      %shift_right_logical3A_497 = arith.constant 12 : i32
      %shift_right_logical3A_498 = vector.broadcast %shift_right_logical3A_497 : i32 to vector<16xi32>
      %shift_right_logical3A_499 = arith.shrui %convert_element_type3A_496, %shift_right_logical3A_498 : vector<16xi32>
      %and3A_500 = arith.constant 4095 : i32
      %and3A_501 = vector.broadcast %and3A_500 : i32 to vector<16xi32>
      %and3A_502 = arith.andi %convert_element_type3A_496, %and3A_501 : vector<16xi32>
      %gather3A_503 = tpu.vector_load_idx %arg16[%and3A_502] : memref<4096xf32, #tpu.memory_space<vmem>>[vector<16xi32>], vector<16xf32>,
      %shift_left3A_504 = arith.constant 11 : i32
      %shift_left3A_505 = vector.broadcast %shift_left3A_504 : i32 to vector<16xi32>
      %shift_left3A_506 = arith.shli %shift_right_logical3A_499, %shift_left3A_505 : vector<16xi32>
      %add3A_507 = arith.constant 8 : i32
      %add3A_508 = vector.broadcast %add3A_507 : i32 to vector<16xi32>
      %add3A_509 = arith.addi %shift_left3A_98, %add3A_508 : vector<16xi32>
      %add3A_510 = arith.addi %shift_left3A_506, %add3A_509 : vector<16xi32>
      %add3A_511 = arith.constant 2048 : i32
      %add3A_512 = vector.broadcast %add3A_511 : i32 to vector<16xi32>
      %add3A_513 = arith.addi %add3A_510, %add3A_512 : vector<16xi32>
      %sub3A_514 = arith.subf %broadcast_in_dim3A_51, %gather3A_503 : vector<16xf32>
      %gt3A_515 = arith.constant 0.000000e+00 : f32
      %gt3A_516 = vector.broadcast %gt3A_515 : f32 to vector<16xf32>
      %gt3A_517 = arith.cmpf ogt, %gather3A_503, %gt3A_516 : vector<16xf32>
      tpu.vector_store_idx %arg17[%add3A_510], %gather3A_503 masked %gt3A_517 {add = true} : memref<34816xf32, #tpu.memory_space<vmem>>[vector<16xi32>], vector<16xf32>, vector<16xi1>
      %gt3A_518 = arith.constant 0.000000e+00 : f32
      %gt3A_519 = vector.broadcast %gt3A_518 : f32 to vector<16xf32>
      %gt3A_520 = arith.cmpf ogt, %sub3A_514, %gt3A_519 : vector<16xf32>
      %lt3A_521 = arith.constant 32768 : i32
      %lt3A_522 = vector.broadcast %lt3A_521 : i32 to vector<16xi32>
      %lt3A_523 = arith.cmpi slt, %add3A_513, %lt3A_522 : vector<16xi32>
      %and3A_524 = arith.andi %gt3A_520, %lt3A_523 : vector<16xi1>
      tpu.vector_store_idx %arg17[%add3A_513], %sub3A_514 masked %and3A_524 {add = true} : memref<34816xf32, #tpu.memory_space<vmem>>[vector<16xi32>], vector<16xf32>, vector<16xi1>
      %mul3A_525 = arith.constant -0.587785304 : f32
      %mul3A_526 = vector.broadcast %mul3A_525 : f32 to vector<16xf32>
      %mul3A_527 = arith.mulf %get3A_92, %mul3A_526 : vector<16xf32>
      %mul3A_528 = arith.constant -0.809016943 : f32
      %mul3A_529 = vector.broadcast %mul3A_528 : f32 to vector<16xf32>
      %mul3A_530 = arith.mulf %get3A_94, %mul3A_529 : vector<16xf32>
      %add3A_531 = arith.addf %mul3A_527, %mul3A_530 : vector<16xf32>
      %mul3A_532 = arith.constant 27927.2734 : f32
      %mul3A_533 = vector.broadcast %mul3A_532 : f32 to vector<16xf32>
      %mul3A_534 = arith.mulf %add3A_531, %mul3A_533 : vector<16xf32>
      %add3A_535 = arith.constant 3.276800e+04 : f32
      %add3A_536 = vector.broadcast %add3A_535 : f32 to vector<16xf32>
      %add3A_537 = arith.addf %mul3A_534, %add3A_536 : vector<16xf32>
      %max3A_538 = arith.constant 0.000000e+00 : f32
      %max3A_539 = vector.broadcast %max3A_538 : f32 to vector<16xf32>
      %max3A_540 = arith.maximumf %add3A_537, %max3A_539 : vector<16xf32>
      %min3A_541 = arith.constant 6.553500e+04 : f32
      %min3A_542 = vector.broadcast %min3A_541 : f32 to vector<16xf32>
      %min3A_543 = arith.minimumf %max3A_540, %min3A_542 : vector<16xf32>
      %convert_element_type3A_544 = arith.fptosi %min3A_543 : vector<16xf32> to vector<16xi32>
      %shift_right_logical3A_545 = arith.constant 12 : i32
      %shift_right_logical3A_546 = vector.broadcast %shift_right_logical3A_545 : i32 to vector<16xi32>
      %shift_right_logical3A_547 = arith.shrui %convert_element_type3A_544, %shift_right_logical3A_546 : vector<16xi32>
      %and3A_548 = arith.constant 4095 : i32
      %and3A_549 = vector.broadcast %and3A_548 : i32 to vector<16xi32>
      %and3A_550 = arith.andi %convert_element_type3A_544, %and3A_549 : vector<16xi32>
      %gather3A_551 = tpu.vector_load_idx %arg16[%and3A_550] : memref<4096xf32, #tpu.memory_space<vmem>>[vector<16xi32>], vector<16xf32>,
      %shift_left3A_552 = arith.constant 11 : i32
      %shift_left3A_553 = vector.broadcast %shift_left3A_552 : i32 to vector<16xi32>
      %shift_left3A_554 = arith.shli %shift_right_logical3A_547, %shift_left3A_553 : vector<16xi32>
      %add3A_555 = arith.constant 9 : i32
      %add3A_556 = vector.broadcast %add3A_555 : i32 to vector<16xi32>
      %add3A_557 = arith.addi %shift_left3A_98, %add3A_556 : vector<16xi32>
      %add3A_558 = arith.addi %shift_left3A_554, %add3A_557 : vector<16xi32>
      %add3A_559 = arith.constant 2048 : i32
      %add3A_560 = vector.broadcast %add3A_559 : i32 to vector<16xi32>
      %add3A_561 = arith.addi %add3A_558, %add3A_560 : vector<16xi32>
      %sub3A_562 = arith.subf %broadcast_in_dim3A_51, %gather3A_551 : vector<16xf32>
      %gt3A_563 = arith.constant 0.000000e+00 : f32
      %gt3A_564 = vector.broadcast %gt3A_563 : f32 to vector<16xf32>
      %gt3A_565 = arith.cmpf ogt, %gather3A_551, %gt3A_564 : vector<16xf32>
      tpu.vector_store_idx %arg17[%add3A_558], %gather3A_551 masked %gt3A_565 {add = true} : memref<34816xf32, #tpu.memory_space<vmem>>[vector<16xi32>], vector<16xf32>, vector<16xi1>
      %gt3A_566 = arith.constant 0.000000e+00 : f32
      %gt3A_567 = vector.broadcast %gt3A_566 : f32 to vector<16xf32>
      %gt3A_568 = arith.cmpf ogt, %sub3A_562, %gt3A_567 : vector<16xf32>
      %lt3A_569 = arith.constant 32768 : i32
      %lt3A_570 = vector.broadcast %lt3A_569 : i32 to vector<16xi32>
      %lt3A_571 = arith.cmpi slt, %add3A_561, %lt3A_570 : vector<16xi32>
      %and3A_572 = arith.andi %gt3A_568, %lt3A_571 : vector<16xi1>
      tpu.vector_store_idx %arg17[%add3A_561], %sub3A_562 masked %and3A_572 {add = true} : memref<34816xf32, #tpu.memory_space<vmem>>[vector<16xi32>], vector<16xf32>, vector<16xi1>
      %mul3A_573 = arith.constant -0.866025447 : f32
      %mul3A_574 = vector.broadcast %mul3A_573 : f32 to vector<16xf32>
      %mul3A_575 = arith.mulf %get3A_92, %mul3A_574 : vector<16xf32>
      %mul3A_576 = arith.constant -0.499999911 : f32
      %mul3A_577 = vector.broadcast %mul3A_576 : f32 to vector<16xf32>
      %mul3A_578 = arith.mulf %get3A_94, %mul3A_577 : vector<16xf32>
      %add3A_579 = arith.addf %mul3A_575, %mul3A_578 : vector<16xf32>
      %mul3A_580 = arith.constant 27927.2734 : f32
      %mul3A_581 = vector.broadcast %mul3A_580 : f32 to vector<16xf32>
      %mul3A_582 = arith.mulf %add3A_579, %mul3A_581 : vector<16xf32>
      %add3A_583 = arith.constant 3.276800e+04 : f32
      %add3A_584 = vector.broadcast %add3A_583 : f32 to vector<16xf32>
      %add3A_585 = arith.addf %mul3A_582, %add3A_584 : vector<16xf32>
      %max3A_586 = arith.constant 0.000000e+00 : f32
      %max3A_587 = vector.broadcast %max3A_586 : f32 to vector<16xf32>
      %max3A_588 = arith.maximumf %add3A_585, %max3A_587 : vector<16xf32>
      %min3A_589 = arith.constant 6.553500e+04 : f32
      %min3A_590 = vector.broadcast %min3A_589 : f32 to vector<16xf32>
      %min3A_591 = arith.minimumf %max3A_588, %min3A_590 : vector<16xf32>
      %convert_element_type3A_592 = arith.fptosi %min3A_591 : vector<16xf32> to vector<16xi32>
      %shift_right_logical3A_593 = arith.constant 12 : i32
      %shift_right_logical3A_594 = vector.broadcast %shift_right_logical3A_593 : i32 to vector<16xi32>
      %shift_right_logical3A_595 = arith.shrui %convert_element_type3A_592, %shift_right_logical3A_594 : vector<16xi32>
      %and3A_596 = arith.constant 4095 : i32
      %and3A_597 = vector.broadcast %and3A_596 : i32 to vector<16xi32>
      %and3A_598 = arith.andi %convert_element_type3A_592, %and3A_597 : vector<16xi32>
      %gather3A_599 = tpu.vector_load_idx %arg16[%and3A_598] : memref<4096xf32, #tpu.memory_space<vmem>>[vector<16xi32>], vector<16xf32>,
      %shift_left3A_600 = arith.constant 11 : i32
      %shift_left3A_601 = vector.broadcast %shift_left3A_600 : i32 to vector<16xi32>
      %shift_left3A_602 = arith.shli %shift_right_logical3A_595, %shift_left3A_601 : vector<16xi32>
      %add3A_603 = arith.constant 10 : i32
      %add3A_604 = vector.broadcast %add3A_603 : i32 to vector<16xi32>
      %add3A_605 = arith.addi %shift_left3A_98, %add3A_604 : vector<16xi32>
      %add3A_606 = arith.addi %shift_left3A_602, %add3A_605 : vector<16xi32>
      %add3A_607 = arith.constant 2048 : i32
      %add3A_608 = vector.broadcast %add3A_607 : i32 to vector<16xi32>
      %add3A_609 = arith.addi %add3A_606, %add3A_608 : vector<16xi32>
      %sub3A_610 = arith.subf %broadcast_in_dim3A_51, %gather3A_599 : vector<16xf32>
      %gt3A_611 = arith.constant 0.000000e+00 : f32
      %gt3A_612 = vector.broadcast %gt3A_611 : f32 to vector<16xf32>
      %gt3A_613 = arith.cmpf ogt, %gather3A_599, %gt3A_612 : vector<16xf32>
      tpu.vector_store_idx %arg17[%add3A_606], %gather3A_599 masked %gt3A_613 {add = true} : memref<34816xf32, #tpu.memory_space<vmem>>[vector<16xi32>], vector<16xf32>, vector<16xi1>
      %gt3A_614 = arith.constant 0.000000e+00 : f32
      %gt3A_615 = vector.broadcast %gt3A_614 : f32 to vector<16xf32>
      %gt3A_616 = arith.cmpf ogt, %sub3A_610, %gt3A_615 : vector<16xf32>
      %lt3A_617 = arith.constant 32768 : i32
      %lt3A_618 = vector.broadcast %lt3A_617 : i32 to vector<16xi32>
      %lt3A_619 = arith.cmpi slt, %add3A_609, %lt3A_618 : vector<16xi32>
      %and3A_620 = arith.andi %gt3A_616, %lt3A_619 : vector<16xi1>
      tpu.vector_store_idx %arg17[%add3A_609], %sub3A_610 masked %and3A_620 {add = true} : memref<34816xf32, #tpu.memory_space<vmem>>[vector<16xi32>], vector<16xf32>, vector<16xi1>
      %mul3A_621 = arith.constant -0.994521915 : f32
      %mul3A_622 = vector.broadcast %mul3A_621 : f32 to vector<16xf32>
      %mul3A_623 = arith.mulf %get3A_92, %mul3A_622 : vector<16xf32>
      %mul3A_624 = arith.constant -0.10452833 : f32
      %mul3A_625 = vector.broadcast %mul3A_624 : f32 to vector<16xf32>
      %mul3A_626 = arith.mulf %get3A_94, %mul3A_625 : vector<16xf32>
      %add3A_627 = arith.addf %mul3A_623, %mul3A_626 : vector<16xf32>
      %mul3A_628 = arith.constant 27927.2734 : f32
      %mul3A_629 = vector.broadcast %mul3A_628 : f32 to vector<16xf32>
      %mul3A_630 = arith.mulf %add3A_627, %mul3A_629 : vector<16xf32>
      %add3A_631 = arith.constant 3.276800e+04 : f32
      %add3A_632 = vector.broadcast %add3A_631 : f32 to vector<16xf32>
      %add3A_633 = arith.addf %mul3A_630, %add3A_632 : vector<16xf32>
      %max3A_634 = arith.constant 0.000000e+00 : f32
      %max3A_635 = vector.broadcast %max3A_634 : f32 to vector<16xf32>
      %max3A_636 = arith.maximumf %add3A_633, %max3A_635 : vector<16xf32>
      %min3A_637 = arith.constant 6.553500e+04 : f32
      %min3A_638 = vector.broadcast %min3A_637 : f32 to vector<16xf32>
      %min3A_639 = arith.minimumf %max3A_636, %min3A_638 : vector<16xf32>
      %convert_element_type3A_640 = arith.fptosi %min3A_639 : vector<16xf32> to vector<16xi32>
      %shift_right_logical3A_641 = arith.constant 12 : i32
      %shift_right_logical3A_642 = vector.broadcast %shift_right_logical3A_641 : i32 to vector<16xi32>
      %shift_right_logical3A_643 = arith.shrui %convert_element_type3A_640, %shift_right_logical3A_642 : vector<16xi32>
      %and3A_644 = arith.constant 4095 : i32
      %and3A_645 = vector.broadcast %and3A_644 : i32 to vector<16xi32>
      %and3A_646 = arith.andi %convert_element_type3A_640, %and3A_645 : vector<16xi32>
      %gather3A_647 = tpu.vector_load_idx %arg16[%and3A_646] : memref<4096xf32, #tpu.memory_space<vmem>>[vector<16xi32>], vector<16xf32>,
      %shift_left3A_648 = arith.constant 11 : i32
      %shift_left3A_649 = vector.broadcast %shift_left3A_648 : i32 to vector<16xi32>
      %shift_left3A_650 = arith.shli %shift_right_logical3A_643, %shift_left3A_649 : vector<16xi32>
      %add3A_651 = arith.constant 11 : i32
      %add3A_652 = vector.broadcast %add3A_651 : i32 to vector<16xi32>
      %add3A_653 = arith.addi %shift_left3A_98, %add3A_652 : vector<16xi32>
      %add3A_654 = arith.addi %shift_left3A_650, %add3A_653 : vector<16xi32>
      %add3A_655 = arith.constant 2048 : i32
      %add3A_656 = vector.broadcast %add3A_655 : i32 to vector<16xi32>
      %add3A_657 = arith.addi %add3A_654, %add3A_656 : vector<16xi32>
      %sub3A_658 = arith.subf %broadcast_in_dim3A_51, %gather3A_647 : vector<16xf32>
      %gt3A_659 = arith.constant 0.000000e+00 : f32
      %gt3A_660 = vector.broadcast %gt3A_659 : f32 to vector<16xf32>
      %gt3A_661 = arith.cmpf ogt, %gather3A_647, %gt3A_660 : vector<16xf32>
      tpu.vector_store_idx %arg17[%add3A_654], %gather3A_647 masked %gt3A_661 {add = true} : memref<34816xf32, #tpu.memory_space<vmem>>[vector<16xi32>], vector<16xf32>, vector<16xi1>
      %gt3A_662 = arith.constant 0.000000e+00 : f32
      %gt3A_663 = vector.broadcast %gt3A_662 : f32 to vector<16xf32>
      %gt3A_664 = arith.cmpf ogt, %sub3A_658, %gt3A_663 : vector<16xf32>
      %lt3A_665 = arith.constant 32768 : i32
      %lt3A_666 = vector.broadcast %lt3A_665 : i32 to vector<16xi32>
      %lt3A_667 = arith.cmpi slt, %add3A_657, %lt3A_666 : vector<16xi32>
      %and3A_668 = arith.andi %gt3A_664, %lt3A_667 : vector<16xi1>
      tpu.vector_store_idx %arg17[%add3A_657], %sub3A_658 masked %and3A_668 {add = true} : memref<34816xf32, #tpu.memory_space<vmem>>[vector<16xi32>], vector<16xf32>, vector<16xi1>
      %mul3A_669 = arith.constant -0.95105648 : f32
      %mul3A_670 = vector.broadcast %mul3A_669 : f32 to vector<16xf32>
      %mul3A_671 = arith.mulf %get3A_92, %mul3A_670 : vector<16xf32>
      %mul3A_672 = arith.constant 0.309017122 : f32
      %mul3A_673 = vector.broadcast %mul3A_672 : f32 to vector<16xf32>
      %mul3A_674 = arith.mulf %get3A_94, %mul3A_673 : vector<16xf32>
      %add3A_675 = arith.addf %mul3A_671, %mul3A_674 : vector<16xf32>
      %mul3A_676 = arith.constant 27927.2734 : f32
      %mul3A_677 = vector.broadcast %mul3A_676 : f32 to vector<16xf32>
      %mul3A_678 = arith.mulf %add3A_675, %mul3A_677 : vector<16xf32>
      %add3A_679 = arith.constant 3.276800e+04 : f32
      %add3A_680 = vector.broadcast %add3A_679 : f32 to vector<16xf32>
      %add3A_681 = arith.addf %mul3A_678, %add3A_680 : vector<16xf32>
      %max3A_682 = arith.constant 0.000000e+00 : f32
      %max3A_683 = vector.broadcast %max3A_682 : f32 to vector<16xf32>
      %max3A_684 = arith.maximumf %add3A_681, %max3A_683 : vector<16xf32>
      %min3A_685 = arith.constant 6.553500e+04 : f32
      %min3A_686 = vector.broadcast %min3A_685 : f32 to vector<16xf32>
      %min3A_687 = arith.minimumf %max3A_684, %min3A_686 : vector<16xf32>
      %convert_element_type3A_688 = arith.fptosi %min3A_687 : vector<16xf32> to vector<16xi32>
      %shift_right_logical3A_689 = arith.constant 12 : i32
      %shift_right_logical3A_690 = vector.broadcast %shift_right_logical3A_689 : i32 to vector<16xi32>
      %shift_right_logical3A_691 = arith.shrui %convert_element_type3A_688, %shift_right_logical3A_690 : vector<16xi32>
      %and3A_692 = arith.constant 4095 : i32
      %and3A_693 = vector.broadcast %and3A_692 : i32 to vector<16xi32>
      %and3A_694 = arith.andi %convert_element_type3A_688, %and3A_693 : vector<16xi32>
      %gather3A_695 = tpu.vector_load_idx %arg16[%and3A_694] : memref<4096xf32, #tpu.memory_space<vmem>>[vector<16xi32>], vector<16xf32>,
      %shift_left3A_696 = arith.constant 11 : i32
      %shift_left3A_697 = vector.broadcast %shift_left3A_696 : i32 to vector<16xi32>
      %shift_left3A_698 = arith.shli %shift_right_logical3A_691, %shift_left3A_697 : vector<16xi32>
      %add3A_699 = arith.constant 12 : i32
      %add3A_700 = vector.broadcast %add3A_699 : i32 to vector<16xi32>
      %add3A_701 = arith.addi %shift_left3A_98, %add3A_700 : vector<16xi32>
      %add3A_702 = arith.addi %shift_left3A_698, %add3A_701 : vector<16xi32>
      %add3A_703 = arith.constant 2048 : i32
      %add3A_704 = vector.broadcast %add3A_703 : i32 to vector<16xi32>
      %add3A_705 = arith.addi %add3A_702, %add3A_704 : vector<16xi32>
      %sub3A_706 = arith.subf %broadcast_in_dim3A_51, %gather3A_695 : vector<16xf32>
      %gt3A_707 = arith.constant 0.000000e+00 : f32
      %gt3A_708 = vector.broadcast %gt3A_707 : f32 to vector<16xf32>
      %gt3A_709 = arith.cmpf ogt, %gather3A_695, %gt3A_708 : vector<16xf32>
      tpu.vector_store_idx %arg17[%add3A_702], %gather3A_695 masked %gt3A_709 {add = true} : memref<34816xf32, #tpu.memory_space<vmem>>[vector<16xi32>], vector<16xf32>, vector<16xi1>
      %gt3A_710 = arith.constant 0.000000e+00 : f32
      %gt3A_711 = vector.broadcast %gt3A_710 : f32 to vector<16xf32>
      %gt3A_712 = arith.cmpf ogt, %sub3A_706, %gt3A_711 : vector<16xf32>
      %lt3A_713 = arith.constant 32768 : i32
      %lt3A_714 = vector.broadcast %lt3A_713 : i32 to vector<16xi32>
      %lt3A_715 = arith.cmpi slt, %add3A_705, %lt3A_714 : vector<16xi32>
      %and3A_716 = arith.andi %gt3A_712, %lt3A_715 : vector<16xi1>
      tpu.vector_store_idx %arg17[%add3A_705], %sub3A_706 masked %and3A_716 {add = true} : memref<34816xf32, #tpu.memory_space<vmem>>[vector<16xi32>], vector<16xf32>, vector<16xi1>
      %mul3A_717 = arith.constant -0.74314469 : f32
      %mul3A_718 = vector.broadcast %mul3A_717 : f32 to vector<16xf32>
      %mul3A_719 = arith.mulf %get3A_92, %mul3A_718 : vector<16xf32>
      %mul3A_720 = arith.constant 0.669130742 : f32
      %mul3A_721 = vector.broadcast %mul3A_720 : f32 to vector<16xf32>
      %mul3A_722 = arith.mulf %get3A_94, %mul3A_721 : vector<16xf32>
      %add3A_723 = arith.addf %mul3A_719, %mul3A_722 : vector<16xf32>
      %mul3A_724 = arith.constant 27927.2734 : f32
      %mul3A_725 = vector.broadcast %mul3A_724 : f32 to vector<16xf32>
      %mul3A_726 = arith.mulf %add3A_723, %mul3A_725 : vector<16xf32>
      %add3A_727 = arith.constant 3.276800e+04 : f32
      %add3A_728 = vector.broadcast %add3A_727 : f32 to vector<16xf32>
      %add3A_729 = arith.addf %mul3A_726, %add3A_728 : vector<16xf32>
      %max3A_730 = arith.constant 0.000000e+00 : f32
      %max3A_731 = vector.broadcast %max3A_730 : f32 to vector<16xf32>
      %max3A_732 = arith.maximumf %add3A_729, %max3A_731 : vector<16xf32>
      %min3A_733 = arith.constant 6.553500e+04 : f32
      %min3A_734 = vector.broadcast %min3A_733 : f32 to vector<16xf32>
      %min3A_735 = arith.minimumf %max3A_732, %min3A_734 : vector<16xf32>
      %convert_element_type3A_736 = arith.fptosi %min3A_735 : vector<16xf32> to vector<16xi32>
      %shift_right_logical3A_737 = arith.constant 12 : i32
      %shift_right_logical3A_738 = vector.broadcast %shift_right_logical3A_737 : i32 to vector<16xi32>
      %shift_right_logical3A_739 = arith.shrui %convert_element_type3A_736, %shift_right_logical3A_738 : vector<16xi32>
      %and3A_740 = arith.constant 4095 : i32
      %and3A_741 = vector.broadcast %and3A_740 : i32 to vector<16xi32>
      %and3A_742 = arith.andi %convert_element_type3A_736, %and3A_741 : vector<16xi32>
      %gather3A_743 = tpu.vector_load_idx %arg16[%and3A_742] : memref<4096xf32, #tpu.memory_space<vmem>>[vector<16xi32>], vector<16xf32>,
      %shift_left3A_744 = arith.constant 11 : i32
      %shift_left3A_745 = vector.broadcast %shift_left3A_744 : i32 to vector<16xi32>
      %shift_left3A_746 = arith.shli %shift_right_logical3A_739, %shift_left3A_745 : vector<16xi32>
      %add3A_747 = arith.constant 13 : i32
      %add3A_748 = vector.broadcast %add3A_747 : i32 to vector<16xi32>
      %add3A_749 = arith.addi %shift_left3A_98, %add3A_748 : vector<16xi32>
      %add3A_750 = arith.addi %shift_left3A_746, %add3A_749 : vector<16xi32>
      %add3A_751 = arith.constant 2048 : i32
      %add3A_752 = vector.broadcast %add3A_751 : i32 to vector<16xi32>
      %add3A_753 = arith.addi %add3A_750, %add3A_752 : vector<16xi32>
      %sub3A_754 = arith.subf %broadcast_in_dim3A_51, %gather3A_743 : vector<16xf32>
      %gt3A_755 = arith.constant 0.000000e+00 : f32
      %gt3A_756 = vector.broadcast %gt3A_755 : f32 to vector<16xf32>
      %gt3A_757 = arith.cmpf ogt, %gather3A_743, %gt3A_756 : vector<16xf32>
      tpu.vector_store_idx %arg17[%add3A_750], %gather3A_743 masked %gt3A_757 {add = true} : memref<34816xf32, #tpu.memory_space<vmem>>[vector<16xi32>], vector<16xf32>, vector<16xi1>
      %gt3A_758 = arith.constant 0.000000e+00 : f32
      %gt3A_759 = vector.broadcast %gt3A_758 : f32 to vector<16xf32>
      %gt3A_760 = arith.cmpf ogt, %sub3A_754, %gt3A_759 : vector<16xf32>
      %lt3A_761 = arith.constant 32768 : i32
      %lt3A_762 = vector.broadcast %lt3A_761 : i32 to vector<16xi32>
      %lt3A_763 = arith.cmpi slt, %add3A_753, %lt3A_762 : vector<16xi32>
      %and3A_764 = arith.andi %gt3A_760, %lt3A_763 : vector<16xi1>
      tpu.vector_store_idx %arg17[%add3A_753], %sub3A_754 masked %and3A_764 {add = true} : memref<34816xf32, #tpu.memory_space<vmem>>[vector<16xi32>], vector<16xf32>, vector<16xi1>
      %mul3A_765 = arith.constant -0.406736493 : f32
      %mul3A_766 = vector.broadcast %mul3A_765 : f32 to vector<16xf32>
      %mul3A_767 = arith.mulf %get3A_92, %mul3A_766 : vector<16xf32>
      %mul3A_768 = arith.constant 0.913545548 : f32
      %mul3A_769 = vector.broadcast %mul3A_768 : f32 to vector<16xf32>
      %mul3A_770 = arith.mulf %get3A_94, %mul3A_769 : vector<16xf32>
      %add3A_771 = arith.addf %mul3A_767, %mul3A_770 : vector<16xf32>
      %mul3A_772 = arith.constant 27927.2734 : f32
      %mul3A_773 = vector.broadcast %mul3A_772 : f32 to vector<16xf32>
      %mul3A_774 = arith.mulf %add3A_771, %mul3A_773 : vector<16xf32>
      %add3A_775 = arith.constant 3.276800e+04 : f32
      %add3A_776 = vector.broadcast %add3A_775 : f32 to vector<16xf32>
      %add3A_777 = arith.addf %mul3A_774, %add3A_776 : vector<16xf32>
      %max3A_778 = arith.constant 0.000000e+00 : f32
      %max3A_779 = vector.broadcast %max3A_778 : f32 to vector<16xf32>
      %max3A_780 = arith.maximumf %add3A_777, %max3A_779 : vector<16xf32>
      %min3A_781 = arith.constant 6.553500e+04 : f32
      %min3A_782 = vector.broadcast %min3A_781 : f32 to vector<16xf32>
      %min3A_783 = arith.minimumf %max3A_780, %min3A_782 : vector<16xf32>
      %convert_element_type3A_784 = arith.fptosi %min3A_783 : vector<16xf32> to vector<16xi32>
      %shift_right_logical3A_785 = arith.constant 12 : i32
      %shift_right_logical3A_786 = vector.broadcast %shift_right_logical3A_785 : i32 to vector<16xi32>
      %shift_right_logical3A_787 = arith.shrui %convert_element_type3A_784, %shift_right_logical3A_786 : vector<16xi32>
      %and3A_788 = arith.constant 4095 : i32
      %and3A_789 = vector.broadcast %and3A_788 : i32 to vector<16xi32>
      %and3A_790 = arith.andi %convert_element_type3A_784, %and3A_789 : vector<16xi32>
      %gather3A_791 = tpu.vector_load_idx %arg16[%and3A_790] : memref<4096xf32, #tpu.memory_space<vmem>>[vector<16xi32>], vector<16xf32>,
      %shift_left3A_792 = arith.constant 11 : i32
      %shift_left3A_793 = vector.broadcast %shift_left3A_792 : i32 to vector<16xi32>
      %shift_left3A_794 = arith.shli %shift_right_logical3A_787, %shift_left3A_793 : vector<16xi32>
      %add3A_795 = arith.constant 14 : i32
      %add3A_796 = vector.broadcast %add3A_795 : i32 to vector<16xi32>
      %add3A_797 = arith.addi %shift_left3A_98, %add3A_796 : vector<16xi32>
      %add3A_798 = arith.addi %shift_left3A_794, %add3A_797 : vector<16xi32>
      %add3A_799 = arith.constant 2048 : i32
      %add3A_800 = vector.broadcast %add3A_799 : i32 to vector<16xi32>
      %add3A_801 = arith.addi %add3A_798, %add3A_800 : vector<16xi32>
      %sub3A_802 = arith.subf %broadcast_in_dim3A_51, %gather3A_791 : vector<16xf32>
      %gt3A_803 = arith.constant 0.000000e+00 : f32
      %gt3A_804 = vector.broadcast %gt3A_803 : f32 to vector<16xf32>
      %gt3A_805 = arith.cmpf ogt, %gather3A_791, %gt3A_804 : vector<16xf32>
      tpu.vector_store_idx %arg17[%add3A_798], %gather3A_791 masked %gt3A_805 {add = true} : memref<34816xf32, #tpu.memory_space<vmem>>[vector<16xi32>], vector<16xf32>, vector<16xi1>
      %gt3A_806 = arith.constant 0.000000e+00 : f32
      %gt3A_807 = vector.broadcast %gt3A_806 : f32 to vector<16xf32>
      %gt3A_808 = arith.cmpf ogt, %sub3A_802, %gt3A_807 : vector<16xf32>
      %lt3A_809 = arith.constant 32768 : i32
      %lt3A_810 = vector.broadcast %lt3A_809 : i32 to vector<16xi32>
      %lt3A_811 = arith.cmpi slt, %add3A_801, %lt3A_810 : vector<16xi32>
      %and3A_812 = arith.andi %gt3A_808, %lt3A_811 : vector<16xi1>
      tpu.vector_store_idx %arg17[%add3A_801], %sub3A_802 masked %and3A_812 {add = true} : memref<34816xf32, #tpu.memory_space<vmem>>[vector<16xi32>], vector<16xf32>, vector<16xi1>
      %mul3A_813 = arith.constant 1.74845553E-7 : f32
      %mul3A_814 = vector.broadcast %mul3A_813 : f32 to vector<16xf32>
      %mul3A_815 = arith.mulf %get3A_92, %mul3A_814 : vector<16xf32>
      %mul3A_816 = arith.constant 1.000000e+00 : f32
      %mul3A_817 = vector.broadcast %mul3A_816 : f32 to vector<16xf32>
      %mul3A_818 = arith.mulf %get3A_94, %mul3A_817 : vector<16xf32>
      %add3A_819 = arith.addf %mul3A_815, %mul3A_818 : vector<16xf32>
      %mul3A_820 = arith.constant 27927.2734 : f32
      %mul3A_821 = vector.broadcast %mul3A_820 : f32 to vector<16xf32>
      %mul3A_822 = arith.mulf %add3A_819, %mul3A_821 : vector<16xf32>
      %add3A_823 = arith.constant 3.276800e+04 : f32
      %add3A_824 = vector.broadcast %add3A_823 : f32 to vector<16xf32>
      %add3A_825 = arith.addf %mul3A_822, %add3A_824 : vector<16xf32>
      %max3A_826 = arith.constant 0.000000e+00 : f32
      %max3A_827 = vector.broadcast %max3A_826 : f32 to vector<16xf32>
      %max3A_828 = arith.maximumf %add3A_825, %max3A_827 : vector<16xf32>
      %min3A_829 = arith.constant 6.553500e+04 : f32
      %min3A_830 = vector.broadcast %min3A_829 : f32 to vector<16xf32>
      %min3A_831 = arith.minimumf %max3A_828, %min3A_830 : vector<16xf32>
      %convert_element_type3A_832 = arith.fptosi %min3A_831 : vector<16xf32> to vector<16xi32>
      %shift_right_logical3A_833 = arith.constant 12 : i32
      %shift_right_logical3A_834 = vector.broadcast %shift_right_logical3A_833 : i32 to vector<16xi32>
      %shift_right_logical3A_835 = arith.shrui %convert_element_type3A_832, %shift_right_logical3A_834 : vector<16xi32>
      %and3A_836 = arith.constant 4095 : i32
      %and3A_837 = vector.broadcast %and3A_836 : i32 to vector<16xi32>
      %and3A_838 = arith.andi %convert_element_type3A_832, %and3A_837 : vector<16xi32>
      %gather3A_839 = tpu.vector_load_idx %arg16[%and3A_838] : memref<4096xf32, #tpu.memory_space<vmem>>[vector<16xi32>], vector<16xf32>,
      %shift_left3A_840 = arith.constant 11 : i32
      %shift_left3A_841 = vector.broadcast %shift_left3A_840 : i32 to vector<16xi32>
      %shift_left3A_842 = arith.shli %shift_right_logical3A_835, %shift_left3A_841 : vector<16xi32>
      %add3A_843 = arith.constant 15 : i32
      %add3A_844 = vector.broadcast %add3A_843 : i32 to vector<16xi32>
      %add3A_845 = arith.addi %shift_left3A_98, %add3A_844 : vector<16xi32>
      %add3A_846 = arith.addi %shift_left3A_842, %add3A_845 : vector<16xi32>
      %add3A_847 = arith.constant 2048 : i32
      %add3A_848 = vector.broadcast %add3A_847 : i32 to vector<16xi32>
      %add3A_849 = arith.addi %add3A_846, %add3A_848 : vector<16xi32>
      %sub3A_850 = arith.subf %broadcast_in_dim3A_51, %gather3A_839 : vector<16xf32>
      %gt3A_851 = arith.constant 0.000000e+00 : f32
      %gt3A_852 = vector.broadcast %gt3A_851 : f32 to vector<16xf32>
      %gt3A_853 = arith.cmpf ogt, %gather3A_839, %gt3A_852 : vector<16xf32>
      tpu.vector_store_idx %arg17[%add3A_846], %gather3A_839 masked %gt3A_853 {add = true} : memref<34816xf32, #tpu.memory_space<vmem>>[vector<16xi32>], vector<16xf32>, vector<16xi1>
      %gt3A_854 = arith.constant 0.000000e+00 : f32
      %gt3A_855 = vector.broadcast %gt3A_854 : f32 to vector<16xf32>
      %gt3A_856 = arith.cmpf ogt, %sub3A_850, %gt3A_855 : vector<16xf32>
      %lt3A_857 = arith.constant 32768 : i32
      %lt3A_858 = vector.broadcast %lt3A_857 : i32 to vector<16xi32>
      %lt3A_859 = arith.cmpi slt, %add3A_849, %lt3A_858 : vector<16xi32>
      %and3A_860 = arith.andi %gt3A_856, %lt3A_859 : vector<16xi1>
      tpu.vector_store_idx %arg17[%add3A_849], %sub3A_850 masked %and3A_860 {add = true} : memref<34816xf32, #tpu.memory_space<vmem>>[vector<16xi32>], vector<16xf32>, vector<16xi1>
    }
    %while3A_81 = arith.constant 1 : i32
    scf.for %while3A_88 = %while3A_79 to %while3A_75 step %while3A_81  : i32 {
      %mul3A_89 = arith.constant 16 : i32
      %mul3A_90 = arith.muli %while3A_88, %mul3A_89 : i32
      %add3A_91 = arith.addi %mul3A_53, %mul3A_90 : i32
      %get3A = arith.index_cast %add3A_91 : i32 to index
      %get3A_92 = tpu.vector_load %arg10[%get3A] {strides = array<i32>} : memref<10000xf32, #tpu.memory_space<vmem>>, vector<16xf32>,
      %get3A_93 = arith.index_cast %add3A_91 : i32 to index
      %get3A_94 = tpu.vector_load %arg11[%get3A_93] {strides = array<i32>} : memref<10000xf32, #tpu.memory_space<vmem>>, vector<16xf32>,
      %get3A_95 = arith.index_cast %add3A_91 : i32 to index
      %get3A_96 = tpu.vector_load %arg12[%get3A_95] {strides = array<i32>} : memref<10000xi32, #tpu.memory_space<vmem>>, vector<16xi32>,
      %shift_left3A = arith.constant 4 : i32
      %shift_left3A_97 = vector.broadcast %shift_left3A : i32 to vector<16xi32>
      %shift_left3A_98 = arith.shli %get3A_96, %shift_left3A_97 : vector<16xi32>
      %mul3A_99 = arith.constant 0.000000e+00 : f32
      %mul3A_100 = vector.broadcast %mul3A_99 : f32 to vector<16xf32>
      %mul3A_101 = arith.mulf %get3A_92, %mul3A_100 : vector<16xf32>
      %mul3A_102 = arith.constant 1.000000e+00 : f32
      %mul3A_103 = vector.broadcast %mul3A_102 : f32 to vector<16xf32>
      %mul3A_104 = arith.mulf %get3A_94, %mul3A_103 : vector<16xf32>
      %add3A_105 = arith.addf %mul3A_101, %mul3A_104 : vector<16xf32>
      %mul3A_106 = arith.constant 27927.2734 : f32
      %mul3A_107 = vector.broadcast %mul3A_106 : f32 to vector<16xf32>
      %mul3A_108 = arith.mulf %add3A_105, %mul3A_107 : vector<16xf32>
      %add3A_109 = arith.constant 3.276800e+04 : f32
      %add3A_110 = vector.broadcast %add3A_109 : f32 to vector<16xf32>
      %add3A_111 = arith.addf %mul3A_108, %add3A_110 : vector<16xf32>
      %max3A = arith.constant 0.000000e+00 : f32
      %max3A_112 = vector.broadcast %max3A : f32 to vector<16xf32>
      %max3A_113 = arith.maximumf %add3A_111, %max3A_112 : vector<16xf32>
      %min3A_114 = arith.constant 6.553500e+04 : f32
      %min3A_115 = vector.broadcast %min3A_114 : f32 to vector<16xf32>
      %min3A_116 = arith.minimumf %max3A_113, %min3A_115 : vector<16xf32>
      %convert_element_type3A = arith.fptosi %min3A_116 : vector<16xf32> to vector<16xi32>
      %shift_right_logical3A = arith.constant 12 : i32
      %shift_right_logical3A_117 = vector.broadcast %shift_right_logical3A : i32 to vector<16xi32>
      %shift_right_logical3A_118 = arith.shrui %convert_element_type3A, %shift_right_logical3A_117 : vector<16xi32>
      %and3A_119 = arith.constant 4095 : i32
      %and3A_120 = vector.broadcast %and3A_119 : i32 to vector<16xi32>
      %and3A_121 = arith.andi %convert_element_type3A, %and3A_120 : vector<16xi32>
      %gather3A = tpu.vector_load_idx %arg16[%and3A_121] : memref<4096xf32, #tpu.memory_space<vmem>>[vector<16xi32>], vector<16xf32>,
      %shift_left3A_122 = arith.constant 11 : i32
      %shift_left3A_123 = vector.broadcast %shift_left3A_122 : i32 to vector<16xi32>
      %shift_left3A_124 = arith.shli %shift_right_logical3A_118, %shift_left3A_123 : vector<16xi32>
      %add3A_125 = arith.constant 0 : i32
      %add3A_126 = vector.broadcast %add3A_125 : i32 to vector<16xi32>
      %add3A_127 = arith.addi %shift_left3A_98, %add3A_126 : vector<16xi32>
      %add3A_128 = arith.addi %shift_left3A_124, %add3A_127 : vector<16xi32>
      %add3A_129 = arith.constant 2048 : i32
      %add3A_130 = vector.broadcast %add3A_129 : i32 to vector<16xi32>
      %add3A_131 = arith.addi %add3A_128, %add3A_130 : vector<16xi32>
      %sub3A_132 = arith.subf %broadcast_in_dim3A_51, %gather3A : vector<16xf32>
      %gt3A = arith.constant 0.000000e+00 : f32
      %gt3A_133 = vector.broadcast %gt3A : f32 to vector<16xf32>
      %gt3A_134 = arith.cmpf ogt, %gather3A, %gt3A_133 : vector<16xf32>
      tpu.vector_store_idx %arg17[%add3A_128], %gather3A masked %gt3A_134 {add = true} : memref<34816xf32, #tpu.memory_space<vmem>>[vector<16xi32>], vector<16xf32>, vector<16xi1>
      %gt3A_135 = arith.constant 0.000000e+00 : f32
      %gt3A_136 = vector.broadcast %gt3A_135 : f32 to vector<16xf32>
      %gt3A_137 = arith.cmpf ogt, %sub3A_132, %gt3A_136 : vector<16xf32>
      %lt3A = arith.constant 32768 : i32
      %lt3A_138 = vector.broadcast %lt3A : i32 to vector<16xi32>
      %lt3A_139 = arith.cmpi slt, %add3A_131, %lt3A_138 : vector<16xi32>
      %and3A_140 = arith.andi %gt3A_137, %lt3A_139 : vector<16xi1>
      tpu.vector_store_idx %arg17[%add3A_131], %sub3A_132 masked %and3A_140 {add = true} : memref<34816xf32, #tpu.memory_space<vmem>>[vector<16xi32>], vector<16xf32>, vector<16xi1>
      %mul3A_141 = arith.constant 0.406736642 : f32
      %mul3A_142 = vector.broadcast %mul3A_141 : f32 to vector<16xf32>
      %mul3A_143 = arith.mulf %get3A_92, %mul3A_142 : vector<16xf32>
      %mul3A_144 = arith.constant 0.913545429 : f32
      %mul3A_145 = vector.broadcast %mul3A_144 : f32 to vector<16xf32>
      %mul3A_146 = arith.mulf %get3A_94, %mul3A_145 : vector<16xf32>
      %add3A_147 = arith.addf %mul3A_143, %mul3A_146 : vector<16xf32>
      %mul3A_148 = arith.constant 27927.2734 : f32
      %mul3A_149 = vector.broadcast %mul3A_148 : f32 to vector<16xf32>
      %mul3A_150 = arith.mulf %add3A_147, %mul3A_149 : vector<16xf32>
      %add3A_151 = arith.constant 3.276800e+04 : f32
      %add3A_152 = vector.broadcast %add3A_151 : f32 to vector<16xf32>
      %add3A_153 = arith.addf %mul3A_150, %add3A_152 : vector<16xf32>
      %max3A_154 = arith.constant 0.000000e+00 : f32
      %max3A_155 = vector.broadcast %max3A_154 : f32 to vector<16xf32>
      %max3A_156 = arith.maximumf %add3A_153, %max3A_155 : vector<16xf32>
      %min3A_157 = arith.constant 6.553500e+04 : f32
      %min3A_158 = vector.broadcast %min3A_157 : f32 to vector<16xf32>
      %min3A_159 = arith.minimumf %max3A_156, %min3A_158 : vector<16xf32>
      %convert_element_type3A_160 = arith.fptosi %min3A_159 : vector<16xf32> to vector<16xi32>
      %shift_right_logical3A_161 = arith.constant 12 : i32
      %shift_right_logical3A_162 = vector.broadcast %shift_right_logical3A_161 : i32 to vector<16xi32>
      %shift_right_logical3A_163 = arith.shrui %convert_element_type3A_160, %shift_right_logical3A_162 : vector<16xi32>
      %and3A_164 = arith.constant 4095 : i32
      %and3A_165 = vector.broadcast %and3A_164 : i32 to vector<16xi32>
      %and3A_166 = arith.andi %convert_element_type3A_160, %and3A_165 : vector<16xi32>
      %gather3A_167 = tpu.vector_load_idx %arg16[%and3A_166] : memref<4096xf32, #tpu.memory_space<vmem>>[vector<16xi32>], vector<16xf32>,
      %shift_left3A_168 = arith.constant 11 : i32
      %shift_left3A_169 = vector.broadcast %shift_left3A_168 : i32 to vector<16xi32>
      %shift_left3A_170 = arith.shli %shift_right_logical3A_163, %shift_left3A_169 : vector<16xi32>
      %add3A_171 = arith.constant 1 : i32
      %add3A_172 = vector.broadcast %add3A_171 : i32 to vector<16xi32>
      %add3A_173 = arith.addi %shift_left3A_98, %add3A_172 : vector<16xi32>
      %add3A_174 = arith.addi %shift_left3A_170, %add3A_173 : vector<16xi32>
      %add3A_175 = arith.constant 2048 : i32
      %add3A_176 = vector.broadcast %add3A_175 : i32 to vector<16xi32>
      %add3A_177 = arith.addi %add3A_174, %add3A_176 : vector<16xi32>
      %sub3A_178 = arith.subf %broadcast_in_dim3A_51, %gather3A_167 : vector<16xf32>
      %gt3A_179 = arith.constant 0.000000e+00 : f32
      %gt3A_180 = vector.broadcast %gt3A_179 : f32 to vector<16xf32>
      %gt3A_181 = arith.cmpf ogt, %gather3A_167, %gt3A_180 : vector<16xf32>
      tpu.vector_store_idx %arg17[%add3A_174], %gather3A_167 masked %gt3A_181 {add = true} : memref<34816xf32, #tpu.memory_space<vmem>>[vector<16xi32>], vector<16xf32>, vector<16xi1>
      %gt3A_182 = arith.constant 0.000000e+00 : f32
      %gt3A_183 = vector.broadcast %gt3A_182 : f32 to vector<16xf32>
      %gt3A_184 = arith.cmpf ogt, %sub3A_178, %gt3A_183 : vector<16xf32>
      %lt3A_185 = arith.constant 32768 : i32
      %lt3A_186 = vector.broadcast %lt3A_185 : i32 to vector<16xi32>
      %lt3A_187 = arith.cmpi slt, %add3A_177, %lt3A_186 : vector<16xi32>
      %and3A_188 = arith.andi %gt3A_184, %lt3A_187 : vector<16xi1>
      tpu.vector_store_idx %arg17[%add3A_177], %sub3A_178 masked %and3A_188 {add = true} : memref<34816xf32, #tpu.memory_space<vmem>>[vector<16xi32>], vector<16xf32>, vector<16xi1>
      %mul3A_189 = arith.constant 0.74314487 : f32
      %mul3A_190 = vector.broadcast %mul3A_189 : f32 to vector<16xf32>
      %mul3A_191 = arith.mulf %get3A_92, %mul3A_190 : vector<16xf32>
      %mul3A_192 = arith.constant 0.669130564 : f32
      %mul3A_193 = vector.broadcast %mul3A_192 : f32 to vector<16xf32>
      %mul3A_194 = arith.mulf %get3A_94, %mul3A_193 : vector<16xf32>
      %add3A_195 = arith.addf %mul3A_191, %mul3A_194 : vector<16xf32>
      %mul3A_196 = arith.constant 27927.2734 : f32
      %mul3A_197 = vector.broadcast %mul3A_196 : f32 to vector<16xf32>
      %mul3A_198 = arith.mulf %add3A_195, %mul3A_197 : vector<16xf32>
      %add3A_199 = arith.constant 3.276800e+04 : f32
      %add3A_200 = vector.broadcast %add3A_199 : f32 to vector<16xf32>
      %add3A_201 = arith.addf %mul3A_198, %add3A_200 : vector<16xf32>
      %max3A_202 = arith.constant 0.000000e+00 : f32
      %max3A_203 = vector.broadcast %max3A_202 : f32 to vector<16xf32>
      %max3A_204 = arith.maximumf %add3A_201, %max3A_203 : vector<16xf32>
      %min3A_205 = arith.constant 6.553500e+04 : f32
      %min3A_206 = vector.broadcast %min3A_205 : f32 to vector<16xf32>
      %min3A_207 = arith.minimumf %max3A_204, %min3A_206 : vector<16xf32>
      %convert_element_type3A_208 = arith.fptosi %min3A_207 : vector<16xf32> to vector<16xi32>
      %shift_right_logical3A_209 = arith.constant 12 : i32
      %shift_right_logical3A_210 = vector.broadcast %shift_right_logical3A_209 : i32 to vector<16xi32>
      %shift_right_logical3A_211 = arith.shrui %convert_element_type3A_208, %shift_right_logical3A_210 : vector<16xi32>
      %and3A_212 = arith.constant 4095 : i32
      %and3A_213 = vector.broadcast %and3A_212 : i32 to vector<16xi32>
      %and3A_214 = arith.andi %convert_element_type3A_208, %and3A_213 : vector<16xi32>
      %gather3A_215 = tpu.vector_load_idx %arg16[%and3A_214] : memref<4096xf32, #tpu.memory_space<vmem>>[vector<16xi32>], vector<16xf32>,
      %shift_left3A_216 = arith.constant 11 : i32
      %shift_left3A_217 = vector.broadcast %shift_left3A_216 : i32 to vector<16xi32>
      %shift_left3A_218 = arith.shli %shift_right_logical3A_211, %shift_left3A_217 : vector<16xi32>
      %add3A_219 = arith.constant 2 : i32
      %add3A_220 = vector.broadcast %add3A_219 : i32 to vector<16xi32>
      %add3A_221 = arith.addi %shift_left3A_98, %add3A_220 : vector<16xi32>
      %add3A_222 = arith.addi %shift_left3A_218, %add3A_221 : vector<16xi32>
      %add3A_223 = arith.constant 2048 : i32
      %add3A_224 = vector.broadcast %add3A_223 : i32 to vector<16xi32>
      %add3A_225 = arith.addi %add3A_222, %add3A_224 : vector<16xi32>
      %sub3A_226 = arith.subf %broadcast_in_dim3A_51, %gather3A_215 : vector<16xf32>
      %gt3A_227 = arith.constant 0.000000e+00 : f32
      %gt3A_228 = vector.broadcast %gt3A_227 : f32 to vector<16xf32>
      %gt3A_229 = arith.cmpf ogt, %gather3A_215, %gt3A_228 : vector<16xf32>
      tpu.vector_store_idx %arg17[%add3A_222], %gather3A_215 masked %gt3A_229 {add = true} : memref<34816xf32, #tpu.memory_space<vmem>>[vector<16xi32>], vector<16xf32>, vector<16xi1>
      %gt3A_230 = arith.constant 0.000000e+00 : f32
      %gt3A_231 = vector.broadcast %gt3A_230 : f32 to vector<16xf32>
      %gt3A_232 = arith.cmpf ogt, %sub3A_226, %gt3A_231 : vector<16xf32>
      %lt3A_233 = arith.constant 32768 : i32
      %lt3A_234 = vector.broadcast %lt3A_233 : i32 to vector<16xi32>
      %lt3A_235 = arith.cmpi slt, %add3A_225, %lt3A_234 : vector<16xi32>
      %and3A_236 = arith.andi %gt3A_232, %lt3A_235 : vector<16xi1>
      tpu.vector_store_idx %arg17[%add3A_225], %sub3A_226 masked %and3A_236 {add = true} : memref<34816xf32, #tpu.memory_space<vmem>>[vector<16xi32>], vector<16xf32>, vector<16xi1>
      %mul3A_237 = arith.constant 0.95105654 : f32
      %mul3A_238 = vector.broadcast %mul3A_237 : f32 to vector<16xf32>
      %mul3A_239 = arith.mulf %get3A_92, %mul3A_238 : vector<16xf32>
      %mul3A_240 = arith.constant 0.309016973 : f32
      %mul3A_241 = vector.broadcast %mul3A_240 : f32 to vector<16xf32>
      %mul3A_242 = arith.mulf %get3A_94, %mul3A_241 : vector<16xf32>
      %add3A_243 = arith.addf %mul3A_239, %mul3A_242 : vector<16xf32>
      %mul3A_244 = arith.constant 27927.2734 : f32
      %mul3A_245 = vector.broadcast %mul3A_244 : f32 to vector<16xf32>
      %mul3A_246 = arith.mulf %add3A_243, %mul3A_245 : vector<16xf32>
      %add3A_247 = arith.constant 3.276800e+04 : f32
      %add3A_248 = vector.broadcast %add3A_247 : f32 to vector<16xf32>
      %add3A_249 = arith.addf %mul3A_246, %add3A_248 : vector<16xf32>
      %max3A_250 = arith.constant 0.000000e+00 : f32
      %max3A_251 = vector.broadcast %max3A_250 : f32 to vector<16xf32>
      %max3A_252 = arith.maximumf %add3A_249, %max3A_251 : vector<16xf32>
      %min3A_253 = arith.constant 6.553500e+04 : f32
      %min3A_254 = vector.broadcast %min3A_253 : f32 to vector<16xf32>
      %min3A_255 = arith.minimumf %max3A_252, %min3A_254 : vector<16xf32>
      %convert_element_type3A_256 = arith.fptosi %min3A_255 : vector<16xf32> to vector<16xi32>
      %shift_right_logical3A_257 = arith.constant 12 : i32
      %shift_right_logical3A_258 = vector.broadcast %shift_right_logical3A_257 : i32 to vector<16xi32>
      %shift_right_logical3A_259 = arith.shrui %convert_element_type3A_256, %shift_right_logical3A_258 : vector<16xi32>
      %and3A_260 = arith.constant 4095 : i32
      %and3A_261 = vector.broadcast %and3A_260 : i32 to vector<16xi32>
      %and3A_262 = arith.andi %convert_element_type3A_256, %and3A_261 : vector<16xi32>
      %gather3A_263 = tpu.vector_load_idx %arg16[%and3A_262] : memref<4096xf32, #tpu.memory_space<vmem>>[vector<16xi32>], vector<16xf32>,
      %shift_left3A_264 = arith.constant 11 : i32
      %shift_left3A_265 = vector.broadcast %shift_left3A_264 : i32 to vector<16xi32>
      %shift_left3A_266 = arith.shli %shift_right_logical3A_259, %shift_left3A_265 : vector<16xi32>
      %add3A_267 = arith.constant 3 : i32
      %add3A_268 = vector.broadcast %add3A_267 : i32 to vector<16xi32>
      %add3A_269 = arith.addi %shift_left3A_98, %add3A_268 : vector<16xi32>
      %add3A_270 = arith.addi %shift_left3A_266, %add3A_269 : vector<16xi32>
      %add3A_271 = arith.constant 2048 : i32
      %add3A_272 = vector.broadcast %add3A_271 : i32 to vector<16xi32>
      %add3A_273 = arith.addi %add3A_270, %add3A_272 : vector<16xi32>
      %sub3A_274 = arith.subf %broadcast_in_dim3A_51, %gather3A_263 : vector<16xf32>
      %gt3A_275 = arith.constant 0.000000e+00 : f32
      %gt3A_276 = vector.broadcast %gt3A_275 : f32 to vector<16xf32>
      %gt3A_277 = arith.cmpf ogt, %gather3A_263, %gt3A_276 : vector<16xf32>
      tpu.vector_store_idx %arg17[%add3A_270], %gather3A_263 masked %gt3A_277 {add = true} : memref<34816xf32, #tpu.memory_space<vmem>>[vector<16xi32>], vector<16xf32>, vector<16xi1>
      %gt3A_278 = arith.constant 0.000000e+00 : f32
      %gt3A_279 = vector.broadcast %gt3A_278 : f32 to vector<16xf32>
      %gt3A_280 = arith.cmpf ogt, %sub3A_274, %gt3A_279 : vector<16xf32>
      %lt3A_281 = arith.constant 32768 : i32
      %lt3A_282 = vector.broadcast %lt3A_281 : i32 to vector<16xi32>
      %lt3A_283 = arith.cmpi slt, %add3A_273, %lt3A_282 : vector<16xi32>
      %and3A_284 = arith.andi %gt3A_280, %lt3A_283 : vector<16xi1>
      tpu.vector_store_idx %arg17[%add3A_273], %sub3A_274 masked %and3A_284 {add = true} : memref<34816xf32, #tpu.memory_space<vmem>>[vector<16xi32>], vector<16xf32>, vector<16xi1>
      %mul3A_285 = arith.constant 0.994521915 : f32
      %mul3A_286 = vector.broadcast %mul3A_285 : f32 to vector<16xf32>
      %mul3A_287 = arith.mulf %get3A_92, %mul3A_286 : vector<16xf32>
      %mul3A_288 = arith.constant -0.104528509 : f32
      %mul3A_289 = vector.broadcast %mul3A_288 : f32 to vector<16xf32>
      %mul3A_290 = arith.mulf %get3A_94, %mul3A_289 : vector<16xf32>
      %add3A_291 = arith.addf %mul3A_287, %mul3A_290 : vector<16xf32>
      %mul3A_292 = arith.constant 27927.2734 : f32
      %mul3A_293 = vector.broadcast %mul3A_292 : f32 to vector<16xf32>
      %mul3A_294 = arith.mulf %add3A_291, %mul3A_293 : vector<16xf32>
      %add3A_295 = arith.constant 3.276800e+04 : f32
      %add3A_296 = vector.broadcast %add3A_295 : f32 to vector<16xf32>
      %add3A_297 = arith.addf %mul3A_294, %add3A_296 : vector<16xf32>
      %max3A_298 = arith.constant 0.000000e+00 : f32
      %max3A_299 = vector.broadcast %max3A_298 : f32 to vector<16xf32>
      %max3A_300 = arith.maximumf %add3A_297, %max3A_299 : vector<16xf32>
      %min3A_301 = arith.constant 6.553500e+04 : f32
      %min3A_302 = vector.broadcast %min3A_301 : f32 to vector<16xf32>
      %min3A_303 = arith.minimumf %max3A_300, %min3A_302 : vector<16xf32>
      %convert_element_type3A_304 = arith.fptosi %min3A_303 : vector<16xf32> to vector<16xi32>
      %shift_right_logical3A_305 = arith.constant 12 : i32
      %shift_right_logical3A_306 = vector.broadcast %shift_right_logical3A_305 : i32 to vector<16xi32>
      %shift_right_logical3A_307 = arith.shrui %convert_element_type3A_304, %shift_right_logical3A_306 : vector<16xi32>
      %and3A_308 = arith.constant 4095 : i32
      %and3A_309 = vector.broadcast %and3A_308 : i32 to vector<16xi32>
      %and3A_310 = arith.andi %convert_element_type3A_304, %and3A_309 : vector<16xi32>
      %gather3A_311 = tpu.vector_load_idx %arg16[%and3A_310] : memref<4096xf32, #tpu.memory_space<vmem>>[vector<16xi32>], vector<16xf32>,
      %shift_left3A_312 = arith.constant 11 : i32
      %shift_left3A_313 = vector.broadcast %shift_left3A_312 : i32 to vector<16xi32>
      %shift_left3A_314 = arith.shli %shift_right_logical3A_307, %shift_left3A_313 : vector<16xi32>
      %add3A_315 = arith.constant 4 : i32
      %add3A_316 = vector.broadcast %add3A_315 : i32 to vector<16xi32>
      %add3A_317 = arith.addi %shift_left3A_98, %add3A_316 : vector<16xi32>
      %add3A_318 = arith.addi %shift_left3A_314, %add3A_317 : vector<16xi32>
      %add3A_319 = arith.constant 2048 : i32
      %add3A_320 = vector.broadcast %add3A_319 : i32 to vector<16xi32>
      %add3A_321 = arith.addi %add3A_318, %add3A_320 : vector<16xi32>
      %sub3A_322 = arith.subf %broadcast_in_dim3A_51, %gather3A_311 : vector<16xf32>
      %gt3A_323 = arith.constant 0.000000e+00 : f32
      %gt3A_324 = vector.broadcast %gt3A_323 : f32 to vector<16xf32>
      %gt3A_325 = arith.cmpf ogt, %gather3A_311, %gt3A_324 : vector<16xf32>
      tpu.vector_store_idx %arg17[%add3A_318], %gather3A_311 masked %gt3A_325 {add = true} : memref<34816xf32, #tpu.memory_space<vmem>>[vector<16xi32>], vector<16xf32>, vector<16xi1>
      %gt3A_326 = arith.constant 0.000000e+00 : f32
      %gt3A_327 = vector.broadcast %gt3A_326 : f32 to vector<16xf32>
      %gt3A_328 = arith.cmpf ogt, %sub3A_322, %gt3A_327 : vector<16xf32>
      %lt3A_329 = arith.constant 32768 : i32
      %lt3A_330 = vector.broadcast %lt3A_329 : i32 to vector<16xi32>
      %lt3A_331 = arith.cmpi slt, %add3A_321, %lt3A_330 : vector<16xi32>
      %and3A_332 = arith.andi %gt3A_328, %lt3A_331 : vector<16xi1>
      tpu.vector_store_idx %arg17[%add3A_321], %sub3A_322 masked %and3A_332 {add = true} : memref<34816xf32, #tpu.memory_space<vmem>>[vector<16xi32>], vector<16xf32>, vector<16xi1>
      %mul3A_333 = arith.constant 0.866025388 : f32
      %mul3A_334 = vector.broadcast %mul3A_333 : f32 to vector<16xf32>
      %mul3A_335 = arith.mulf %get3A_92, %mul3A_334 : vector<16xf32>
      %mul3A_336 = arith.constant -0.50000006 : f32
      %mul3A_337 = vector.broadcast %mul3A_336 : f32 to vector<16xf32>
      %mul3A_338 = arith.mulf %get3A_94, %mul3A_337 : vector<16xf32>
      %add3A_339 = arith.addf %mul3A_335, %mul3A_338 : vector<16xf32>
      %mul3A_340 = arith.constant 27927.2734 : f32
      %mul3A_341 = vector.broadcast %mul3A_340 : f32 to vector<16xf32>
      %mul3A_342 = arith.mulf %add3A_339, %mul3A_341 : vector<16xf32>
      %add3A_343 = arith.constant 3.276800e+04 : f32
      %add3A_344 = vector.broadcast %add3A_343 : f32 to vector<16xf32>
      %add3A_345 = arith.addf %mul3A_342, %add3A_344 : vector<16xf32>
      %max3A_346 = arith.constant 0.000000e+00 : f32
      %max3A_347 = vector.broadcast %max3A_346 : f32 to vector<16xf32>
      %max3A_348 = arith.maximumf %add3A_345, %max3A_347 : vector<16xf32>
      %min3A_349 = arith.constant 6.553500e+04 : f32
      %min3A_350 = vector.broadcast %min3A_349 : f32 to vector<16xf32>
      %min3A_351 = arith.minimumf %max3A_348, %min3A_350 : vector<16xf32>
      %convert_element_type3A_352 = arith.fptosi %min3A_351 : vector<16xf32> to vector<16xi32>
      %shift_right_logical3A_353 = arith.constant 12 : i32
      %shift_right_logical3A_354 = vector.broadcast %shift_right_logical3A_353 : i32 to vector<16xi32>
      %shift_right_logical3A_355 = arith.shrui %convert_element_type3A_352, %shift_right_logical3A_354 : vector<16xi32>
      %and3A_356 = arith.constant 4095 : i32
      %and3A_357 = vector.broadcast %and3A_356 : i32 to vector<16xi32>
      %and3A_358 = arith.andi %convert_element_type3A_352, %and3A_357 : vector<16xi32>
      %gather3A_359 = tpu.vector_load_idx %arg16[%and3A_358] : memref<4096xf32, #tpu.memory_space<vmem>>[vector<16xi32>], vector<16xf32>,
      %shift_left3A_360 = arith.constant 11 : i32
      %shift_left3A_361 = vector.broadcast %shift_left3A_360 : i32 to vector<16xi32>
      %shift_left3A_362 = arith.shli %shift_right_logical3A_355, %shift_left3A_361 : vector<16xi32>
      %add3A_363 = arith.constant 5 : i32
      %add3A_364 = vector.broadcast %add3A_363 : i32 to vector<16xi32>
      %add3A_365 = arith.addi %shift_left3A_98, %add3A_364 : vector<16xi32>
      %add3A_366 = arith.addi %shift_left3A_362, %add3A_365 : vector<16xi32>
      %add3A_367 = arith.constant 2048 : i32
      %add3A_368 = vector.broadcast %add3A_367 : i32 to vector<16xi32>
      %add3A_369 = arith.addi %add3A_366, %add3A_368 : vector<16xi32>
      %sub3A_370 = arith.subf %broadcast_in_dim3A_51, %gather3A_359 : vector<16xf32>
      %gt3A_371 = arith.constant 0.000000e+00 : f32
      %gt3A_372 = vector.broadcast %gt3A_371 : f32 to vector<16xf32>
      %gt3A_373 = arith.cmpf ogt, %gather3A_359, %gt3A_372 : vector<16xf32>
      tpu.vector_store_idx %arg17[%add3A_366], %gather3A_359 masked %gt3A_373 {add = true} : memref<34816xf32, #tpu.memory_space<vmem>>[vector<16xi32>], vector<16xf32>, vector<16xi1>
      %gt3A_374 = arith.constant 0.000000e+00 : f32
      %gt3A_375 = vector.broadcast %gt3A_374 : f32 to vector<16xf32>
      %gt3A_376 = arith.cmpf ogt, %sub3A_370, %gt3A_375 : vector<16xf32>
      %lt3A_377 = arith.constant 32768 : i32
      %lt3A_378 = vector.broadcast %lt3A_377 : i32 to vector<16xi32>
      %lt3A_379 = arith.cmpi slt, %add3A_369, %lt3A_378 : vector<16xi32>
      %and3A_380 = arith.andi %gt3A_376, %lt3A_379 : vector<16xi1>
      tpu.vector_store_idx %arg17[%add3A_369], %sub3A_370 masked %and3A_380 {add = true} : memref<34816xf32, #tpu.memory_space<vmem>>[vector<16xi32>], vector<16xf32>, vector<16xi1>
      %mul3A_381 = arith.constant 0.587785244 : f32
      %mul3A_382 = vector.broadcast %mul3A_381 : f32 to vector<16xf32>
      %mul3A_383 = arith.mulf %get3A_92, %mul3A_382 : vector<16xf32>
      %mul3A_384 = arith.constant -8.090170e-01 : f32
      %mul3A_385 = vector.broadcast %mul3A_384 : f32 to vector<16xf32>
      %mul3A_386 = arith.mulf %get3A_94, %mul3A_385 : vector<16xf32>
      %add3A_387 = arith.addf %mul3A_383, %mul3A_386 : vector<16xf32>
      %mul3A_388 = arith.constant 27927.2734 : f32
      %mul3A_389 = vector.broadcast %mul3A_388 : f32 to vector<16xf32>
      %mul3A_390 = arith.mulf %add3A_387, %mul3A_389 : vector<16xf32>
      %add3A_391 = arith.constant 3.276800e+04 : f32
      %add3A_392 = vector.broadcast %add3A_391 : f32 to vector<16xf32>
      %add3A_393 = arith.addf %mul3A_390, %add3A_392 : vector<16xf32>
      %max3A_394 = arith.constant 0.000000e+00 : f32
      %max3A_395 = vector.broadcast %max3A_394 : f32 to vector<16xf32>
      %max3A_396 = arith.maximumf %add3A_393, %max3A_395 : vector<16xf32>
      %min3A_397 = arith.constant 6.553500e+04 : f32
      %min3A_398 = vector.broadcast %min3A_397 : f32 to vector<16xf32>
      %min3A_399 = arith.minimumf %max3A_396, %min3A_398 : vector<16xf32>
      %convert_element_type3A_400 = arith.fptosi %min3A_399 : vector<16xf32> to vector<16xi32>
      %shift_right_logical3A_401 = arith.constant 12 : i32
      %shift_right_logical3A_402 = vector.broadcast %shift_right_logical3A_401 : i32 to vector<16xi32>
      %shift_right_logical3A_403 = arith.shrui %convert_element_type3A_400, %shift_right_logical3A_402 : vector<16xi32>
      %and3A_404 = arith.constant 4095 : i32
      %and3A_405 = vector.broadcast %and3A_404 : i32 to vector<16xi32>
      %and3A_406 = arith.andi %convert_element_type3A_400, %and3A_405 : vector<16xi32>
      %gather3A_407 = tpu.vector_load_idx %arg16[%and3A_406] : memref<4096xf32, #tpu.memory_space<vmem>>[vector<16xi32>], vector<16xf32>,
      %shift_left3A_408 = arith.constant 11 : i32
      %shift_left3A_409 = vector.broadcast %shift_left3A_408 : i32 to vector<16xi32>
      %shift_left3A_410 = arith.shli %shift_right_logical3A_403, %shift_left3A_409 : vector<16xi32>
      %add3A_411 = arith.constant 6 : i32
      %add3A_412 = vector.broadcast %add3A_411 : i32 to vector<16xi32>
      %add3A_413 = arith.addi %shift_left3A_98, %add3A_412 : vector<16xi32>
      %add3A_414 = arith.addi %shift_left3A_410, %add3A_413 : vector<16xi32>
      %add3A_415 = arith.constant 2048 : i32
      %add3A_416 = vector.broadcast %add3A_415 : i32 to vector<16xi32>
      %add3A_417 = arith.addi %add3A_414, %add3A_416 : vector<16xi32>
      %sub3A_418 = arith.subf %broadcast_in_dim3A_51, %gather3A_407 : vector<16xf32>
      %gt3A_419 = arith.constant 0.000000e+00 : f32
      %gt3A_420 = vector.broadcast %gt3A_419 : f32 to vector<16xf32>
      %gt3A_421 = arith.cmpf ogt, %gather3A_407, %gt3A_420 : vector<16xf32>
      tpu.vector_store_idx %arg17[%add3A_414], %gather3A_407 masked %gt3A_421 {add = true} : memref<34816xf32, #tpu.memory_space<vmem>>[vector<16xi32>], vector<16xf32>, vector<16xi1>
      %gt3A_422 = arith.constant 0.000000e+00 : f32
      %gt3A_423 = vector.broadcast %gt3A_422 : f32 to vector<16xf32>
      %gt3A_424 = arith.cmpf ogt, %sub3A_418, %gt3A_423 : vector<16xf32>
      %lt3A_425 = arith.constant 32768 : i32
      %lt3A_426 = vector.broadcast %lt3A_425 : i32 to vector<16xi32>
      %lt3A_427 = arith.cmpi slt, %add3A_417, %lt3A_426 : vector<16xi32>
      %and3A_428 = arith.andi %gt3A_424, %lt3A_427 : vector<16xi1>
      tpu.vector_store_idx %arg17[%add3A_417], %sub3A_418 masked %and3A_428 {add = true} : memref<34816xf32, #tpu.memory_space<vmem>>[vector<16xi32>], vector<16xf32>, vector<16xi1>
      %mul3A_429 = arith.constant 0.207911611 : f32
      %mul3A_430 = vector.broadcast %mul3A_429 : f32 to vector<16xf32>
      %mul3A_431 = arith.mulf %get3A_92, %mul3A_430 : vector<16xf32>
      %mul3A_432 = arith.constant -0.978147625 : f32
      %mul3A_433 = vector.broadcast %mul3A_432 : f32 to vector<16xf32>
      %mul3A_434 = arith.mulf %get3A_94, %mul3A_433 : vector<16xf32>
      %add3A_435 = arith.addf %mul3A_431, %mul3A_434 : vector<16xf32>
      %mul3A_436 = arith.constant 27927.2734 : f32
      %mul3A_437 = vector.broadcast %mul3A_436 : f32 to vector<16xf32>
      %mul3A_438 = arith.mulf %add3A_435, %mul3A_437 : vector<16xf32>
      %add3A_439 = arith.constant 3.276800e+04 : f32
      %add3A_440 = vector.broadcast %add3A_439 : f32 to vector<16xf32>
      %add3A_441 = arith.addf %mul3A_438, %add3A_440 : vector<16xf32>
      %max3A_442 = arith.constant 0.000000e+00 : f32
      %max3A_443 = vector.broadcast %max3A_442 : f32 to vector<16xf32>
      %max3A_444 = arith.maximumf %add3A_441, %max3A_443 : vector<16xf32>
      %min3A_445 = arith.constant 6.553500e+04 : f32
      %min3A_446 = vector.broadcast %min3A_445 : f32 to vector<16xf32>
      %min3A_447 = arith.minimumf %max3A_444, %min3A_446 : vector<16xf32>
      %convert_element_type3A_448 = arith.fptosi %min3A_447 : vector<16xf32> to vector<16xi32>
      %shift_right_logical3A_449 = arith.constant 12 : i32
      %shift_right_logical3A_450 = vector.broadcast %shift_right_logical3A_449 : i32 to vector<16xi32>
      %shift_right_logical3A_451 = arith.shrui %convert_element_type3A_448, %shift_right_logical3A_450 : vector<16xi32>
      %and3A_452 = arith.constant 4095 : i32
      %and3A_453 = vector.broadcast %and3A_452 : i32 to vector<16xi32>
      %and3A_454 = arith.andi %convert_element_type3A_448, %and3A_453 : vector<16xi32>
      %gather3A_455 = tpu.vector_load_idx %arg16[%and3A_454] : memref<4096xf32, #tpu.memory_space<vmem>>[vector<16xi32>], vector<16xf32>,
      %shift_left3A_456 = arith.constant 11 : i32
      %shift_left3A_457 = vector.broadcast %shift_left3A_456 : i32 to vector<16xi32>
      %shift_left3A_458 = arith.shli %shift_right_logical3A_451, %shift_left3A_457 : vector<16xi32>
      %add3A_459 = arith.constant 7 : i32
      %add3A_460 = vector.broadcast %add3A_459 : i32 to vector<16xi32>
      %add3A_461 = arith.addi %shift_left3A_98, %add3A_460 : vector<16xi32>
      %add3A_462 = arith.addi %shift_left3A_458, %add3A_461 : vector<16xi32>
      %add3A_463 = arith.constant 2048 : i32
      %add3A_464 = vector.broadcast %add3A_463 : i32 to vector<16xi32>
      %add3A_465 = arith.addi %add3A_462, %add3A_464 : vector<16xi32>
      %sub3A_466 = arith.subf %broadcast_in_dim3A_51, %gather3A_455 : vector<16xf32>
      %gt3A_467 = arith.constant 0.000000e+00 : f32
      %gt3A_468 = vector.broadcast %gt3A_467 : f32 to vector<16xf32>
      %gt3A_469 = arith.cmpf ogt, %gather3A_455, %gt3A_468 : vector<16xf32>
      tpu.vector_store_idx %arg17[%add3A_462], %gather3A_455 masked %gt3A_469 {add = true} : memref<34816xf32, #tpu.memory_space<vmem>>[vector<16xi32>], vector<16xf32>, vector<16xi1>
      %gt3A_470 = arith.constant 0.000000e+00 : f32
      %gt3A_471 = vector.broadcast %gt3A_470 : f32 to vector<16xf32>
      %gt3A_472 = arith.cmpf ogt, %sub3A_466, %gt3A_471 : vector<16xf32>
      %lt3A_473 = arith.constant 32768 : i32
      %lt3A_474 = vector.broadcast %lt3A_473 : i32 to vector<16xi32>
      %lt3A_475 = arith.cmpi slt, %add3A_465, %lt3A_474 : vector<16xi32>
      %and3A_476 = arith.andi %gt3A_472, %lt3A_475 : vector<16xi1>
      tpu.vector_store_idx %arg17[%add3A_465], %sub3A_466 masked %and3A_476 {add = true} : memref<34816xf32, #tpu.memory_space<vmem>>[vector<16xi32>], vector<16xf32>, vector<16xi1>
      %mul3A_477 = arith.constant -0.207911789 : f32
      %mul3A_478 = vector.broadcast %mul3A_477 : f32 to vector<16xf32>
      %mul3A_479 = arith.mulf %get3A_92, %mul3A_478 : vector<16xf32>
      %mul3A_480 = arith.constant -0.978147566 : f32
      %mul3A_481 = vector.broadcast %mul3A_480 : f32 to vector<16xf32>
      %mul3A_482 = arith.mulf %get3A_94, %mul3A_481 : vector<16xf32>
      %add3A_483 = arith.addf %mul3A_479, %mul3A_482 : vector<16xf32>
      %mul3A_484 = arith.constant 27927.2734 : f32
      %mul3A_485 = vector.broadcast %mul3A_484 : f32 to vector<16xf32>
      %mul3A_486 = arith.mulf %add3A_483, %mul3A_485 : vector<16xf32>
      %add3A_487 = arith.constant 3.276800e+04 : f32
      %add3A_488 = vector.broadcast %add3A_487 : f32 to vector<16xf32>
      %add3A_489 = arith.addf %mul3A_486, %add3A_488 : vector<16xf32>
      %max3A_490 = arith.constant 0.000000e+00 : f32
      %max3A_491 = vector.broadcast %max3A_490 : f32 to vector<16xf32>
      %max3A_492 = arith.maximumf %add3A_489, %max3A_491 : vector<16xf32>
      %min3A_493 = arith.constant 6.553500e+04 : f32
      %min3A_494 = vector.broadcast %min3A_493 : f32 to vector<16xf32>
      %min3A_495 = arith.minimumf %max3A_492, %min3A_494 : vector<16xf32>
      %convert_element_type3A_496 = arith.fptosi %min3A_495 : vector<16xf32> to vector<16xi32>
      %shift_right_logical3A_497 = arith.constant 12 : i32
      %shift_right_logical3A_498 = vector.broadcast %shift_right_logical3A_497 : i32 to vector<16xi32>
      %shift_right_logical3A_499 = arith.shrui %convert_element_type3A_496, %shift_right_logical3A_498 : vector<16xi32>
      %and3A_500 = arith.constant 4095 : i32
      %and3A_501 = vector.broadcast %and3A_500 : i32 to vector<16xi32>
      %and3A_502 = arith.andi %convert_element_type3A_496, %and3A_501 : vector<16xi32>
      %gather3A_503 = tpu.vector_load_idx %arg16[%and3A_502] : memref<4096xf32, #tpu.memory_space<vmem>>[vector<16xi32>], vector<16xf32>,
      %shift_left3A_504 = arith.constant 11 : i32
      %shift_left3A_505 = vector.broadcast %shift_left3A_504 : i32 to vector<16xi32>
      %shift_left3A_506 = arith.shli %shift_right_logical3A_499, %shift_left3A_505 : vector<16xi32>
      %add3A_507 = arith.constant 8 : i32
      %add3A_508 = vector.broadcast %add3A_507 : i32 to vector<16xi32>
      %add3A_509 = arith.addi %shift_left3A_98, %add3A_508 : vector<16xi32>
      %add3A_510 = arith.addi %shift_left3A_506, %add3A_509 : vector<16xi32>
      %add3A_511 = arith.constant 2048 : i32
      %add3A_512 = vector.broadcast %add3A_511 : i32 to vector<16xi32>
      %add3A_513 = arith.addi %add3A_510, %add3A_512 : vector<16xi32>
      %sub3A_514 = arith.subf %broadcast_in_dim3A_51, %gather3A_503 : vector<16xf32>
      %gt3A_515 = arith.constant 0.000000e+00 : f32
      %gt3A_516 = vector.broadcast %gt3A_515 : f32 to vector<16xf32>
      %gt3A_517 = arith.cmpf ogt, %gather3A_503, %gt3A_516 : vector<16xf32>
      tpu.vector_store_idx %arg17[%add3A_510], %gather3A_503 masked %gt3A_517 {add = true} : memref<34816xf32, #tpu.memory_space<vmem>>[vector<16xi32>], vector<16xf32>, vector<16xi1>
      %gt3A_518 = arith.constant 0.000000e+00 : f32
      %gt3A_519 = vector.broadcast %gt3A_518 : f32 to vector<16xf32>
      %gt3A_520 = arith.cmpf ogt, %sub3A_514, %gt3A_519 : vector<16xf32>
      %lt3A_521 = arith.constant 32768 : i32
      %lt3A_522 = vector.broadcast %lt3A_521 : i32 to vector<16xi32>
      %lt3A_523 = arith.cmpi slt, %add3A_513, %lt3A_522 : vector<16xi32>
      %and3A_524 = arith.andi %gt3A_520, %lt3A_523 : vector<16xi1>
      tpu.vector_store_idx %arg17[%add3A_513], %sub3A_514 masked %and3A_524 {add = true} : memref<34816xf32, #tpu.memory_space<vmem>>[vector<16xi32>], vector<16xf32>, vector<16xi1>
      %mul3A_525 = arith.constant -0.587785304 : f32
      %mul3A_526 = vector.broadcast %mul3A_525 : f32 to vector<16xf32>
      %mul3A_527 = arith.mulf %get3A_92, %mul3A_526 : vector<16xf32>
      %mul3A_528 = arith.constant -0.809016943 : f32
      %mul3A_529 = vector.broadcast %mul3A_528 : f32 to vector<16xf32>
      %mul3A_530 = arith.mulf %get3A_94, %mul3A_529 : vector<16xf32>
      %add3A_531 = arith.addf %mul3A_527, %mul3A_530 : vector<16xf32>
      %mul3A_532 = arith.constant 27927.2734 : f32
      %mul3A_533 = vector.broadcast %mul3A_532 : f32 to vector<16xf32>
      %mul3A_534 = arith.mulf %add3A_531, %mul3A_533 : vector<16xf32>
      %add3A_535 = arith.constant 3.276800e+04 : f32
      %add3A_536 = vector.broadcast %add3A_535 : f32 to vector<16xf32>
      %add3A_537 = arith.addf %mul3A_534, %add3A_536 : vector<16xf32>
      %max3A_538 = arith.constant 0.000000e+00 : f32
      %max3A_539 = vector.broadcast %max3A_538 : f32 to vector<16xf32>
      %max3A_540 = arith.maximumf %add3A_537, %max3A_539 : vector<16xf32>
      %min3A_541 = arith.constant 6.553500e+04 : f32
      %min3A_542 = vector.broadcast %min3A_541 : f32 to vector<16xf32>
      %min3A_543 = arith.minimumf %max3A_540, %min3A_542 : vector<16xf32>
      %convert_element_type3A_544 = arith.fptosi %min3A_543 : vector<16xf32> to vector<16xi32>
      %shift_right_logical3A_545 = arith.constant 12 : i32
      %shift_right_logical3A_546 = vector.broadcast %shift_right_logical3A_545 : i32 to vector<16xi32>
      %shift_right_logical3A_547 = arith.shrui %convert_element_type3A_544, %shift_right_logical3A_546 : vector<16xi32>
      %and3A_548 = arith.constant 4095 : i32
      %and3A_549 = vector.broadcast %and3A_548 : i32 to vector<16xi32>
      %and3A_550 = arith.andi %convert_element_type3A_544, %and3A_549 : vector<16xi32>
      %gather3A_551 = tpu.vector_load_idx %arg16[%and3A_550] : memref<4096xf32, #tpu.memory_space<vmem>>[vector<16xi32>], vector<16xf32>,
      %shift_left3A_552 = arith.constant 11 : i32
      %shift_left3A_553 = vector.broadcast %shift_left3A_552 : i32 to vector<16xi32>
      %shift_left3A_554 = arith.shli %shift_right_logical3A_547, %shift_left3A_553 : vector<16xi32>
      %add3A_555 = arith.constant 9 : i32
      %add3A_556 = vector.broadcast %add3A_555 : i32 to vector<16xi32>
      %add3A_557 = arith.addi %shift_left3A_98, %add3A_556 : vector<16xi32>
      %add3A_558 = arith.addi %shift_left3A_554, %add3A_557 : vector<16xi32>
      %add3A_559 = arith.constant 2048 : i32
      %add3A_560 = vector.broadcast %add3A_559 : i32 to vector<16xi32>
      %add3A_561 = arith.addi %add3A_558, %add3A_560 : vector<16xi32>
      %sub3A_562 = arith.subf %broadcast_in_dim3A_51, %gather3A_551 : vector<16xf32>
      %gt3A_563 = arith.constant 0.000000e+00 : f32
      %gt3A_564 = vector.broadcast %gt3A_563 : f32 to vector<16xf32>
      %gt3A_565 = arith.cmpf ogt, %gather3A_551, %gt3A_564 : vector<16xf32>
      tpu.vector_store_idx %arg17[%add3A_558], %gather3A_551 masked %gt3A_565 {add = true} : memref<34816xf32, #tpu.memory_space<vmem>>[vector<16xi32>], vector<16xf32>, vector<16xi1>
      %gt3A_566 = arith.constant 0.000000e+00 : f32
      %gt3A_567 = vector.broadcast %gt3A_566 : f32 to vector<16xf32>
      %gt3A_568 = arith.cmpf ogt, %sub3A_562, %gt3A_567 : vector<16xf32>
      %lt3A_569 = arith.constant 32768 : i32
      %lt3A_570 = vector.broadcast %lt3A_569 : i32 to vector<16xi32>
      %lt3A_571 = arith.cmpi slt, %add3A_561, %lt3A_570 : vector<16xi32>
      %and3A_572 = arith.andi %gt3A_568, %lt3A_571 : vector<16xi1>
      tpu.vector_store_idx %arg17[%add3A_561], %sub3A_562 masked %and3A_572 {add = true} : memref<34816xf32, #tpu.memory_space<vmem>>[vector<16xi32>], vector<16xf32>, vector<16xi1>
      %mul3A_573 = arith.constant -0.866025447 : f32
      %mul3A_574 = vector.broadcast %mul3A_573 : f32 to vector<16xf32>
      %mul3A_575 = arith.mulf %get3A_92, %mul3A_574 : vector<16xf32>
      %mul3A_576 = arith.constant -0.499999911 : f32
      %mul3A_577 = vector.broadcast %mul3A_576 : f32 to vector<16xf32>
      %mul3A_578 = arith.mulf %get3A_94, %mul3A_577 : vector<16xf32>
      %add3A_579 = arith.addf %mul3A_575, %mul3A_578 : vector<16xf32>
      %mul3A_580 = arith.constant 27927.2734 : f32
      %mul3A_581 = vector.broadcast %mul3A_580 : f32 to vector<16xf32>
      %mul3A_582 = arith.mulf %add3A_579, %mul3A_581 : vector<16xf32>
      %add3A_583 = arith.constant 3.276800e+04 : f32
      %add3A_584 = vector.broadcast %add3A_583 : f32 to vector<16xf32>
      %add3A_585 = arith.addf %mul3A_582, %add3A_584 : vector<16xf32>
      %max3A_586 = arith.constant 0.000000e+00 : f32
      %max3A_587 = vector.broadcast %max3A_586 : f32 to vector<16xf32>
      %max3A_588 = arith.maximumf %add3A_585, %max3A_587 : vector<16xf32>
      %min3A_589 = arith.constant 6.553500e+04 : f32
      %min3A_590 = vector.broadcast %min3A_589 : f32 to vector<16xf32>
      %min3A_591 = arith.minimumf %max3A_588, %min3A_590 : vector<16xf32>
      %convert_element_type3A_592 = arith.fptosi %min3A_591 : vector<16xf32> to vector<16xi32>
      %shift_right_logical3A_593 = arith.constant 12 : i32
      %shift_right_logical3A_594 = vector.broadcast %shift_right_logical3A_593 : i32 to vector<16xi32>
      %shift_right_logical3A_595 = arith.shrui %convert_element_type3A_592, %shift_right_logical3A_594 : vector<16xi32>
      %and3A_596 = arith.constant 4095 : i32
      %and3A_597 = vector.broadcast %and3A_596 : i32 to vector<16xi32>
      %and3A_598 = arith.andi %convert_element_type3A_592, %and3A_597 : vector<16xi32>
      %gather3A_599 = tpu.vector_load_idx %arg16[%and3A_598] : memref<4096xf32, #tpu.memory_space<vmem>>[vector<16xi32>], vector<16xf32>,
      %shift_left3A_600 = arith.constant 11 : i32
      %shift_left3A_601 = vector.broadcast %shift_left3A_600 : i32 to vector<16xi32>
      %shift_left3A_602 = arith.shli %shift_right_logical3A_595, %shift_left3A_601 : vector<16xi32>
      %add3A_603 = arith.constant 10 : i32
      %add3A_604 = vector.broadcast %add3A_603 : i32 to vector<16xi32>
      %add3A_605 = arith.addi %shift_left3A_98, %add3A_604 : vector<16xi32>
      %add3A_606 = arith.addi %shift_left3A_602, %add3A_605 : vector<16xi32>
      %add3A_607 = arith.constant 2048 : i32
      %add3A_608 = vector.broadcast %add3A_607 : i32 to vector<16xi32>
      %add3A_609 = arith.addi %add3A_606, %add3A_608 : vector<16xi32>
      %sub3A_610 = arith.subf %broadcast_in_dim3A_51, %gather3A_599 : vector<16xf32>
      %gt3A_611 = arith.constant 0.000000e+00 : f32
      %gt3A_612 = vector.broadcast %gt3A_611 : f32 to vector<16xf32>
      %gt3A_613 = arith.cmpf ogt, %gather3A_599, %gt3A_612 : vector<16xf32>
      tpu.vector_store_idx %arg17[%add3A_606], %gather3A_599 masked %gt3A_613 {add = true} : memref<34816xf32, #tpu.memory_space<vmem>>[vector<16xi32>], vector<16xf32>, vector<16xi1>
      %gt3A_614 = arith.constant 0.000000e+00 : f32
      %gt3A_615 = vector.broadcast %gt3A_614 : f32 to vector<16xf32>
      %gt3A_616 = arith.cmpf ogt, %sub3A_610, %gt3A_615 : vector<16xf32>
      %lt3A_617 = arith.constant 32768 : i32
      %lt3A_618 = vector.broadcast %lt3A_617 : i32 to vector<16xi32>
      %lt3A_619 = arith.cmpi slt, %add3A_609, %lt3A_618 : vector<16xi32>
      %and3A_620 = arith.andi %gt3A_616, %lt3A_619 : vector<16xi1>
      tpu.vector_store_idx %arg17[%add3A_609], %sub3A_610 masked %and3A_620 {add = true} : memref<34816xf32, #tpu.memory_space<vmem>>[vector<16xi32>], vector<16xf32>, vector<16xi1>
      %mul3A_621 = arith.constant -0.994521915 : f32
      %mul3A_622 = vector.broadcast %mul3A_621 : f32 to vector<16xf32>
      %mul3A_623 = arith.mulf %get3A_92, %mul3A_622 : vector<16xf32>
      %mul3A_624 = arith.constant -0.10452833 : f32
      %mul3A_625 = vector.broadcast %mul3A_624 : f32 to vector<16xf32>
      %mul3A_626 = arith.mulf %get3A_94, %mul3A_625 : vector<16xf32>
      %add3A_627 = arith.addf %mul3A_623, %mul3A_626 : vector<16xf32>
      %mul3A_628 = arith.constant 27927.2734 : f32
      %mul3A_629 = vector.broadcast %mul3A_628 : f32 to vector<16xf32>
      %mul3A_630 = arith.mulf %add3A_627, %mul3A_629 : vector<16xf32>
      %add3A_631 = arith.constant 3.276800e+04 : f32
      %add3A_632 = vector.broadcast %add3A_631 : f32 to vector<16xf32>
      %add3A_633 = arith.addf %mul3A_630, %add3A_632 : vector<16xf32>
      %max3A_634 = arith.constant 0.000000e+00 : f32
      %max3A_635 = vector.broadcast %max3A_634 : f32 to vector<16xf32>
      %max3A_636 = arith.maximumf %add3A_633, %max3A_635 : vector<16xf32>
      %min3A_637 = arith.constant 6.553500e+04 : f32
      %min3A_638 = vector.broadcast %min3A_637 : f32 to vector<16xf32>
      %min3A_639 = arith.minimumf %max3A_636, %min3A_638 : vector<16xf32>
      %convert_element_type3A_640 = arith.fptosi %min3A_639 : vector<16xf32> to vector<16xi32>
      %shift_right_logical3A_641 = arith.constant 12 : i32
      %shift_right_logical3A_642 = vector.broadcast %shift_right_logical3A_641 : i32 to vector<16xi32>
      %shift_right_logical3A_643 = arith.shrui %convert_element_type3A_640, %shift_right_logical3A_642 : vector<16xi32>
      %and3A_644 = arith.constant 4095 : i32
      %and3A_645 = vector.broadcast %and3A_644 : i32 to vector<16xi32>
      %and3A_646 = arith.andi %convert_element_type3A_640, %and3A_645 : vector<16xi32>
      %gather3A_647 = tpu.vector_load_idx %arg16[%and3A_646] : memref<4096xf32, #tpu.memory_space<vmem>>[vector<16xi32>], vector<16xf32>,
      %shift_left3A_648 = arith.constant 11 : i32
      %shift_left3A_649 = vector.broadcast %shift_left3A_648 : i32 to vector<16xi32>
      %shift_left3A_650 = arith.shli %shift_right_logical3A_643, %shift_left3A_649 : vector<16xi32>
      %add3A_651 = arith.constant 11 : i32
      %add3A_652 = vector.broadcast %add3A_651 : i32 to vector<16xi32>
      %add3A_653 = arith.addi %shift_left3A_98, %add3A_652 : vector<16xi32>
      %add3A_654 = arith.addi %shift_left3A_650, %add3A_653 : vector<16xi32>
      %add3A_655 = arith.constant 2048 : i32
      %add3A_656 = vector.broadcast %add3A_655 : i32 to vector<16xi32>
      %add3A_657 = arith.addi %add3A_654, %add3A_656 : vector<16xi32>
      %sub3A_658 = arith.subf %broadcast_in_dim3A_51, %gather3A_647 : vector<16xf32>
      %gt3A_659 = arith.constant 0.000000e+00 : f32
      %gt3A_660 = vector.broadcast %gt3A_659 : f32 to vector<16xf32>
      %gt3A_661 = arith.cmpf ogt, %gather3A_647, %gt3A_660 : vector<16xf32>
      tpu.vector_store_idx %arg17[%add3A_654], %gather3A_647 masked %gt3A_661 {add = true} : memref<34816xf32, #tpu.memory_space<vmem>>[vector<16xi32>], vector<16xf32>, vector<16xi1>
      %gt3A_662 = arith.constant 0.000000e+00 : f32
      %gt3A_663 = vector.broadcast %gt3A_662 : f32 to vector<16xf32>
      %gt3A_664 = arith.cmpf ogt, %sub3A_658, %gt3A_663 : vector<16xf32>
      %lt3A_665 = arith.constant 32768 : i32
      %lt3A_666 = vector.broadcast %lt3A_665 : i32 to vector<16xi32>
      %lt3A_667 = arith.cmpi slt, %add3A_657, %lt3A_666 : vector<16xi32>
      %and3A_668 = arith.andi %gt3A_664, %lt3A_667 : vector<16xi1>
      tpu.vector_store_idx %arg17[%add3A_657], %sub3A_658 masked %and3A_668 {add = true} : memref<34816xf32, #tpu.memory_space<vmem>>[vector<16xi32>], vector<16xf32>, vector<16xi1>
      %mul3A_669 = arith.constant -0.95105648 : f32
      %mul3A_670 = vector.broadcast %mul3A_669 : f32 to vector<16xf32>
      %mul3A_671 = arith.mulf %get3A_92, %mul3A_670 : vector<16xf32>
      %mul3A_672 = arith.constant 0.309017122 : f32
      %mul3A_673 = vector.broadcast %mul3A_672 : f32 to vector<16xf32>
      %mul3A_674 = arith.mulf %get3A_94, %mul3A_673 : vector<16xf32>
      %add3A_675 = arith.addf %mul3A_671, %mul3A_674 : vector<16xf32>
      %mul3A_676 = arith.constant 27927.2734 : f32
      %mul3A_677 = vector.broadcast %mul3A_676 : f32 to vector<16xf32>
      %mul3A_678 = arith.mulf %add3A_675, %mul3A_677 : vector<16xf32>
      %add3A_679 = arith.constant 3.276800e+04 : f32
      %add3A_680 = vector.broadcast %add3A_679 : f32 to vector<16xf32>
      %add3A_681 = arith.addf %mul3A_678, %add3A_680 : vector<16xf32>
      %max3A_682 = arith.constant 0.000000e+00 : f32
      %max3A_683 = vector.broadcast %max3A_682 : f32 to vector<16xf32>
      %max3A_684 = arith.maximumf %add3A_681, %max3A_683 : vector<16xf32>
      %min3A_685 = arith.constant 6.553500e+04 : f32
      %min3A_686 = vector.broadcast %min3A_685 : f32 to vector<16xf32>
      %min3A_687 = arith.minimumf %max3A_684, %min3A_686 : vector<16xf32>
      %convert_element_type3A_688 = arith.fptosi %min3A_687 : vector<16xf32> to vector<16xi32>
      %shift_right_logical3A_689 = arith.constant 12 : i32
      %shift_right_logical3A_690 = vector.broadcast %shift_right_logical3A_689 : i32 to vector<16xi32>
      %shift_right_logical3A_691 = arith.shrui %convert_element_type3A_688, %shift_right_logical3A_690 : vector<16xi32>
      %and3A_692 = arith.constant 4095 : i32
      %and3A_693 = vector.broadcast %and3A_692 : i32 to vector<16xi32>
      %and3A_694 = arith.andi %convert_element_type3A_688, %and3A_693 : vector<16xi32>
      %gather3A_695 = tpu.vector_load_idx %arg16[%and3A_694] : memref<4096xf32, #tpu.memory_space<vmem>>[vector<16xi32>], vector<16xf32>,
      %shift_left3A_696 = arith.constant 11 : i32
      %shift_left3A_697 = vector.broadcast %shift_left3A_696 : i32 to vector<16xi32>
      %shift_left3A_698 = arith.shli %shift_right_logical3A_691, %shift_left3A_697 : vector<16xi32>
      %add3A_699 = arith.constant 12 : i32
      %add3A_700 = vector.broadcast %add3A_699 : i32 to vector<16xi32>
      %add3A_701 = arith.addi %shift_left3A_98, %add3A_700 : vector<16xi32>
      %add3A_702 = arith.addi %shift_left3A_698, %add3A_701 : vector<16xi32>
      %add3A_703 = arith.constant 2048 : i32
      %add3A_704 = vector.broadcast %add3A_703 : i32 to vector<16xi32>
      %add3A_705 = arith.addi %add3A_702, %add3A_704 : vector<16xi32>
      %sub3A_706 = arith.subf %broadcast_in_dim3A_51, %gather3A_695 : vector<16xf32>
      %gt3A_707 = arith.constant 0.000000e+00 : f32
      %gt3A_708 = vector.broadcast %gt3A_707 : f32 to vector<16xf32>
      %gt3A_709 = arith.cmpf ogt, %gather3A_695, %gt3A_708 : vector<16xf32>
      tpu.vector_store_idx %arg17[%add3A_702], %gather3A_695 masked %gt3A_709 {add = true} : memref<34816xf32, #tpu.memory_space<vmem>>[vector<16xi32>], vector<16xf32>, vector<16xi1>
      %gt3A_710 = arith.constant 0.000000e+00 : f32
      %gt3A_711 = vector.broadcast %gt3A_710 : f32 to vector<16xf32>
      %gt3A_712 = arith.cmpf ogt, %sub3A_706, %gt3A_711 : vector<16xf32>
      %lt3A_713 = arith.constant 32768 : i32
      %lt3A_714 = vector.broadcast %lt3A_713 : i32 to vector<16xi32>
      %lt3A_715 = arith.cmpi slt, %add3A_705, %lt3A_714 : vector<16xi32>
      %and3A_716 = arith.andi %gt3A_712, %lt3A_715 : vector<16xi1>
      tpu.vector_store_idx %arg17[%add3A_705], %sub3A_706 masked %and3A_716 {add = true} : memref<34816xf32, #tpu.memory_space<vmem>>[vector<16xi32>], vector<16xf32>, vector<16xi1>
      %mul3A_717 = arith.constant -0.74314469 : f32
      %mul3A_718 = vector.broadcast %mul3A_717 : f32 to vector<16xf32>
      %mul3A_719 = arith.mulf %get3A_92, %mul3A_718 : vector<16xf32>
      %mul3A_720 = arith.constant 0.669130742 : f32
      %mul3A_721 = vector.broadcast %mul3A_720 : f32 to vector<16xf32>
      %mul3A_722 = arith.mulf %get3A_94, %mul3A_721 : vector<16xf32>
      %add3A_723 = arith.addf %mul3A_719, %mul3A_722 : vector<16xf32>
      %mul3A_724 = arith.constant 27927.2734 : f32
      %mul3A_725 = vector.broadcast %mul3A_724 : f32 to vector<16xf32>
      %mul3A_726 = arith.mulf %add3A_723, %mul3A_725 : vector<16xf32>
      %add3A_727 = arith.constant 3.276800e+04 : f32
      %add3A_728 = vector.broadcast %add3A_727 : f32 to vector<16xf32>
      %add3A_729 = arith.addf %mul3A_726, %add3A_728 : vector<16xf32>
      %max3A_730 = arith.constant 0.000000e+00 : f32
      %max3A_731 = vector.broadcast %max3A_730 : f32 to vector<16xf32>
      %max3A_732 = arith.maximumf %add3A_729, %max3A_731 : vector<16xf32>
      %min3A_733 = arith.constant 6.553500e+04 : f32
      %min3A_734 = vector.broadcast %min3A_733 : f32 to vector<16xf32>
      %min3A_735 = arith.minimumf %max3A_732, %min3A_734 : vector<16xf32>
      %convert_element_type3A_736 = arith.fptosi %min3A_735 : vector<16xf32> to vector<16xi32>
      %shift_right_logical3A_737 = arith.constant 12 : i32
      %shift_right_logical3A_738 = vector.broadcast %shift_right_logical3A_737 : i32 to vector<16xi32>
      %shift_right_logical3A_739 = arith.shrui %convert_element_type3A_736, %shift_right_logical3A_738 : vector<16xi32>
      %and3A_740 = arith.constant 4095 : i32
      %and3A_741 = vector.broadcast %and3A_740 : i32 to vector<16xi32>
      %and3A_742 = arith.andi %convert_element_type3A_736, %and3A_741 : vector<16xi32>
      %gather3A_743 = tpu.vector_load_idx %arg16[%and3A_742] : memref<4096xf32, #tpu.memory_space<vmem>>[vector<16xi32>], vector<16xf32>,
      %shift_left3A_744 = arith.constant 11 : i32
      %shift_left3A_745 = vector.broadcast %shift_left3A_744 : i32 to vector<16xi32>
      %shift_left3A_746 = arith.shli %shift_right_logical3A_739, %shift_left3A_745 : vector<16xi32>
      %add3A_747 = arith.constant 13 : i32
      %add3A_748 = vector.broadcast %add3A_747 : i32 to vector<16xi32>
      %add3A_749 = arith.addi %shift_left3A_98, %add3A_748 : vector<16xi32>
      %add3A_750 = arith.addi %shift_left3A_746, %add3A_749 : vector<16xi32>
      %add3A_751 = arith.constant 2048 : i32
      %add3A_752 = vector.broadcast %add3A_751 : i32 to vector<16xi32>
      %add3A_753 = arith.addi %add3A_750, %add3A_752 : vector<16xi32>
      %sub3A_754 = arith.subf %broadcast_in_dim3A_51, %gather3A_743 : vector<16xf32>
      %gt3A_755 = arith.constant 0.000000e+00 : f32
      %gt3A_756 = vector.broadcast %gt3A_755 : f32 to vector<16xf32>
      %gt3A_757 = arith.cmpf ogt, %gather3A_743, %gt3A_756 : vector<16xf32>
      tpu.vector_store_idx %arg17[%add3A_750], %gather3A_743 masked %gt3A_757 {add = true} : memref<34816xf32, #tpu.memory_space<vmem>>[vector<16xi32>], vector<16xf32>, vector<16xi1>
      %gt3A_758 = arith.constant 0.000000e+00 : f32
      %gt3A_759 = vector.broadcast %gt3A_758 : f32 to vector<16xf32>
      %gt3A_760 = arith.cmpf ogt, %sub3A_754, %gt3A_759 : vector<16xf32>
      %lt3A_761 = arith.constant 32768 : i32
      %lt3A_762 = vector.broadcast %lt3A_761 : i32 to vector<16xi32>
      %lt3A_763 = arith.cmpi slt, %add3A_753, %lt3A_762 : vector<16xi32>
      %and3A_764 = arith.andi %gt3A_760, %lt3A_763 : vector<16xi1>
      tpu.vector_store_idx %arg17[%add3A_753], %sub3A_754 masked %and3A_764 {add = true} : memref<34816xf32, #tpu.memory_space<vmem>>[vector<16xi32>], vector<16xf32>, vector<16xi1>
      %mul3A_765 = arith.constant -0.406736493 : f32
      %mul3A_766 = vector.broadcast %mul3A_765 : f32 to vector<16xf32>
      %mul3A_767 = arith.mulf %get3A_92, %mul3A_766 : vector<16xf32>
      %mul3A_768 = arith.constant 0.913545548 : f32
      %mul3A_769 = vector.broadcast %mul3A_768 : f32 to vector<16xf32>
      %mul3A_770 = arith.mulf %get3A_94, %mul3A_769 : vector<16xf32>
      %add3A_771 = arith.addf %mul3A_767, %mul3A_770 : vector<16xf32>
      %mul3A_772 = arith.constant 27927.2734 : f32
      %mul3A_773 = vector.broadcast %mul3A_772 : f32 to vector<16xf32>
      %mul3A_774 = arith.mulf %add3A_771, %mul3A_773 : vector<16xf32>
      %add3A_775 = arith.constant 3.276800e+04 : f32
      %add3A_776 = vector.broadcast %add3A_775 : f32 to vector<16xf32>
      %add3A_777 = arith.addf %mul3A_774, %add3A_776 : vector<16xf32>
      %max3A_778 = arith.constant 0.000000e+00 : f32
      %max3A_779 = vector.broadcast %max3A_778 : f32 to vector<16xf32>
      %max3A_780 = arith.maximumf %add3A_777, %max3A_779 : vector<16xf32>
      %min3A_781 = arith.constant 6.553500e+04 : f32
      %min3A_782 = vector.broadcast %min3A_781 : f32 to vector<16xf32>
      %min3A_783 = arith.minimumf %max3A_780, %min3A_782 : vector<16xf32>
      %convert_element_type3A_784 = arith.fptosi %min3A_783 : vector<16xf32> to vector<16xi32>
      %shift_right_logical3A_785 = arith.constant 12 : i32
      %shift_right_logical3A_786 = vector.broadcast %shift_right_logical3A_785 : i32 to vector<16xi32>
      %shift_right_logical3A_787 = arith.shrui %convert_element_type3A_784, %shift_right_logical3A_786 : vector<16xi32>
      %and3A_788 = arith.constant 4095 : i32
      %and3A_789 = vector.broadcast %and3A_788 : i32 to vector<16xi32>
      %and3A_790 = arith.andi %convert_element_type3A_784, %and3A_789 : vector<16xi32>
      %gather3A_791 = tpu.vector_load_idx %arg16[%and3A_790] : memref<4096xf32, #tpu.memory_space<vmem>>[vector<16xi32>], vector<16xf32>,
      %shift_left3A_792 = arith.constant 11 : i32
      %shift_left3A_793 = vector.broadcast %shift_left3A_792 : i32 to vector<16xi32>
      %shift_left3A_794 = arith.shli %shift_right_logical3A_787, %shift_left3A_793 : vector<16xi32>
      %add3A_795 = arith.constant 14 : i32
      %add3A_796 = vector.broadcast %add3A_795 : i32 to vector<16xi32>
      %add3A_797 = arith.addi %shift_left3A_98, %add3A_796 : vector<16xi32>
      %add3A_798 = arith.addi %shift_left3A_794, %add3A_797 : vector<16xi32>
      %add3A_799 = arith.constant 2048 : i32
      %add3A_800 = vector.broadcast %add3A_799 : i32 to vector<16xi32>
      %add3A_801 = arith.addi %add3A_798, %add3A_800 : vector<16xi32>
      %sub3A_802 = arith.subf %broadcast_in_dim3A_51, %gather3A_791 : vector<16xf32>
      %gt3A_803 = arith.constant 0.000000e+00 : f32
      %gt3A_804 = vector.broadcast %gt3A_803 : f32 to vector<16xf32>
      %gt3A_805 = arith.cmpf ogt, %gather3A_791, %gt3A_804 : vector<16xf32>
      tpu.vector_store_idx %arg17[%add3A_798], %gather3A_791 masked %gt3A_805 {add = true} : memref<34816xf32, #tpu.memory_space<vmem>>[vector<16xi32>], vector<16xf32>, vector<16xi1>
      %gt3A_806 = arith.constant 0.000000e+00 : f32
      %gt3A_807 = vector.broadcast %gt3A_806 : f32 to vector<16xf32>
      %gt3A_808 = arith.cmpf ogt, %sub3A_802, %gt3A_807 : vector<16xf32>
      %lt3A_809 = arith.constant 32768 : i32
      %lt3A_810 = vector.broadcast %lt3A_809 : i32 to vector<16xi32>
      %lt3A_811 = arith.cmpi slt, %add3A_801, %lt3A_810 : vector<16xi32>
      %and3A_812 = arith.andi %gt3A_808, %lt3A_811 : vector<16xi1>
      tpu.vector_store_idx %arg17[%add3A_801], %sub3A_802 masked %and3A_812 {add = true} : memref<34816xf32, #tpu.memory_space<vmem>>[vector<16xi32>], vector<16xf32>, vector<16xi1>
      %mul3A_813 = arith.constant 1.74845553E-7 : f32
      %mul3A_814 = vector.broadcast %mul3A_813 : f32 to vector<16xf32>
      %mul3A_815 = arith.mulf %get3A_92, %mul3A_814 : vector<16xf32>
      %mul3A_816 = arith.constant 1.000000e+00 : f32
      %mul3A_817 = vector.broadcast %mul3A_816 : f32 to vector<16xf32>
      %mul3A_818 = arith.mulf %get3A_94, %mul3A_817 : vector<16xf32>
      %add3A_819 = arith.addf %mul3A_815, %mul3A_818 : vector<16xf32>
      %mul3A_820 = arith.constant 27927.2734 : f32
      %mul3A_821 = vector.broadcast %mul3A_820 : f32 to vector<16xf32>
      %mul3A_822 = arith.mulf %add3A_819, %mul3A_821 : vector<16xf32>
      %add3A_823 = arith.constant 3.276800e+04 : f32
      %add3A_824 = vector.broadcast %add3A_823 : f32 to vector<16xf32>
      %add3A_825 = arith.addf %mul3A_822, %add3A_824 : vector<16xf32>
      %max3A_826 = arith.constant 0.000000e+00 : f32
      %max3A_827 = vector.broadcast %max3A_826 : f32 to vector<16xf32>
      %max3A_828 = arith.maximumf %add3A_825, %max3A_827 : vector<16xf32>
      %min3A_829 = arith.constant 6.553500e+04 : f32
      %min3A_830 = vector.broadcast %min3A_829 : f32 to vector<16xf32>
      %min3A_831 = arith.minimumf %max3A_828, %min3A_830 : vector<16xf32>
      %convert_element_type3A_832 = arith.fptosi %min3A_831 : vector<16xf32> to vector<16xi32>
      %shift_right_logical3A_833 = arith.constant 12 : i32
      %shift_right_logical3A_834 = vector.broadcast %shift_right_logical3A_833 : i32 to vector<16xi32>
      %shift_right_logical3A_835 = arith.shrui %convert_element_type3A_832, %shift_right_logical3A_834 : vector<16xi32>
      %and3A_836 = arith.constant 4095 : i32
      %and3A_837 = vector.broadcast %and3A_836 : i32 to vector<16xi32>
      %and3A_838 = arith.andi %convert_element_type3A_832, %and3A_837 : vector<16xi32>
      %gather3A_839 = tpu.vector_load_idx %arg16[%and3A_838] : memref<4096xf32, #tpu.memory_space<vmem>>[vector<16xi32>], vector<16xf32>,
      %shift_left3A_840 = arith.constant 11 : i32
      %shift_left3A_841 = vector.broadcast %shift_left3A_840 : i32 to vector<16xi32>
      %shift_left3A_842 = arith.shli %shift_right_logical3A_835, %shift_left3A_841 : vector<16xi32>
      %add3A_843 = arith.constant 15 : i32
      %add3A_844 = vector.broadcast %add3A_843 : i32 to vector<16xi32>
      %add3A_845 = arith.addi %shift_left3A_98, %add3A_844 : vector<16xi32>
      %add3A_846 = arith.addi %shift_left3A_842, %add3A_845 : vector<16xi32>
      %add3A_847 = arith.constant 2048 : i32
      %add3A_848 = vector.broadcast %add3A_847 : i32 to vector<16xi32>
      %add3A_849 = arith.addi %add3A_846, %add3A_848 : vector<16xi32>
      %sub3A_850 = arith.subf %broadcast_in_dim3A_51, %gather3A_839 : vector<16xf32>
      %gt3A_851 = arith.constant 0.000000e+00 : f32
      %gt3A_852 = vector.broadcast %gt3A_851 : f32 to vector<16xf32>
      %gt3A_853 = arith.cmpf ogt, %gather3A_839, %gt3A_852 : vector<16xf32>
      tpu.vector_store_idx %arg17[%add3A_846], %gather3A_839 masked %gt3A_853 {add = true} : memref<34816xf32, #tpu.memory_space<vmem>>[vector<16xi32>], vector<16xf32>, vector<16xi1>
      %gt3A_854 = arith.constant 0.000000e+00 : f32
      %gt3A_855 = vector.broadcast %gt3A_854 : f32 to vector<16xf32>
      %gt3A_856 = arith.cmpf ogt, %sub3A_850, %gt3A_855 : vector<16xf32>
      %lt3A_857 = arith.constant 32768 : i32
      %lt3A_858 = vector.broadcast %lt3A_857 : i32 to vector<16xi32>
      %lt3A_859 = arith.cmpi slt, %add3A_849, %lt3A_858 : vector<16xi32>
      %and3A_860 = arith.andi %gt3A_856, %lt3A_859 : vector<16xi1>
      tpu.vector_store_idx %arg17[%add3A_849], %sub3A_850 masked %and3A_860 {add = true} : memref<34816xf32, #tpu.memory_space<vmem>>[vector<16xi32>], vector<16xf32>, vector<16xi1>
    }
    %scan3A_82 = arith.constant 0 : i32
    %scan3A_83 = arith.constant 0 : i32
    %scan3A_84 = arith.constant 313 : i32
    %scan3A_85 = arith.addi %scan3A_83, %scan3A_84 : i32
    %scan3A_86 = arith.constant 1 : i32
    scf.for %scan3A_88 = %scan3A_83 to %scan3A_85 step %scan3A_86  : i32 {
      %mul3A_89 = arith.constant 16 : i32
      %mul3A_90 = arith.muli %scan3A_88, %mul3A_89 : i32
      %get3A = arith.index_cast %mul3A_90 : i32 to index
      %get3A_91 = tpu.vector_load %arg13[%get3A] {strides = array<i32>} : memref<5008xi32, #tpu.memory_space<vmem>>, vector<16xi32>,
      %get3A_92 = arith.index_cast %mul3A_90 : i32 to index
      %get3A_93 = tpu.vector_load %arg14[%get3A_92] {strides = array<i32>} : memref<5008xi32, #tpu.memory_space<vmem>>, vector<16xi32>,
      %get3A_94 = arith.index_cast %mul3A_90 : i32 to index
      %get3A_95 = tpu.vector_load %arg15[%get3A_94] {strides = array<i32>} : memref<5008xf32, #tpu.memory_space<vmem>>, vector<16xf32>,
      %neg3A = arith.constant 0.000000e+00 : f32
      %neg3A_96 = vector.broadcast %neg3A : f32 to vector<16xf32>
      %neg3A_97 = arith.subf %neg3A_96, %get3A_95 : vector<16xf32>
      %gather3A = tpu.vector_load_idx %arg12[%get3A_91] : memref<10000xi32, #tpu.memory_space<vmem>>[vector<16xi32>], vector<16xi32>,
      %shift_left3A = arith.constant 4 : i32
      %shift_left3A_98 = vector.broadcast %shift_left3A : i32 to vector<16xi32>
      %shift_left3A_99 = arith.shli %gather3A, %shift_left3A_98 : vector<16xi32>
      %gather3A_100 = tpu.vector_load_idx %arg10[%get3A_91] : memref<10000xf32, #tpu.memory_space<vmem>>[vector<16xi32>], vector<16xf32>,
      %gather3A_101 = tpu.vector_load_idx %arg11[%get3A_91] : memref<10000xf32, #tpu.memory_space<vmem>>[vector<16xi32>], vector<16xf32>,
      %gather3A_102 = tpu.vector_load_idx %arg10[%get3A_93] : memref<10000xf32, #tpu.memory_space<vmem>>[vector<16xi32>], vector<16xf32>,
      %gather3A_103 = tpu.vector_load_idx %arg11[%get3A_93] : memref<10000xf32, #tpu.memory_space<vmem>>[vector<16xi32>], vector<16xf32>,
      %mul3A_104 = arith.constant 0.000000e+00 : f32
      %mul3A_105 = vector.broadcast %mul3A_104 : f32 to vector<16xf32>
      %mul3A_106 = arith.mulf %gather3A_100, %mul3A_105 : vector<16xf32>
      %mul3A_107 = arith.constant 1.000000e+00 : f32
      %mul3A_108 = vector.broadcast %mul3A_107 : f32 to vector<16xf32>
      %mul3A_109 = arith.mulf %gather3A_101, %mul3A_108 : vector<16xf32>
      %add3A_110 = arith.addf %mul3A_106, %mul3A_109 : vector<16xf32>
      %mul3A_111 = arith.constant 0.000000e+00 : f32
      %mul3A_112 = vector.broadcast %mul3A_111 : f32 to vector<16xf32>
      %mul3A_113 = arith.mulf %gather3A_102, %mul3A_112 : vector<16xf32>
      %mul3A_114 = arith.constant 1.000000e+00 : f32
      %mul3A_115 = vector.broadcast %mul3A_114 : f32 to vector<16xf32>
      %mul3A_116 = arith.mulf %gather3A_103, %mul3A_115 : vector<16xf32>
      %add3A_117 = arith.addf %mul3A_113, %mul3A_116 : vector<16xf32>
      %max3A = arith.maximumf %add3A_110, %add3A_117 : vector<16xf32>
      %mul3A_118 = arith.constant 27927.2734 : f32
      %mul3A_119 = vector.broadcast %mul3A_118 : f32 to vector<16xf32>
      %mul3A_120 = arith.mulf %max3A, %mul3A_119 : vector<16xf32>
      %add3A_121 = arith.constant 3.276800e+04 : f32
      %add3A_122 = vector.broadcast %add3A_121 : f32 to vector<16xf32>
      %add3A_123 = arith.addf %mul3A_120, %add3A_122 : vector<16xf32>
      %max3A_124 = arith.constant 0.000000e+00 : f32
      %max3A_125 = vector.broadcast %max3A_124 : f32 to vector<16xf32>
      %max3A_126 = arith.maximumf %add3A_123, %max3A_125 : vector<16xf32>
      %min3A_127 = arith.constant 6.553500e+04 : f32
      %min3A_128 = vector.broadcast %min3A_127 : f32 to vector<16xf32>
      %min3A_129 = arith.minimumf %max3A_126, %min3A_128 : vector<16xf32>
      %convert_element_type3A = arith.fptosi %min3A_129 : vector<16xf32> to vector<16xi32>
      %shift_right_logical3A = arith.constant 12 : i32
      %shift_right_logical3A_130 = vector.broadcast %shift_right_logical3A : i32 to vector<16xi32>
      %shift_right_logical3A_131 = arith.shrui %convert_element_type3A, %shift_right_logical3A_130 : vector<16xi32>
      %and3A_132 = arith.constant 4095 : i32
      %and3A_133 = vector.broadcast %and3A_132 : i32 to vector<16xi32>
      %and3A_134 = arith.andi %convert_element_type3A, %and3A_133 : vector<16xi32>
      %gather3A_135 = tpu.vector_load_idx %arg16[%and3A_134] : memref<4096xf32, #tpu.memory_space<vmem>>[vector<16xi32>], vector<16xf32>,
      %shift_left3A_136 = arith.constant 11 : i32
      %shift_left3A_137 = vector.broadcast %shift_left3A_136 : i32 to vector<16xi32>
      %shift_left3A_138 = arith.shli %shift_right_logical3A_131, %shift_left3A_137 : vector<16xi32>
      %add3A_139 = arith.constant 0 : i32
      %add3A_140 = vector.broadcast %add3A_139 : i32 to vector<16xi32>
      %add3A_141 = arith.addi %shift_left3A_99, %add3A_140 : vector<16xi32>
      %add3A_142 = arith.addi %shift_left3A_138, %add3A_141 : vector<16xi32>
      %add3A_143 = arith.constant 2048 : i32
      %add3A_144 = vector.broadcast %add3A_143 : i32 to vector<16xi32>
      %add3A_145 = arith.addi %add3A_142, %add3A_144 : vector<16xi32>
      %mul3A_146 = arith.mulf %neg3A_97, %gather3A_135 : vector<16xf32>
      %sub3A_147 = arith.subf %neg3A_97, %mul3A_146 : vector<16xf32>
      %lt3A = arith.constant 0.000000e+00 : f32
      %lt3A_148 = vector.broadcast %lt3A : f32 to vector<16xf32>
      %lt3A_149 = arith.cmpf olt, %mul3A_146, %lt3A_148 : vector<16xf32>
      tpu.vector_store_idx %arg17[%add3A_142], %mul3A_146 masked %lt3A_149 {add = true} : memref<34816xf32, #tpu.memory_space<vmem>>[vector<16xi32>], vector<16xf32>, vector<16xi1>
      %lt3A_150 = arith.constant 0.000000e+00 : f32
      %lt3A_151 = vector.broadcast %lt3A_150 : f32 to vector<16xf32>
      %lt3A_152 = arith.cmpf olt, %sub3A_147, %lt3A_151 : vector<16xf32>
      %lt3A_153 = arith.constant 32768 : i32
      %lt3A_154 = vector.broadcast %lt3A_153 : i32 to vector<16xi32>
      %lt3A_155 = arith.cmpi slt, %add3A_145, %lt3A_154 : vector<16xi32>
      %and3A_156 = arith.andi %lt3A_152, %lt3A_155 : vector<16xi1>
      tpu.vector_store_idx %arg17[%add3A_145], %sub3A_147 masked %and3A_156 {add = true} : memref<34816xf32, #tpu.memory_space<vmem>>[vector<16xi32>], vector<16xf32>, vector<16xi1>
      %mul3A_157 = arith.constant 0.406736642 : f32
      %mul3A_158 = vector.broadcast %mul3A_157 : f32 to vector<16xf32>
      %mul3A_159 = arith.mulf %gather3A_100, %mul3A_158 : vector<16xf32>
      %mul3A_160 = arith.constant 0.913545429 : f32
      %mul3A_161 = vector.broadcast %mul3A_160 : f32 to vector<16xf32>
      %mul3A_162 = arith.mulf %gather3A_101, %mul3A_161 : vector<16xf32>
      %add3A_163 = arith.addf %mul3A_159, %mul3A_162 : vector<16xf32>
      %mul3A_164 = arith.constant 0.406736642 : f32
      %mul3A_165 = vector.broadcast %mul3A_164 : f32 to vector<16xf32>
      %mul3A_166 = arith.mulf %gather3A_102, %mul3A_165 : vector<16xf32>
      %mul3A_167 = arith.constant 0.913545429 : f32
      %mul3A_168 = vector.broadcast %mul3A_167 : f32 to vector<16xf32>
      %mul3A_169 = arith.mulf %gather3A_103, %mul3A_168 : vector<16xf32>
      %add3A_170 = arith.addf %mul3A_166, %mul3A_169 : vector<16xf32>
      %max3A_171 = arith.maximumf %add3A_163, %add3A_170 : vector<16xf32>
      %mul3A_172 = arith.constant 27927.2734 : f32
      %mul3A_173 = vector.broadcast %mul3A_172 : f32 to vector<16xf32>
      %mul3A_174 = arith.mulf %max3A_171, %mul3A_173 : vector<16xf32>
      %add3A_175 = arith.constant 3.276800e+04 : f32
      %add3A_176 = vector.broadcast %add3A_175 : f32 to vector<16xf32>
      %add3A_177 = arith.addf %mul3A_174, %add3A_176 : vector<16xf32>
      %max3A_178 = arith.constant 0.000000e+00 : f32
      %max3A_179 = vector.broadcast %max3A_178 : f32 to vector<16xf32>
      %max3A_180 = arith.maximumf %add3A_177, %max3A_179 : vector<16xf32>
      %min3A_181 = arith.constant 6.553500e+04 : f32
      %min3A_182 = vector.broadcast %min3A_181 : f32 to vector<16xf32>
      %min3A_183 = arith.minimumf %max3A_180, %min3A_182 : vector<16xf32>
      %convert_element_type3A_184 = arith.fptosi %min3A_183 : vector<16xf32> to vector<16xi32>
      %shift_right_logical3A_185 = arith.constant 12 : i32
      %shift_right_logical3A_186 = vector.broadcast %shift_right_logical3A_185 : i32 to vector<16xi32>
      %shift_right_logical3A_187 = arith.shrui %convert_element_type3A_184, %shift_right_logical3A_186 : vector<16xi32>
      %and3A_188 = arith.constant 4095 : i32
      %and3A_189 = vector.broadcast %and3A_188 : i32 to vector<16xi32>
      %and3A_190 = arith.andi %convert_element_type3A_184, %and3A_189 : vector<16xi32>
      %gather3A_191 = tpu.vector_load_idx %arg16[%and3A_190] : memref<4096xf32, #tpu.memory_space<vmem>>[vector<16xi32>], vector<16xf32>,
      %shift_left3A_192 = arith.constant 11 : i32
      %shift_left3A_193 = vector.broadcast %shift_left3A_192 : i32 to vector<16xi32>
      %shift_left3A_194 = arith.shli %shift_right_logical3A_187, %shift_left3A_193 : vector<16xi32>
      %add3A_195 = arith.constant 1 : i32
      %add3A_196 = vector.broadcast %add3A_195 : i32 to vector<16xi32>
      %add3A_197 = arith.addi %shift_left3A_99, %add3A_196 : vector<16xi32>
      %add3A_198 = arith.addi %shift_left3A_194, %add3A_197 : vector<16xi32>
      %add3A_199 = arith.constant 2048 : i32
      %add3A_200 = vector.broadcast %add3A_199 : i32 to vector<16xi32>
      %add3A_201 = arith.addi %add3A_198, %add3A_200 : vector<16xi32>
      %mul3A_202 = arith.mulf %neg3A_97, %gather3A_191 : vector<16xf32>
      %sub3A_203 = arith.subf %neg3A_97, %mul3A_202 : vector<16xf32>
      %lt3A_204 = arith.constant 0.000000e+00 : f32
      %lt3A_205 = vector.broadcast %lt3A_204 : f32 to vector<16xf32>
      %lt3A_206 = arith.cmpf olt, %mul3A_202, %lt3A_205 : vector<16xf32>
      tpu.vector_store_idx %arg17[%add3A_198], %mul3A_202 masked %lt3A_206 {add = true} : memref<34816xf32, #tpu.memory_space<vmem>>[vector<16xi32>], vector<16xf32>, vector<16xi1>
      %lt3A_207 = arith.constant 0.000000e+00 : f32
      %lt3A_208 = vector.broadcast %lt3A_207 : f32 to vector<16xf32>
      %lt3A_209 = arith.cmpf olt, %sub3A_203, %lt3A_208 : vector<16xf32>
      %lt3A_210 = arith.constant 32768 : i32
      %lt3A_211 = vector.broadcast %lt3A_210 : i32 to vector<16xi32>
      %lt3A_212 = arith.cmpi slt, %add3A_201, %lt3A_211 : vector<16xi32>
      %and3A_213 = arith.andi %lt3A_209, %lt3A_212 : vector<16xi1>
      tpu.vector_store_idx %arg17[%add3A_201], %sub3A_203 masked %and3A_213 {add = true} : memref<34816xf32, #tpu.memory_space<vmem>>[vector<16xi32>], vector<16xf32>, vector<16xi1>
      %mul3A_214 = arith.constant 0.74314487 : f32
      %mul3A_215 = vector.broadcast %mul3A_214 : f32 to vector<16xf32>
      %mul3A_216 = arith.mulf %gather3A_100, %mul3A_215 : vector<16xf32>
      %mul3A_217 = arith.constant 0.669130564 : f32
      %mul3A_218 = vector.broadcast %mul3A_217 : f32 to vector<16xf32>
      %mul3A_219 = arith.mulf %gather3A_101, %mul3A_218 : vector<16xf32>
      %add3A_220 = arith.addf %mul3A_216, %mul3A_219 : vector<16xf32>
      %mul3A_221 = arith.constant 0.74314487 : f32
      %mul3A_222 = vector.broadcast %mul3A_221 : f32 to vector<16xf32>
      %mul3A_223 = arith.mulf %gather3A_102, %mul3A_222 : vector<16xf32>
      %mul3A_224 = arith.constant 0.669130564 : f32
      %mul3A_225 = vector.broadcast %mul3A_224 : f32 to vector<16xf32>
      %mul3A_226 = arith.mulf %gather3A_103, %mul3A_225 : vector<16xf32>
      %add3A_227 = arith.addf %mul3A_223, %mul3A_226 : vector<16xf32>
      %max3A_228 = arith.maximumf %add3A_220, %add3A_227 : vector<16xf32>
      %mul3A_229 = arith.constant 27927.2734 : f32
      %mul3A_230 = vector.broadcast %mul3A_229 : f32 to vector<16xf32>
      %mul3A_231 = arith.mulf %max3A_228, %mul3A_230 : vector<16xf32>
      %add3A_232 = arith.constant 3.276800e+04 : f32
      %add3A_233 = vector.broadcast %add3A_232 : f32 to vector<16xf32>
      %add3A_234 = arith.addf %mul3A_231, %add3A_233 : vector<16xf32>
      %max3A_235 = arith.constant 0.000000e+00 : f32
      %max3A_236 = vector.broadcast %max3A_235 : f32 to vector<16xf32>
      %max3A_237 = arith.maximumf %add3A_234, %max3A_236 : vector<16xf32>
      %min3A_238 = arith.constant 6.553500e+04 : f32
      %min3A_239 = vector.broadcast %min3A_238 : f32 to vector<16xf32>
      %min3A_240 = arith.minimumf %max3A_237, %min3A_239 : vector<16xf32>
      %convert_element_type3A_241 = arith.fptosi %min3A_240 : vector<16xf32> to vector<16xi32>
      %shift_right_logical3A_242 = arith.constant 12 : i32
      %shift_right_logical3A_243 = vector.broadcast %shift_right_logical3A_242 : i32 to vector<16xi32>
      %shift_right_logical3A_244 = arith.shrui %convert_element_type3A_241, %shift_right_logical3A_243 : vector<16xi32>
      %and3A_245 = arith.constant 4095 : i32
      %and3A_246 = vector.broadcast %and3A_245 : i32 to vector<16xi32>
      %and3A_247 = arith.andi %convert_element_type3A_241, %and3A_246 : vector<16xi32>
      %gather3A_248 = tpu.vector_load_idx %arg16[%and3A_247] : memref<4096xf32, #tpu.memory_space<vmem>>[vector<16xi32>], vector<16xf32>,
      %shift_left3A_249 = arith.constant 11 : i32
      %shift_left3A_250 = vector.broadcast %shift_left3A_249 : i32 to vector<16xi32>
      %shift_left3A_251 = arith.shli %shift_right_logical3A_244, %shift_left3A_250 : vector<16xi32>
      %add3A_252 = arith.constant 2 : i32
      %add3A_253 = vector.broadcast %add3A_252 : i32 to vector<16xi32>
      %add3A_254 = arith.addi %shift_left3A_99, %add3A_253 : vector<16xi32>
      %add3A_255 = arith.addi %shift_left3A_251, %add3A_254 : vector<16xi32>
      %add3A_256 = arith.constant 2048 : i32
      %add3A_257 = vector.broadcast %add3A_256 : i32 to vector<16xi32>
      %add3A_258 = arith.addi %add3A_255, %add3A_257 : vector<16xi32>
      %mul3A_259 = arith.mulf %neg3A_97, %gather3A_248 : vector<16xf32>
      %sub3A_260 = arith.subf %neg3A_97, %mul3A_259 : vector<16xf32>
      %lt3A_261 = arith.constant 0.000000e+00 : f32
      %lt3A_262 = vector.broadcast %lt3A_261 : f32 to vector<16xf32>
      %lt3A_263 = arith.cmpf olt, %mul3A_259, %lt3A_262 : vector<16xf32>
      tpu.vector_store_idx %arg17[%add3A_255], %mul3A_259 masked %lt3A_263 {add = true} : memref<34816xf32, #tpu.memory_space<vmem>>[vector<16xi32>], vector<16xf32>, vector<16xi1>
      %lt3A_264 = arith.constant 0.000000e+00 : f32
      %lt3A_265 = vector.broadcast %lt3A_264 : f32 to vector<16xf32>
      %lt3A_266 = arith.cmpf olt, %sub3A_260, %lt3A_265 : vector<16xf32>
      %lt3A_267 = arith.constant 32768 : i32
      %lt3A_268 = vector.broadcast %lt3A_267 : i32 to vector<16xi32>
      %lt3A_269 = arith.cmpi slt, %add3A_258, %lt3A_268 : vector<16xi32>
      %and3A_270 = arith.andi %lt3A_266, %lt3A_269 : vector<16xi1>
      tpu.vector_store_idx %arg17[%add3A_258], %sub3A_260 masked %and3A_270 {add = true} : memref<34816xf32, #tpu.memory_space<vmem>>[vector<16xi32>], vector<16xf32>, vector<16xi1>
      %mul3A_271 = arith.constant 0.95105654 : f32
      %mul3A_272 = vector.broadcast %mul3A_271 : f32 to vector<16xf32>
      %mul3A_273 = arith.mulf %gather3A_100, %mul3A_272 : vector<16xf32>
      %mul3A_274 = arith.constant 0.309016973 : f32
      %mul3A_275 = vector.broadcast %mul3A_274 : f32 to vector<16xf32>
      %mul3A_276 = arith.mulf %gather3A_101, %mul3A_275 : vector<16xf32>
      %add3A_277 = arith.addf %mul3A_273, %mul3A_276 : vector<16xf32>
      %mul3A_278 = arith.constant 0.95105654 : f32
      %mul3A_279 = vector.broadcast %mul3A_278 : f32 to vector<16xf32>
      %mul3A_280 = arith.mulf %gather3A_102, %mul3A_279 : vector<16xf32>
      %mul3A_281 = arith.constant 0.309016973 : f32
      %mul3A_282 = vector.broadcast %mul3A_281 : f32 to vector<16xf32>
      %mul3A_283 = arith.mulf %gather3A_103, %mul3A_282 : vector<16xf32>
      %add3A_284 = arith.addf %mul3A_280, %mul3A_283 : vector<16xf32>
      %max3A_285 = arith.maximumf %add3A_277, %add3A_284 : vector<16xf32>
      %mul3A_286 = arith.constant 27927.2734 : f32
      %mul3A_287 = vector.broadcast %mul3A_286 : f32 to vector<16xf32>
      %mul3A_288 = arith.mulf %max3A_285, %mul3A_287 : vector<16xf32>
      %add3A_289 = arith.constant 3.276800e+04 : f32
      %add3A_290 = vector.broadcast %add3A_289 : f32 to vector<16xf32>
      %add3A_291 = arith.addf %mul3A_288, %add3A_290 : vector<16xf32>
      %max3A_292 = arith.constant 0.000000e+00 : f32
      %max3A_293 = vector.broadcast %max3A_292 : f32 to vector<16xf32>
      %max3A_294 = arith.maximumf %add3A_291, %max3A_293 : vector<16xf32>
      %min3A_295 = arith.constant 6.553500e+04 : f32
      %min3A_296 = vector.broadcast %min3A_295 : f32 to vector<16xf32>
      %min3A_297 = arith.minimumf %max3A_294, %min3A_296 : vector<16xf32>
      %convert_element_type3A_298 = arith.fptosi %min3A_297 : vector<16xf32> to vector<16xi32>
      %shift_right_logical3A_299 = arith.constant 12 : i32
      %shift_right_logical3A_300 = vector.broadcast %shift_right_logical3A_299 : i32 to vector<16xi32>
      %shift_right_logical3A_301 = arith.shrui %convert_element_type3A_298, %shift_right_logical3A_300 : vector<16xi32>
      %and3A_302 = arith.constant 4095 : i32
      %and3A_303 = vector.broadcast %and3A_302 : i32 to vector<16xi32>
      %and3A_304 = arith.andi %convert_element_type3A_298, %and3A_303 : vector<16xi32>
      %gather3A_305 = tpu.vector_load_idx %arg16[%and3A_304] : memref<4096xf32, #tpu.memory_space<vmem>>[vector<16xi32>], vector<16xf32>,
      %shift_left3A_306 = arith.constant 11 : i32
      %shift_left3A_307 = vector.broadcast %shift_left3A_306 : i32 to vector<16xi32>
      %shift_left3A_308 = arith.shli %shift_right_logical3A_301, %shift_left3A_307 : vector<16xi32>
      %add3A_309 = arith.constant 3 : i32
      %add3A_310 = vector.broadcast %add3A_309 : i32 to vector<16xi32>
      %add3A_311 = arith.addi %shift_left3A_99, %add3A_310 : vector<16xi32>
      %add3A_312 = arith.addi %shift_left3A_308, %add3A_311 : vector<16xi32>
      %add3A_313 = arith.constant 2048 : i32
      %add3A_314 = vector.broadcast %add3A_313 : i32 to vector<16xi32>
      %add3A_315 = arith.addi %add3A_312, %add3A_314 : vector<16xi32>
      %mul3A_316 = arith.mulf %neg3A_97, %gather3A_305 : vector<16xf32>
      %sub3A_317 = arith.subf %neg3A_97, %mul3A_316 : vector<16xf32>
      %lt3A_318 = arith.constant 0.000000e+00 : f32
      %lt3A_319 = vector.broadcast %lt3A_318 : f32 to vector<16xf32>
      %lt3A_320 = arith.cmpf olt, %mul3A_316, %lt3A_319 : vector<16xf32>
      tpu.vector_store_idx %arg17[%add3A_312], %mul3A_316 masked %lt3A_320 {add = true} : memref<34816xf32, #tpu.memory_space<vmem>>[vector<16xi32>], vector<16xf32>, vector<16xi1>
      %lt3A_321 = arith.constant 0.000000e+00 : f32
      %lt3A_322 = vector.broadcast %lt3A_321 : f32 to vector<16xf32>
      %lt3A_323 = arith.cmpf olt, %sub3A_317, %lt3A_322 : vector<16xf32>
      %lt3A_324 = arith.constant 32768 : i32
      %lt3A_325 = vector.broadcast %lt3A_324 : i32 to vector<16xi32>
      %lt3A_326 = arith.cmpi slt, %add3A_315, %lt3A_325 : vector<16xi32>
      %and3A_327 = arith.andi %lt3A_323, %lt3A_326 : vector<16xi1>
      tpu.vector_store_idx %arg17[%add3A_315], %sub3A_317 masked %and3A_327 {add = true} : memref<34816xf32, #tpu.memory_space<vmem>>[vector<16xi32>], vector<16xf32>, vector<16xi1>
      %mul3A_328 = arith.constant 0.994521915 : f32
      %mul3A_329 = vector.broadcast %mul3A_328 : f32 to vector<16xf32>
      %mul3A_330 = arith.mulf %gather3A_100, %mul3A_329 : vector<16xf32>
      %mul3A_331 = arith.constant -0.104528509 : f32
      %mul3A_332 = vector.broadcast %mul3A_331 : f32 to vector<16xf32>
      %mul3A_333 = arith.mulf %gather3A_101, %mul3A_332 : vector<16xf32>
      %add3A_334 = arith.addf %mul3A_330, %mul3A_333 : vector<16xf32>
      %mul3A_335 = arith.constant 0.994521915 : f32
      %mul3A_336 = vector.broadcast %mul3A_335 : f32 to vector<16xf32>
      %mul3A_337 = arith.mulf %gather3A_102, %mul3A_336 : vector<16xf32>
      %mul3A_338 = arith.constant -0.104528509 : f32
      %mul3A_339 = vector.broadcast %mul3A_338 : f32 to vector<16xf32>
      %mul3A_340 = arith.mulf %gather3A_103, %mul3A_339 : vector<16xf32>
      %add3A_341 = arith.addf %mul3A_337, %mul3A_340 : vector<16xf32>
      %max3A_342 = arith.maximumf %add3A_334, %add3A_341 : vector<16xf32>
      %mul3A_343 = arith.constant 27927.2734 : f32
      %mul3A_344 = vector.broadcast %mul3A_343 : f32 to vector<16xf32>
      %mul3A_345 = arith.mulf %max3A_342, %mul3A_344 : vector<16xf32>
      %add3A_346 = arith.constant 3.276800e+04 : f32
      %add3A_347 = vector.broadcast %add3A_346 : f32 to vector<16xf32>
      %add3A_348 = arith.addf %mul3A_345, %add3A_347 : vector<16xf32>
      %max3A_349 = arith.constant 0.000000e+00 : f32
      %max3A_350 = vector.broadcast %max3A_349 : f32 to vector<16xf32>
      %max3A_351 = arith.maximumf %add3A_348, %max3A_350 : vector<16xf32>
      %min3A_352 = arith.constant 6.553500e+04 : f32
      %min3A_353 = vector.broadcast %min3A_352 : f32 to vector<16xf32>
      %min3A_354 = arith.minimumf %max3A_351, %min3A_353 : vector<16xf32>
      %convert_element_type3A_355 = arith.fptosi %min3A_354 : vector<16xf32> to vector<16xi32>
      %shift_right_logical3A_356 = arith.constant 12 : i32
      %shift_right_logical3A_357 = vector.broadcast %shift_right_logical3A_356 : i32 to vector<16xi32>
      %shift_right_logical3A_358 = arith.shrui %convert_element_type3A_355, %shift_right_logical3A_357 : vector<16xi32>
      %and3A_359 = arith.constant 4095 : i32
      %and3A_360 = vector.broadcast %and3A_359 : i32 to vector<16xi32>
      %and3A_361 = arith.andi %convert_element_type3A_355, %and3A_360 : vector<16xi32>
      %gather3A_362 = tpu.vector_load_idx %arg16[%and3A_361] : memref<4096xf32, #tpu.memory_space<vmem>>[vector<16xi32>], vector<16xf32>,
      %shift_left3A_363 = arith.constant 11 : i32
      %shift_left3A_364 = vector.broadcast %shift_left3A_363 : i32 to vector<16xi32>
      %shift_left3A_365 = arith.shli %shift_right_logical3A_358, %shift_left3A_364 : vector<16xi32>
      %add3A_366 = arith.constant 4 : i32
      %add3A_367 = vector.broadcast %add3A_366 : i32 to vector<16xi32>
      %add3A_368 = arith.addi %shift_left3A_99, %add3A_367 : vector<16xi32>
      %add3A_369 = arith.addi %shift_left3A_365, %add3A_368 : vector<16xi32>
      %add3A_370 = arith.constant 2048 : i32
      %add3A_371 = vector.broadcast %add3A_370 : i32 to vector<16xi32>
      %add3A_372 = arith.addi %add3A_369, %add3A_371 : vector<16xi32>
      %mul3A_373 = arith.mulf %neg3A_97, %gather3A_362 : vector<16xf32>
      %sub3A_374 = arith.subf %neg3A_97, %mul3A_373 : vector<16xf32>
      %lt3A_375 = arith.constant 0.000000e+00 : f32
      %lt3A_376 = vector.broadcast %lt3A_375 : f32 to vector<16xf32>
      %lt3A_377 = arith.cmpf olt, %mul3A_373, %lt3A_376 : vector<16xf32>
      tpu.vector_store_idx %arg17[%add3A_369], %mul3A_373 masked %lt3A_377 {add = true} : memref<34816xf32, #tpu.memory_space<vmem>>[vector<16xi32>], vector<16xf32>, vector<16xi1>
      %lt3A_378 = arith.constant 0.000000e+00 : f32
      %lt3A_379 = vector.broadcast %lt3A_378 : f32 to vector<16xf32>
      %lt3A_380 = arith.cmpf olt, %sub3A_374, %lt3A_379 : vector<16xf32>
      %lt3A_381 = arith.constant 32768 : i32
      %lt3A_382 = vector.broadcast %lt3A_381 : i32 to vector<16xi32>
      %lt3A_383 = arith.cmpi slt, %add3A_372, %lt3A_382 : vector<16xi32>
      %and3A_384 = arith.andi %lt3A_380, %lt3A_383 : vector<16xi1>
      tpu.vector_store_idx %arg17[%add3A_372], %sub3A_374 masked %and3A_384 {add = true} : memref<34816xf32, #tpu.memory_space<vmem>>[vector<16xi32>], vector<16xf32>, vector<16xi1>
      %mul3A_385 = arith.constant 0.866025388 : f32
      %mul3A_386 = vector.broadcast %mul3A_385 : f32 to vector<16xf32>
      %mul3A_387 = arith.mulf %gather3A_100, %mul3A_386 : vector<16xf32>
      %mul3A_388 = arith.constant -0.50000006 : f32
      %mul3A_389 = vector.broadcast %mul3A_388 : f32 to vector<16xf32>
      %mul3A_390 = arith.mulf %gather3A_101, %mul3A_389 : vector<16xf32>
      %add3A_391 = arith.addf %mul3A_387, %mul3A_390 : vector<16xf32>
      %mul3A_392 = arith.constant 0.866025388 : f32
      %mul3A_393 = vector.broadcast %mul3A_392 : f32 to vector<16xf32>
      %mul3A_394 = arith.mulf %gather3A_102, %mul3A_393 : vector<16xf32>
      %mul3A_395 = arith.constant -0.50000006 : f32
      %mul3A_396 = vector.broadcast %mul3A_395 : f32 to vector<16xf32>
      %mul3A_397 = arith.mulf %gather3A_103, %mul3A_396 : vector<16xf32>
      %add3A_398 = arith.addf %mul3A_394, %mul3A_397 : vector<16xf32>
      %max3A_399 = arith.maximumf %add3A_391, %add3A_398 : vector<16xf32>
      %mul3A_400 = arith.constant 27927.2734 : f32
      %mul3A_401 = vector.broadcast %mul3A_400 : f32 to vector<16xf32>
      %mul3A_402 = arith.mulf %max3A_399, %mul3A_401 : vector<16xf32>
      %add3A_403 = arith.constant 3.276800e+04 : f32
      %add3A_404 = vector.broadcast %add3A_403 : f32 to vector<16xf32>
      %add3A_405 = arith.addf %mul3A_402, %add3A_404 : vector<16xf32>
      %max3A_406 = arith.constant 0.000000e+00 : f32
      %max3A_407 = vector.broadcast %max3A_406 : f32 to vector<16xf32>
      %max3A_408 = arith.maximumf %add3A_405, %max3A_407 : vector<16xf32>
      %min3A_409 = arith.constant 6.553500e+04 : f32
      %min3A_410 = vector.broadcast %min3A_409 : f32 to vector<16xf32>
      %min3A_411 = arith.minimumf %max3A_408, %min3A_410 : vector<16xf32>
      %convert_element_type3A_412 = arith.fptosi %min3A_411 : vector<16xf32> to vector<16xi32>
      %shift_right_logical3A_413 = arith.constant 12 : i32
      %shift_right_logical3A_414 = vector.broadcast %shift_right_logical3A_413 : i32 to vector<16xi32>
      %shift_right_logical3A_415 = arith.shrui %convert_element_type3A_412, %shift_right_logical3A_414 : vector<16xi32>
      %and3A_416 = arith.constant 4095 : i32
      %and3A_417 = vector.broadcast %and3A_416 : i32 to vector<16xi32>
      %and3A_418 = arith.andi %convert_element_type3A_412, %and3A_417 : vector<16xi32>
      %gather3A_419 = tpu.vector_load_idx %arg16[%and3A_418] : memref<4096xf32, #tpu.memory_space<vmem>>[vector<16xi32>], vector<16xf32>,
      %shift_left3A_420 = arith.constant 11 : i32
      %shift_left3A_421 = vector.broadcast %shift_left3A_420 : i32 to vector<16xi32>
      %shift_left3A_422 = arith.shli %shift_right_logical3A_415, %shift_left3A_421 : vector<16xi32>
      %add3A_423 = arith.constant 5 : i32
      %add3A_424 = vector.broadcast %add3A_423 : i32 to vector<16xi32>
      %add3A_425 = arith.addi %shift_left3A_99, %add3A_424 : vector<16xi32>
      %add3A_426 = arith.addi %shift_left3A_422, %add3A_425 : vector<16xi32>
      %add3A_427 = arith.constant 2048 : i32
      %add3A_428 = vector.broadcast %add3A_427 : i32 to vector<16xi32>
      %add3A_429 = arith.addi %add3A_426, %add3A_428 : vector<16xi32>
      %mul3A_430 = arith.mulf %neg3A_97, %gather3A_419 : vector<16xf32>
      %sub3A_431 = arith.subf %neg3A_97, %mul3A_430 : vector<16xf32>
      %lt3A_432 = arith.constant 0.000000e+00 : f32
      %lt3A_433 = vector.broadcast %lt3A_432 : f32 to vector<16xf32>
      %lt3A_434 = arith.cmpf olt, %mul3A_430, %lt3A_433 : vector<16xf32>
      tpu.vector_store_idx %arg17[%add3A_426], %mul3A_430 masked %lt3A_434 {add = true} : memref<34816xf32, #tpu.memory_space<vmem>>[vector<16xi32>], vector<16xf32>, vector<16xi1>
      %lt3A_435 = arith.constant 0.000000e+00 : f32
      %lt3A_436 = vector.broadcast %lt3A_435 : f32 to vector<16xf32>
      %lt3A_437 = arith.cmpf olt, %sub3A_431, %lt3A_436 : vector<16xf32>
      %lt3A_438 = arith.constant 32768 : i32
      %lt3A_439 = vector.broadcast %lt3A_438 : i32 to vector<16xi32>
      %lt3A_440 = arith.cmpi slt, %add3A_429, %lt3A_439 : vector<16xi32>
      %and3A_441 = arith.andi %lt3A_437, %lt3A_440 : vector<16xi1>
      tpu.vector_store_idx %arg17[%add3A_429], %sub3A_431 masked %and3A_441 {add = true} : memref<34816xf32, #tpu.memory_space<vmem>>[vector<16xi32>], vector<16xf32>, vector<16xi1>
      %mul3A_442 = arith.constant 0.587785244 : f32
      %mul3A_443 = vector.broadcast %mul3A_442 : f32 to vector<16xf32>
      %mul3A_444 = arith.mulf %gather3A_100, %mul3A_443 : vector<16xf32>
      %mul3A_445 = arith.constant -8.090170e-01 : f32
      %mul3A_446 = vector.broadcast %mul3A_445 : f32 to vector<16xf32>
      %mul3A_447 = arith.mulf %gather3A_101, %mul3A_446 : vector<16xf32>
      %add3A_448 = arith.addf %mul3A_444, %mul3A_447 : vector<16xf32>
      %mul3A_449 = arith.constant 0.587785244 : f32
      %mul3A_450 = vector.broadcast %mul3A_449 : f32 to vector<16xf32>
      %mul3A_451 = arith.mulf %gather3A_102, %mul3A_450 : vector<16xf32>
      %mul3A_452 = arith.constant -8.090170e-01 : f32
      %mul3A_453 = vector.broadcast %mul3A_452 : f32 to vector<16xf32>
      %mul3A_454 = arith.mulf %gather3A_103, %mul3A_453 : vector<16xf32>
      %add3A_455 = arith.addf %mul3A_451, %mul3A_454 : vector<16xf32>
      %max3A_456 = arith.maximumf %add3A_448, %add3A_455 : vector<16xf32>
      %mul3A_457 = arith.constant 27927.2734 : f32
      %mul3A_458 = vector.broadcast %mul3A_457 : f32 to vector<16xf32>
      %mul3A_459 = arith.mulf %max3A_456, %mul3A_458 : vector<16xf32>
      %add3A_460 = arith.constant 3.276800e+04 : f32
      %add3A_461 = vector.broadcast %add3A_460 : f32 to vector<16xf32>
      %add3A_462 = arith.addf %mul3A_459, %add3A_461 : vector<16xf32>
      %max3A_463 = arith.constant 0.000000e+00 : f32
      %max3A_464 = vector.broadcast %max3A_463 : f32 to vector<16xf32>
      %max3A_465 = arith.maximumf %add3A_462, %max3A_464 : vector<16xf32>
      %min3A_466 = arith.constant 6.553500e+04 : f32
      %min3A_467 = vector.broadcast %min3A_466 : f32 to vector<16xf32>
      %min3A_468 = arith.minimumf %max3A_465, %min3A_467 : vector<16xf32>
      %convert_element_type3A_469 = arith.fptosi %min3A_468 : vector<16xf32> to vector<16xi32>
      %shift_right_logical3A_470 = arith.constant 12 : i32
      %shift_right_logical3A_471 = vector.broadcast %shift_right_logical3A_470 : i32 to vector<16xi32>
      %shift_right_logical3A_472 = arith.shrui %convert_element_type3A_469, %shift_right_logical3A_471 : vector<16xi32>
      %and3A_473 = arith.constant 4095 : i32
      %and3A_474 = vector.broadcast %and3A_473 : i32 to vector<16xi32>
      %and3A_475 = arith.andi %convert_element_type3A_469, %and3A_474 : vector<16xi32>
      %gather3A_476 = tpu.vector_load_idx %arg16[%and3A_475] : memref<4096xf32, #tpu.memory_space<vmem>>[vector<16xi32>], vector<16xf32>,
      %shift_left3A_477 = arith.constant 11 : i32
      %shift_left3A_478 = vector.broadcast %shift_left3A_477 : i32 to vector<16xi32>
      %shift_left3A_479 = arith.shli %shift_right_logical3A_472, %shift_left3A_478 : vector<16xi32>
      %add3A_480 = arith.constant 6 : i32
      %add3A_481 = vector.broadcast %add3A_480 : i32 to vector<16xi32>
      %add3A_482 = arith.addi %shift_left3A_99, %add3A_481 : vector<16xi32>
      %add3A_483 = arith.addi %shift_left3A_479, %add3A_482 : vector<16xi32>
      %add3A_484 = arith.constant 2048 : i32
      %add3A_485 = vector.broadcast %add3A_484 : i32 to vector<16xi32>
      %add3A_486 = arith.addi %add3A_483, %add3A_485 : vector<16xi32>
      %mul3A_487 = arith.mulf %neg3A_97, %gather3A_476 : vector<16xf32>
      %sub3A_488 = arith.subf %neg3A_97, %mul3A_487 : vector<16xf32>
      %lt3A_489 = arith.constant 0.000000e+00 : f32
      %lt3A_490 = vector.broadcast %lt3A_489 : f32 to vector<16xf32>
      %lt3A_491 = arith.cmpf olt, %mul3A_487, %lt3A_490 : vector<16xf32>
      tpu.vector_store_idx %arg17[%add3A_483], %mul3A_487 masked %lt3A_491 {add = true} : memref<34816xf32, #tpu.memory_space<vmem>>[vector<16xi32>], vector<16xf32>, vector<16xi1>
      %lt3A_492 = arith.constant 0.000000e+00 : f32
      %lt3A_493 = vector.broadcast %lt3A_492 : f32 to vector<16xf32>
      %lt3A_494 = arith.cmpf olt, %sub3A_488, %lt3A_493 : vector<16xf32>
      %lt3A_495 = arith.constant 32768 : i32
      %lt3A_496 = vector.broadcast %lt3A_495 : i32 to vector<16xi32>
      %lt3A_497 = arith.cmpi slt, %add3A_486, %lt3A_496 : vector<16xi32>
      %and3A_498 = arith.andi %lt3A_494, %lt3A_497 : vector<16xi1>
      tpu.vector_store_idx %arg17[%add3A_486], %sub3A_488 masked %and3A_498 {add = true} : memref<34816xf32, #tpu.memory_space<vmem>>[vector<16xi32>], vector<16xf32>, vector<16xi1>
      %mul3A_499 = arith.constant 0.207911611 : f32
      %mul3A_500 = vector.broadcast %mul3A_499 : f32 to vector<16xf32>
      %mul3A_501 = arith.mulf %gather3A_100, %mul3A_500 : vector<16xf32>
      %mul3A_502 = arith.constant -0.978147625 : f32
      %mul3A_503 = vector.broadcast %mul3A_502 : f32 to vector<16xf32>
      %mul3A_504 = arith.mulf %gather3A_101, %mul3A_503 : vector<16xf32>
      %add3A_505 = arith.addf %mul3A_501, %mul3A_504 : vector<16xf32>
      %mul3A_506 = arith.constant 0.207911611 : f32
      %mul3A_507 = vector.broadcast %mul3A_506 : f32 to vector<16xf32>
      %mul3A_508 = arith.mulf %gather3A_102, %mul3A_507 : vector<16xf32>
      %mul3A_509 = arith.constant -0.978147625 : f32
      %mul3A_510 = vector.broadcast %mul3A_509 : f32 to vector<16xf32>
      %mul3A_511 = arith.mulf %gather3A_103, %mul3A_510 : vector<16xf32>
      %add3A_512 = arith.addf %mul3A_508, %mul3A_511 : vector<16xf32>
      %max3A_513 = arith.maximumf %add3A_505, %add3A_512 : vector<16xf32>
      %mul3A_514 = arith.constant 27927.2734 : f32
      %mul3A_515 = vector.broadcast %mul3A_514 : f32 to vector<16xf32>
      %mul3A_516 = arith.mulf %max3A_513, %mul3A_515 : vector<16xf32>
      %add3A_517 = arith.constant 3.276800e+04 : f32
      %add3A_518 = vector.broadcast %add3A_517 : f32 to vector<16xf32>
      %add3A_519 = arith.addf %mul3A_516, %add3A_518 : vector<16xf32>
      %max3A_520 = arith.constant 0.000000e+00 : f32
      %max3A_521 = vector.broadcast %max3A_520 : f32 to vector<16xf32>
      %max3A_522 = arith.maximumf %add3A_519, %max3A_521 : vector<16xf32>
      %min3A_523 = arith.constant 6.553500e+04 : f32
      %min3A_524 = vector.broadcast %min3A_523 : f32 to vector<16xf32>
      %min3A_525 = arith.minimumf %max3A_522, %min3A_524 : vector<16xf32>
      %convert_element_type3A_526 = arith.fptosi %min3A_525 : vector<16xf32> to vector<16xi32>
      %shift_right_logical3A_527 = arith.constant 12 : i32
      %shift_right_logical3A_528 = vector.broadcast %shift_right_logical3A_527 : i32 to vector<16xi32>
      %shift_right_logical3A_529 = arith.shrui %convert_element_type3A_526, %shift_right_logical3A_528 : vector<16xi32>
      %and3A_530 = arith.constant 4095 : i32
      %and3A_531 = vector.broadcast %and3A_530 : i32 to vector<16xi32>
      %and3A_532 = arith.andi %convert_element_type3A_526, %and3A_531 : vector<16xi32>
      %gather3A_533 = tpu.vector_load_idx %arg16[%and3A_532] : memref<4096xf32, #tpu.memory_space<vmem>>[vector<16xi32>], vector<16xf32>,
      %shift_left3A_534 = arith.constant 11 : i32
      %shift_left3A_535 = vector.broadcast %shift_left3A_534 : i32 to vector<16xi32>
      %shift_left3A_536 = arith.shli %shift_right_logical3A_529, %shift_left3A_535 : vector<16xi32>
      %add3A_537 = arith.constant 7 : i32
      %add3A_538 = vector.broadcast %add3A_537 : i32 to vector<16xi32>
      %add3A_539 = arith.addi %shift_left3A_99, %add3A_538 : vector<16xi32>
      %add3A_540 = arith.addi %shift_left3A_536, %add3A_539 : vector<16xi32>
      %add3A_541 = arith.constant 2048 : i32
      %add3A_542 = vector.broadcast %add3A_541 : i32 to vector<16xi32>
      %add3A_543 = arith.addi %add3A_540, %add3A_542 : vector<16xi32>
      %mul3A_544 = arith.mulf %neg3A_97, %gather3A_533 : vector<16xf32>
      %sub3A_545 = arith.subf %neg3A_97, %mul3A_544 : vector<16xf32>
      %lt3A_546 = arith.constant 0.000000e+00 : f32
      %lt3A_547 = vector.broadcast %lt3A_546 : f32 to vector<16xf32>
      %lt3A_548 = arith.cmpf olt, %mul3A_544, %lt3A_547 : vector<16xf32>
      tpu.vector_store_idx %arg17[%add3A_540], %mul3A_544 masked %lt3A_548 {add = true} : memref<34816xf32, #tpu.memory_space<vmem>>[vector<16xi32>], vector<16xf32>, vector<16xi1>
      %lt3A_549 = arith.constant 0.000000e+00 : f32
      %lt3A_550 = vector.broadcast %lt3A_549 : f32 to vector<16xf32>
      %lt3A_551 = arith.cmpf olt, %sub3A_545, %lt3A_550 : vector<16xf32>
      %lt3A_552 = arith.constant 32768 : i32
      %lt3A_553 = vector.broadcast %lt3A_552 : i32 to vector<16xi32>
      %lt3A_554 = arith.cmpi slt, %add3A_543, %lt3A_553 : vector<16xi32>
      %and3A_555 = arith.andi %lt3A_551, %lt3A_554 : vector<16xi1>
      tpu.vector_store_idx %arg17[%add3A_543], %sub3A_545 masked %and3A_555 {add = true} : memref<34816xf32, #tpu.memory_space<vmem>>[vector<16xi32>], vector<16xf32>, vector<16xi1>
      %mul3A_556 = arith.constant -0.207911789 : f32
      %mul3A_557 = vector.broadcast %mul3A_556 : f32 to vector<16xf32>
      %mul3A_558 = arith.mulf %gather3A_100, %mul3A_557 : vector<16xf32>
      %mul3A_559 = arith.constant -0.978147566 : f32
      %mul3A_560 = vector.broadcast %mul3A_559 : f32 to vector<16xf32>
      %mul3A_561 = arith.mulf %gather3A_101, %mul3A_560 : vector<16xf32>
      %add3A_562 = arith.addf %mul3A_558, %mul3A_561 : vector<16xf32>
      %mul3A_563 = arith.constant -0.207911789 : f32
      %mul3A_564 = vector.broadcast %mul3A_563 : f32 to vector<16xf32>
      %mul3A_565 = arith.mulf %gather3A_102, %mul3A_564 : vector<16xf32>
      %mul3A_566 = arith.constant -0.978147566 : f32
      %mul3A_567 = vector.broadcast %mul3A_566 : f32 to vector<16xf32>
      %mul3A_568 = arith.mulf %gather3A_103, %mul3A_567 : vector<16xf32>
      %add3A_569 = arith.addf %mul3A_565, %mul3A_568 : vector<16xf32>
      %max3A_570 = arith.maximumf %add3A_562, %add3A_569 : vector<16xf32>
      %mul3A_571 = arith.constant 27927.2734 : f32
      %mul3A_572 = vector.broadcast %mul3A_571 : f32 to vector<16xf32>
      %mul3A_573 = arith.mulf %max3A_570, %mul3A_572 : vector<16xf32>
      %add3A_574 = arith.constant 3.276800e+04 : f32
      %add3A_575 = vector.broadcast %add3A_574 : f32 to vector<16xf32>
      %add3A_576 = arith.addf %mul3A_573, %add3A_575 : vector<16xf32>
      %max3A_577 = arith.constant 0.000000e+00 : f32
      %max3A_578 = vector.broadcast %max3A_577 : f32 to vector<16xf32>
      %max3A_579 = arith.maximumf %add3A_576, %max3A_578 : vector<16xf32>
      %min3A_580 = arith.constant 6.553500e+04 : f32
      %min3A_581 = vector.broadcast %min3A_580 : f32 to vector<16xf32>
      %min3A_582 = arith.minimumf %max3A_579, %min3A_581 : vector<16xf32>
      %convert_element_type3A_583 = arith.fptosi %min3A_582 : vector<16xf32> to vector<16xi32>
      %shift_right_logical3A_584 = arith.constant 12 : i32
      %shift_right_logical3A_585 = vector.broadcast %shift_right_logical3A_584 : i32 to vector<16xi32>
      %shift_right_logical3A_586 = arith.shrui %convert_element_type3A_583, %shift_right_logical3A_585 : vector<16xi32>
      %and3A_587 = arith.constant 4095 : i32
      %and3A_588 = vector.broadcast %and3A_587 : i32 to vector<16xi32>
      %and3A_589 = arith.andi %convert_element_type3A_583, %and3A_588 : vector<16xi32>
      %gather3A_590 = tpu.vector_load_idx %arg16[%and3A_589] : memref<4096xf32, #tpu.memory_space<vmem>>[vector<16xi32>], vector<16xf32>,
      %shift_left3A_591 = arith.constant 11 : i32
      %shift_left3A_592 = vector.broadcast %shift_left3A_591 : i32 to vector<16xi32>
      %shift_left3A_593 = arith.shli %shift_right_logical3A_586, %shift_left3A_592 : vector<16xi32>
      %add3A_594 = arith.constant 8 : i32
      %add3A_595 = vector.broadcast %add3A_594 : i32 to vector<16xi32>
      %add3A_596 = arith.addi %shift_left3A_99, %add3A_595 : vector<16xi32>
      %add3A_597 = arith.addi %shift_left3A_593, %add3A_596 : vector<16xi32>
      %add3A_598 = arith.constant 2048 : i32
      %add3A_599 = vector.broadcast %add3A_598 : i32 to vector<16xi32>
      %add3A_600 = arith.addi %add3A_597, %add3A_599 : vector<16xi32>
      %mul3A_601 = arith.mulf %neg3A_97, %gather3A_590 : vector<16xf32>
      %sub3A_602 = arith.subf %neg3A_97, %mul3A_601 : vector<16xf32>
      %lt3A_603 = arith.constant 0.000000e+00 : f32
      %lt3A_604 = vector.broadcast %lt3A_603 : f32 to vector<16xf32>
      %lt3A_605 = arith.cmpf olt, %mul3A_601, %lt3A_604 : vector<16xf32>
      tpu.vector_store_idx %arg17[%add3A_597], %mul3A_601 masked %lt3A_605 {add = true} : memref<34816xf32, #tpu.memory_space<vmem>>[vector<16xi32>], vector<16xf32>, vector<16xi1>
      %lt3A_606 = arith.constant 0.000000e+00 : f32
      %lt3A_607 = vector.broadcast %lt3A_606 : f32 to vector<16xf32>
      %lt3A_608 = arith.cmpf olt, %sub3A_602, %lt3A_607 : vector<16xf32>
      %lt3A_609 = arith.constant 32768 : i32
      %lt3A_610 = vector.broadcast %lt3A_609 : i32 to vector<16xi32>
      %lt3A_611 = arith.cmpi slt, %add3A_600, %lt3A_610 : vector<16xi32>
      %and3A_612 = arith.andi %lt3A_608, %lt3A_611 : vector<16xi1>
      tpu.vector_store_idx %arg17[%add3A_600], %sub3A_602 masked %and3A_612 {add = true} : memref<34816xf32, #tpu.memory_space<vmem>>[vector<16xi32>], vector<16xf32>, vector<16xi1>
      %mul3A_613 = arith.constant -0.587785304 : f32
      %mul3A_614 = vector.broadcast %mul3A_613 : f32 to vector<16xf32>
      %mul3A_615 = arith.mulf %gather3A_100, %mul3A_614 : vector<16xf32>
      %mul3A_616 = arith.constant -0.809016943 : f32
      %mul3A_617 = vector.broadcast %mul3A_616 : f32 to vector<16xf32>
      %mul3A_618 = arith.mulf %gather3A_101, %mul3A_617 : vector<16xf32>
      %add3A_619 = arith.addf %mul3A_615, %mul3A_618 : vector<16xf32>
      %mul3A_620 = arith.constant -0.587785304 : f32
      %mul3A_621 = vector.broadcast %mul3A_620 : f32 to vector<16xf32>
      %mul3A_622 = arith.mulf %gather3A_102, %mul3A_621 : vector<16xf32>
      %mul3A_623 = arith.constant -0.809016943 : f32
      %mul3A_624 = vector.broadcast %mul3A_623 : f32 to vector<16xf32>
      %mul3A_625 = arith.mulf %gather3A_103, %mul3A_624 : vector<16xf32>
      %add3A_626 = arith.addf %mul3A_622, %mul3A_625 : vector<16xf32>
      %max3A_627 = arith.maximumf %add3A_619, %add3A_626 : vector<16xf32>
      %mul3A_628 = arith.constant 27927.2734 : f32
      %mul3A_629 = vector.broadcast %mul3A_628 : f32 to vector<16xf32>
      %mul3A_630 = arith.mulf %max3A_627, %mul3A_629 : vector<16xf32>
      %add3A_631 = arith.constant 3.276800e+04 : f32
      %add3A_632 = vector.broadcast %add3A_631 : f32 to vector<16xf32>
      %add3A_633 = arith.addf %mul3A_630, %add3A_632 : vector<16xf32>
      %max3A_634 = arith.constant 0.000000e+00 : f32
      %max3A_635 = vector.broadcast %max3A_634 : f32 to vector<16xf32>
      %max3A_636 = arith.maximumf %add3A_633, %max3A_635 : vector<16xf32>
      %min3A_637 = arith.constant 6.553500e+04 : f32
      %min3A_638 = vector.broadcast %min3A_637 : f32 to vector<16xf32>
      %min3A_639 = arith.minimumf %max3A_636, %min3A_638 : vector<16xf32>
      %convert_element_type3A_640 = arith.fptosi %min3A_639 : vector<16xf32> to vector<16xi32>
      %shift_right_logical3A_641 = arith.constant 12 : i32
      %shift_right_logical3A_642 = vector.broadcast %shift_right_logical3A_641 : i32 to vector<16xi32>
      %shift_right_logical3A_643 = arith.shrui %convert_element_type3A_640, %shift_right_logical3A_642 : vector<16xi32>
      %and3A_644 = arith.constant 4095 : i32
      %and3A_645 = vector.broadcast %and3A_644 : i32 to vector<16xi32>
      %and3A_646 = arith.andi %convert_element_type3A_640, %and3A_645 : vector<16xi32>
      %gather3A_647 = tpu.vector_load_idx %arg16[%and3A_646] : memref<4096xf32, #tpu.memory_space<vmem>>[vector<16xi32>], vector<16xf32>,
      %shift_left3A_648 = arith.constant 11 : i32
      %shift_left3A_649 = vector.broadcast %shift_left3A_648 : i32 to vector<16xi32>
      %shift_left3A_650 = arith.shli %shift_right_logical3A_643, %shift_left3A_649 : vector<16xi32>
      %add3A_651 = arith.constant 9 : i32
      %add3A_652 = vector.broadcast %add3A_651 : i32 to vector<16xi32>
      %add3A_653 = arith.addi %shift_left3A_99, %add3A_652 : vector<16xi32>
      %add3A_654 = arith.addi %shift_left3A_650, %add3A_653 : vector<16xi32>
      %add3A_655 = arith.constant 2048 : i32
      %add3A_656 = vector.broadcast %add3A_655 : i32 to vector<16xi32>
      %add3A_657 = arith.addi %add3A_654, %add3A_656 : vector<16xi32>
      %mul3A_658 = arith.mulf %neg3A_97, %gather3A_647 : vector<16xf32>
      %sub3A_659 = arith.subf %neg3A_97, %mul3A_658 : vector<16xf32>
      %lt3A_660 = arith.constant 0.000000e+00 : f32
      %lt3A_661 = vector.broadcast %lt3A_660 : f32 to vector<16xf32>
      %lt3A_662 = arith.cmpf olt, %mul3A_658, %lt3A_661 : vector<16xf32>
      tpu.vector_store_idx %arg17[%add3A_654], %mul3A_658 masked %lt3A_662 {add = true} : memref<34816xf32, #tpu.memory_space<vmem>>[vector<16xi32>], vector<16xf32>, vector<16xi1>
      %lt3A_663 = arith.constant 0.000000e+00 : f32
      %lt3A_664 = vector.broadcast %lt3A_663 : f32 to vector<16xf32>
      %lt3A_665 = arith.cmpf olt, %sub3A_659, %lt3A_664 : vector<16xf32>
      %lt3A_666 = arith.constant 32768 : i32
      %lt3A_667 = vector.broadcast %lt3A_666 : i32 to vector<16xi32>
      %lt3A_668 = arith.cmpi slt, %add3A_657, %lt3A_667 : vector<16xi32>
      %and3A_669 = arith.andi %lt3A_665, %lt3A_668 : vector<16xi1>
      tpu.vector_store_idx %arg17[%add3A_657], %sub3A_659 masked %and3A_669 {add = true} : memref<34816xf32, #tpu.memory_space<vmem>>[vector<16xi32>], vector<16xf32>, vector<16xi1>
      %mul3A_670 = arith.constant -0.866025447 : f32
      %mul3A_671 = vector.broadcast %mul3A_670 : f32 to vector<16xf32>
      %mul3A_672 = arith.mulf %gather3A_100, %mul3A_671 : vector<16xf32>
      %mul3A_673 = arith.constant -0.499999911 : f32
      %mul3A_674 = vector.broadcast %mul3A_673 : f32 to vector<16xf32>
      %mul3A_675 = arith.mulf %gather3A_101, %mul3A_674 : vector<16xf32>
      %add3A_676 = arith.addf %mul3A_672, %mul3A_675 : vector<16xf32>
      %mul3A_677 = arith.constant -0.866025447 : f32
      %mul3A_678 = vector.broadcast %mul3A_677 : f32 to vector<16xf32>
      %mul3A_679 = arith.mulf %gather3A_102, %mul3A_678 : vector<16xf32>
      %mul3A_680 = arith.constant -0.499999911 : f32
      %mul3A_681 = vector.broadcast %mul3A_680 : f32 to vector<16xf32>
      %mul3A_682 = arith.mulf %gather3A_103, %mul3A_681 : vector<16xf32>
      %add3A_683 = arith.addf %mul3A_679, %mul3A_682 : vector<16xf32>
      %max3A_684 = arith.maximumf %add3A_676, %add3A_683 : vector<16xf32>
      %mul3A_685 = arith.constant 27927.2734 : f32
      %mul3A_686 = vector.broadcast %mul3A_685 : f32 to vector<16xf32>
      %mul3A_687 = arith.mulf %max3A_684, %mul3A_686 : vector<16xf32>
      %add3A_688 = arith.constant 3.276800e+04 : f32
      %add3A_689 = vector.broadcast %add3A_688 : f32 to vector<16xf32>
      %add3A_690 = arith.addf %mul3A_687, %add3A_689 : vector<16xf32>
      %max3A_691 = arith.constant 0.000000e+00 : f32
      %max3A_692 = vector.broadcast %max3A_691 : f32 to vector<16xf32>
      %max3A_693 = arith.maximumf %add3A_690, %max3A_692 : vector<16xf32>
      %min3A_694 = arith.constant 6.553500e+04 : f32
      %min3A_695 = vector.broadcast %min3A_694 : f32 to vector<16xf32>
      %min3A_696 = arith.minimumf %max3A_693, %min3A_695 : vector<16xf32>
      %convert_element_type3A_697 = arith.fptosi %min3A_696 : vector<16xf32> to vector<16xi32>
      %shift_right_logical3A_698 = arith.constant 12 : i32
      %shift_right_logical3A_699 = vector.broadcast %shift_right_logical3A_698 : i32 to vector<16xi32>
      %shift_right_logical3A_700 = arith.shrui %convert_element_type3A_697, %shift_right_logical3A_699 : vector<16xi32>
      %and3A_701 = arith.constant 4095 : i32
      %and3A_702 = vector.broadcast %and3A_701 : i32 to vector<16xi32>
      %and3A_703 = arith.andi %convert_element_type3A_697, %and3A_702 : vector<16xi32>
      %gather3A_704 = tpu.vector_load_idx %arg16[%and3A_703] : memref<4096xf32, #tpu.memory_space<vmem>>[vector<16xi32>], vector<16xf32>,
      %shift_left3A_705 = arith.constant 11 : i32
      %shift_left3A_706 = vector.broadcast %shift_left3A_705 : i32 to vector<16xi32>
      %shift_left3A_707 = arith.shli %shift_right_logical3A_700, %shift_left3A_706 : vector<16xi32>
      %add3A_708 = arith.constant 10 : i32
      %add3A_709 = vector.broadcast %add3A_708 : i32 to vector<16xi32>
      %add3A_710 = arith.addi %shift_left3A_99, %add3A_709 : vector<16xi32>
      %add3A_711 = arith.addi %shift_left3A_707, %add3A_710 : vector<16xi32>
      %add3A_712 = arith.constant 2048 : i32
      %add3A_713 = vector.broadcast %add3A_712 : i32 to vector<16xi32>
      %add3A_714 = arith.addi %add3A_711, %add3A_713 : vector<16xi32>
      %mul3A_715 = arith.mulf %neg3A_97, %gather3A_704 : vector<16xf32>
      %sub3A_716 = arith.subf %neg3A_97, %mul3A_715 : vector<16xf32>
      %lt3A_717 = arith.constant 0.000000e+00 : f32
      %lt3A_718 = vector.broadcast %lt3A_717 : f32 to vector<16xf32>
      %lt3A_719 = arith.cmpf olt, %mul3A_715, %lt3A_718 : vector<16xf32>
      tpu.vector_store_idx %arg17[%add3A_711], %mul3A_715 masked %lt3A_719 {add = true} : memref<34816xf32, #tpu.memory_space<vmem>>[vector<16xi32>], vector<16xf32>, vector<16xi1>
      %lt3A_720 = arith.constant 0.000000e+00 : f32
      %lt3A_721 = vector.broadcast %lt3A_720 : f32 to vector<16xf32>
      %lt3A_722 = arith.cmpf olt, %sub3A_716, %lt3A_721 : vector<16xf32>
      %lt3A_723 = arith.constant 32768 : i32
      %lt3A_724 = vector.broadcast %lt3A_723 : i32 to vector<16xi32>
      %lt3A_725 = arith.cmpi slt, %add3A_714, %lt3A_724 : vector<16xi32>
      %and3A_726 = arith.andi %lt3A_722, %lt3A_725 : vector<16xi1>
      tpu.vector_store_idx %arg17[%add3A_714], %sub3A_716 masked %and3A_726 {add = true} : memref<34816xf32, #tpu.memory_space<vmem>>[vector<16xi32>], vector<16xf32>, vector<16xi1>
      %mul3A_727 = arith.constant -0.994521915 : f32
      %mul3A_728 = vector.broadcast %mul3A_727 : f32 to vector<16xf32>
      %mul3A_729 = arith.mulf %gather3A_100, %mul3A_728 : vector<16xf32>
      %mul3A_730 = arith.constant -0.10452833 : f32
      %mul3A_731 = vector.broadcast %mul3A_730 : f32 to vector<16xf32>
      %mul3A_732 = arith.mulf %gather3A_101, %mul3A_731 : vector<16xf32>
      %add3A_733 = arith.addf %mul3A_729, %mul3A_732 : vector<16xf32>
      %mul3A_734 = arith.constant -0.994521915 : f32
      %mul3A_735 = vector.broadcast %mul3A_734 : f32 to vector<16xf32>
      %mul3A_736 = arith.mulf %gather3A_102, %mul3A_735 : vector<16xf32>
      %mul3A_737 = arith.constant -0.10452833 : f32
      %mul3A_738 = vector.broadcast %mul3A_737 : f32 to vector<16xf32>
      %mul3A_739 = arith.mulf %gather3A_103, %mul3A_738 : vector<16xf32>
      %add3A_740 = arith.addf %mul3A_736, %mul3A_739 : vector<16xf32>
      %max3A_741 = arith.maximumf %add3A_733, %add3A_740 : vector<16xf32>
      %mul3A_742 = arith.constant 27927.2734 : f32
      %mul3A_743 = vector.broadcast %mul3A_742 : f32 to vector<16xf32>
      %mul3A_744 = arith.mulf %max3A_741, %mul3A_743 : vector<16xf32>
      %add3A_745 = arith.constant 3.276800e+04 : f32
      %add3A_746 = vector.broadcast %add3A_745 : f32 to vector<16xf32>
      %add3A_747 = arith.addf %mul3A_744, %add3A_746 : vector<16xf32>
      %max3A_748 = arith.constant 0.000000e+00 : f32
      %max3A_749 = vector.broadcast %max3A_748 : f32 to vector<16xf32>
      %max3A_750 = arith.maximumf %add3A_747, %max3A_749 : vector<16xf32>
      %min3A_751 = arith.constant 6.553500e+04 : f32
      %min3A_752 = vector.broadcast %min3A_751 : f32 to vector<16xf32>
      %min3A_753 = arith.minimumf %max3A_750, %min3A_752 : vector<16xf32>
      %convert_element_type3A_754 = arith.fptosi %min3A_753 : vector<16xf32> to vector<16xi32>
      %shift_right_logical3A_755 = arith.constant 12 : i32
      %shift_right_logical3A_756 = vector.broadcast %shift_right_logical3A_755 : i32 to vector<16xi32>
      %shift_right_logical3A_757 = arith.shrui %convert_element_type3A_754, %shift_right_logical3A_756 : vector<16xi32>
      %and3A_758 = arith.constant 4095 : i32
      %and3A_759 = vector.broadcast %and3A_758 : i32 to vector<16xi32>
      %and3A_760 = arith.andi %convert_element_type3A_754, %and3A_759 : vector<16xi32>
      %gather3A_761 = tpu.vector_load_idx %arg16[%and3A_760] : memref<4096xf32, #tpu.memory_space<vmem>>[vector<16xi32>], vector<16xf32>,
      %shift_left3A_762 = arith.constant 11 : i32
      %shift_left3A_763 = vector.broadcast %shift_left3A_762 : i32 to vector<16xi32>
      %shift_left3A_764 = arith.shli %shift_right_logical3A_757, %shift_left3A_763 : vector<16xi32>
      %add3A_765 = arith.constant 11 : i32
      %add3A_766 = vector.broadcast %add3A_765 : i32 to vector<16xi32>
      %add3A_767 = arith.addi %shift_left3A_99, %add3A_766 : vector<16xi32>
      %add3A_768 = arith.addi %shift_left3A_764, %add3A_767 : vector<16xi32>
      %add3A_769 = arith.constant 2048 : i32
      %add3A_770 = vector.broadcast %add3A_769 : i32 to vector<16xi32>
      %add3A_771 = arith.addi %add3A_768, %add3A_770 : vector<16xi32>
      %mul3A_772 = arith.mulf %neg3A_97, %gather3A_761 : vector<16xf32>
      %sub3A_773 = arith.subf %neg3A_97, %mul3A_772 : vector<16xf32>
      %lt3A_774 = arith.constant 0.000000e+00 : f32
      %lt3A_775 = vector.broadcast %lt3A_774 : f32 to vector<16xf32>
      %lt3A_776 = arith.cmpf olt, %mul3A_772, %lt3A_775 : vector<16xf32>
      tpu.vector_store_idx %arg17[%add3A_768], %mul3A_772 masked %lt3A_776 {add = true} : memref<34816xf32, #tpu.memory_space<vmem>>[vector<16xi32>], vector<16xf32>, vector<16xi1>
      %lt3A_777 = arith.constant 0.000000e+00 : f32
      %lt3A_778 = vector.broadcast %lt3A_777 : f32 to vector<16xf32>
      %lt3A_779 = arith.cmpf olt, %sub3A_773, %lt3A_778 : vector<16xf32>
      %lt3A_780 = arith.constant 32768 : i32
      %lt3A_781 = vector.broadcast %lt3A_780 : i32 to vector<16xi32>
      %lt3A_782 = arith.cmpi slt, %add3A_771, %lt3A_781 : vector<16xi32>
      %and3A_783 = arith.andi %lt3A_779, %lt3A_782 : vector<16xi1>
      tpu.vector_store_idx %arg17[%add3A_771], %sub3A_773 masked %and3A_783 {add = true} : memref<34816xf32, #tpu.memory_space<vmem>>[vector<16xi32>], vector<16xf32>, vector<16xi1>
      %mul3A_784 = arith.constant -0.95105648 : f32
      %mul3A_785 = vector.broadcast %mul3A_784 : f32 to vector<16xf32>
      %mul3A_786 = arith.mulf %gather3A_100, %mul3A_785 : vector<16xf32>
      %mul3A_787 = arith.constant 0.309017122 : f32
      %mul3A_788 = vector.broadcast %mul3A_787 : f32 to vector<16xf32>
      %mul3A_789 = arith.mulf %gather3A_101, %mul3A_788 : vector<16xf32>
      %add3A_790 = arith.addf %mul3A_786, %mul3A_789 : vector<16xf32>
      %mul3A_791 = arith.constant -0.95105648 : f32
      %mul3A_792 = vector.broadcast %mul3A_791 : f32 to vector<16xf32>
      %mul3A_793 = arith.mulf %gather3A_102, %mul3A_792 : vector<16xf32>
      %mul3A_794 = arith.constant 0.309017122 : f32
      %mul3A_795 = vector.broadcast %mul3A_794 : f32 to vector<16xf32>
      %mul3A_796 = arith.mulf %gather3A_103, %mul3A_795 : vector<16xf32>
      %add3A_797 = arith.addf %mul3A_793, %mul3A_796 : vector<16xf32>
      %max3A_798 = arith.maximumf %add3A_790, %add3A_797 : vector<16xf32>
      %mul3A_799 = arith.constant 27927.2734 : f32
      %mul3A_800 = vector.broadcast %mul3A_799 : f32 to vector<16xf32>
      %mul3A_801 = arith.mulf %max3A_798, %mul3A_800 : vector<16xf32>
      %add3A_802 = arith.constant 3.276800e+04 : f32
      %add3A_803 = vector.broadcast %add3A_802 : f32 to vector<16xf32>
      %add3A_804 = arith.addf %mul3A_801, %add3A_803 : vector<16xf32>
      %max3A_805 = arith.constant 0.000000e+00 : f32
      %max3A_806 = vector.broadcast %max3A_805 : f32 to vector<16xf32>
      %max3A_807 = arith.maximumf %add3A_804, %max3A_806 : vector<16xf32>
      %min3A_808 = arith.constant 6.553500e+04 : f32
      %min3A_809 = vector.broadcast %min3A_808 : f32 to vector<16xf32>
      %min3A_810 = arith.minimumf %max3A_807, %min3A_809 : vector<16xf32>
      %convert_element_type3A_811 = arith.fptosi %min3A_810 : vector<16xf32> to vector<16xi32>
      %shift_right_logical3A_812 = arith.constant 12 : i32
      %shift_right_logical3A_813 = vector.broadcast %shift_right_logical3A_812 : i32 to vector<16xi32>
      %shift_right_logical3A_814 = arith.shrui %convert_element_type3A_811, %shift_right_logical3A_813 : vector<16xi32>
      %and3A_815 = arith.constant 4095 : i32
      %and3A_816 = vector.broadcast %and3A_815 : i32 to vector<16xi32>
      %and3A_817 = arith.andi %convert_element_type3A_811, %and3A_816 : vector<16xi32>
      %gather3A_818 = tpu.vector_load_idx %arg16[%and3A_817] : memref<4096xf32, #tpu.memory_space<vmem>>[vector<16xi32>], vector<16xf32>,
      %shift_left3A_819 = arith.constant 11 : i32
      %shift_left3A_820 = vector.broadcast %shift_left3A_819 : i32 to vector<16xi32>
      %shift_left3A_821 = arith.shli %shift_right_logical3A_814, %shift_left3A_820 : vector<16xi32>
      %add3A_822 = arith.constant 12 : i32
      %add3A_823 = vector.broadcast %add3A_822 : i32 to vector<16xi32>
      %add3A_824 = arith.addi %shift_left3A_99, %add3A_823 : vector<16xi32>
      %add3A_825 = arith.addi %shift_left3A_821, %add3A_824 : vector<16xi32>
      %add3A_826 = arith.constant 2048 : i32
      %add3A_827 = vector.broadcast %add3A_826 : i32 to vector<16xi32>
      %add3A_828 = arith.addi %add3A_825, %add3A_827 : vector<16xi32>
      %mul3A_829 = arith.mulf %neg3A_97, %gather3A_818 : vector<16xf32>
      %sub3A_830 = arith.subf %neg3A_97, %mul3A_829 : vector<16xf32>
      %lt3A_831 = arith.constant 0.000000e+00 : f32
      %lt3A_832 = vector.broadcast %lt3A_831 : f32 to vector<16xf32>
      %lt3A_833 = arith.cmpf olt, %mul3A_829, %lt3A_832 : vector<16xf32>
      tpu.vector_store_idx %arg17[%add3A_825], %mul3A_829 masked %lt3A_833 {add = true} : memref<34816xf32, #tpu.memory_space<vmem>>[vector<16xi32>], vector<16xf32>, vector<16xi1>
      %lt3A_834 = arith.constant 0.000000e+00 : f32
      %lt3A_835 = vector.broadcast %lt3A_834 : f32 to vector<16xf32>
      %lt3A_836 = arith.cmpf olt, %sub3A_830, %lt3A_835 : vector<16xf32>
      %lt3A_837 = arith.constant 32768 : i32
      %lt3A_838 = vector.broadcast %lt3A_837 : i32 to vector<16xi32>
      %lt3A_839 = arith.cmpi slt, %add3A_828, %lt3A_838 : vector<16xi32>
      %and3A_840 = arith.andi %lt3A_836, %lt3A_839 : vector<16xi1>
      tpu.vector_store_idx %arg17[%add3A_828], %sub3A_830 masked %and3A_840 {add = true} : memref<34816xf32, #tpu.memory_space<vmem>>[vector<16xi32>], vector<16xf32>, vector<16xi1>
      %mul3A_841 = arith.constant -0.74314469 : f32
      %mul3A_842 = vector.broadcast %mul3A_841 : f32 to vector<16xf32>
      %mul3A_843 = arith.mulf %gather3A_100, %mul3A_842 : vector<16xf32>
      %mul3A_844 = arith.constant 0.669130742 : f32
      %mul3A_845 = vector.broadcast %mul3A_844 : f32 to vector<16xf32>
      %mul3A_846 = arith.mulf %gather3A_101, %mul3A_845 : vector<16xf32>
      %add3A_847 = arith.addf %mul3A_843, %mul3A_846 : vector<16xf32>
      %mul3A_848 = arith.constant -0.74314469 : f32
      %mul3A_849 = vector.broadcast %mul3A_848 : f32 to vector<16xf32>
      %mul3A_850 = arith.mulf %gather3A_102, %mul3A_849 : vector<16xf32>
      %mul3A_851 = arith.constant 0.669130742 : f32
      %mul3A_852 = vector.broadcast %mul3A_851 : f32 to vector<16xf32>
      %mul3A_853 = arith.mulf %gather3A_103, %mul3A_852 : vector<16xf32>
      %add3A_854 = arith.addf %mul3A_850, %mul3A_853 : vector<16xf32>
      %max3A_855 = arith.maximumf %add3A_847, %add3A_854 : vector<16xf32>
      %mul3A_856 = arith.constant 27927.2734 : f32
      %mul3A_857 = vector.broadcast %mul3A_856 : f32 to vector<16xf32>
      %mul3A_858 = arith.mulf %max3A_855, %mul3A_857 : vector<16xf32>
      %add3A_859 = arith.constant 3.276800e+04 : f32
      %add3A_860 = vector.broadcast %add3A_859 : f32 to vector<16xf32>
      %add3A_861 = arith.addf %mul3A_858, %add3A_860 : vector<16xf32>
      %max3A_862 = arith.constant 0.000000e+00 : f32
      %max3A_863 = vector.broadcast %max3A_862 : f32 to vector<16xf32>
      %max3A_864 = arith.maximumf %add3A_861, %max3A_863 : vector<16xf32>
      %min3A_865 = arith.constant 6.553500e+04 : f32
      %min3A_866 = vector.broadcast %min3A_865 : f32 to vector<16xf32>
      %min3A_867 = arith.minimumf %max3A_864, %min3A_866 : vector<16xf32>
      %convert_element_type3A_868 = arith.fptosi %min3A_867 : vector<16xf32> to vector<16xi32>
      %shift_right_logical3A_869 = arith.constant 12 : i32
      %shift_right_logical3A_870 = vector.broadcast %shift_right_logical3A_869 : i32 to vector<16xi32>
      %shift_right_logical3A_871 = arith.shrui %convert_element_type3A_868, %shift_right_logical3A_870 : vector<16xi32>
      %and3A_872 = arith.constant 4095 : i32
      %and3A_873 = vector.broadcast %and3A_872 : i32 to vector<16xi32>
      %and3A_874 = arith.andi %convert_element_type3A_868, %and3A_873 : vector<16xi32>
      %gather3A_875 = tpu.vector_load_idx %arg16[%and3A_874] : memref<4096xf32, #tpu.memory_space<vmem>>[vector<16xi32>], vector<16xf32>,
      %shift_left3A_876 = arith.constant 11 : i32
      %shift_left3A_877 = vector.broadcast %shift_left3A_876 : i32 to vector<16xi32>
      %shift_left3A_878 = arith.shli %shift_right_logical3A_871, %shift_left3A_877 : vector<16xi32>
      %add3A_879 = arith.constant 13 : i32
      %add3A_880 = vector.broadcast %add3A_879 : i32 to vector<16xi32>
      %add3A_881 = arith.addi %shift_left3A_99, %add3A_880 : vector<16xi32>
      %add3A_882 = arith.addi %shift_left3A_878, %add3A_881 : vector<16xi32>
      %add3A_883 = arith.constant 2048 : i32
      %add3A_884 = vector.broadcast %add3A_883 : i32 to vector<16xi32>
      %add3A_885 = arith.addi %add3A_882, %add3A_884 : vector<16xi32>
      %mul3A_886 = arith.mulf %neg3A_97, %gather3A_875 : vector<16xf32>
      %sub3A_887 = arith.subf %neg3A_97, %mul3A_886 : vector<16xf32>
      %lt3A_888 = arith.constant 0.000000e+00 : f32
      %lt3A_889 = vector.broadcast %lt3A_888 : f32 to vector<16xf32>
      %lt3A_890 = arith.cmpf olt, %mul3A_886, %lt3A_889 : vector<16xf32>
      tpu.vector_store_idx %arg17[%add3A_882], %mul3A_886 masked %lt3A_890 {add = true} : memref<34816xf32, #tpu.memory_space<vmem>>[vector<16xi32>], vector<16xf32>, vector<16xi1>
      %lt3A_891 = arith.constant 0.000000e+00 : f32
      %lt3A_892 = vector.broadcast %lt3A_891 : f32 to vector<16xf32>
      %lt3A_893 = arith.cmpf olt, %sub3A_887, %lt3A_892 : vector<16xf32>
      %lt3A_894 = arith.constant 32768 : i32
      %lt3A_895 = vector.broadcast %lt3A_894 : i32 to vector<16xi32>
      %lt3A_896 = arith.cmpi slt, %add3A_885, %lt3A_895 : vector<16xi32>
      %and3A_897 = arith.andi %lt3A_893, %lt3A_896 : vector<16xi1>
      tpu.vector_store_idx %arg17[%add3A_885], %sub3A_887 masked %and3A_897 {add = true} : memref<34816xf32, #tpu.memory_space<vmem>>[vector<16xi32>], vector<16xf32>, vector<16xi1>
      %mul3A_898 = arith.constant -0.406736493 : f32
      %mul3A_899 = vector.broadcast %mul3A_898 : f32 to vector<16xf32>
      %mul3A_900 = arith.mulf %gather3A_100, %mul3A_899 : vector<16xf32>
      %mul3A_901 = arith.constant 0.913545548 : f32
      %mul3A_902 = vector.broadcast %mul3A_901 : f32 to vector<16xf32>
      %mul3A_903 = arith.mulf %gather3A_101, %mul3A_902 : vector<16xf32>
      %add3A_904 = arith.addf %mul3A_900, %mul3A_903 : vector<16xf32>
      %mul3A_905 = arith.constant -0.406736493 : f32
      %mul3A_906 = vector.broadcast %mul3A_905 : f32 to vector<16xf32>
      %mul3A_907 = arith.mulf %gather3A_102, %mul3A_906 : vector<16xf32>
      %mul3A_908 = arith.constant 0.913545548 : f32
      %mul3A_909 = vector.broadcast %mul3A_908 : f32 to vector<16xf32>
      %mul3A_910 = arith.mulf %gather3A_103, %mul3A_909 : vector<16xf32>
      %add3A_911 = arith.addf %mul3A_907, %mul3A_910 : vector<16xf32>
      %max3A_912 = arith.maximumf %add3A_904, %add3A_911 : vector<16xf32>
      %mul3A_913 = arith.constant 27927.2734 : f32
      %mul3A_914 = vector.broadcast %mul3A_913 : f32 to vector<16xf32>
      %mul3A_915 = arith.mulf %max3A_912, %mul3A_914 : vector<16xf32>
      %add3A_916 = arith.constant 3.276800e+04 : f32
      %add3A_917 = vector.broadcast %add3A_916 : f32 to vector<16xf32>
      %add3A_918 = arith.addf %mul3A_915, %add3A_917 : vector<16xf32>
      %max3A_919 = arith.constant 0.000000e+00 : f32
      %max3A_920 = vector.broadcast %max3A_919 : f32 to vector<16xf32>
      %max3A_921 = arith.maximumf %add3A_918, %max3A_920 : vector<16xf32>
      %min3A_922 = arith.constant 6.553500e+04 : f32
      %min3A_923 = vector.broadcast %min3A_922 : f32 to vector<16xf32>
      %min3A_924 = arith.minimumf %max3A_921, %min3A_923 : vector<16xf32>
      %convert_element_type3A_925 = arith.fptosi %min3A_924 : vector<16xf32> to vector<16xi32>
      %shift_right_logical3A_926 = arith.constant 12 : i32
      %shift_right_logical3A_927 = vector.broadcast %shift_right_logical3A_926 : i32 to vector<16xi32>
      %shift_right_logical3A_928 = arith.shrui %convert_element_type3A_925, %shift_right_logical3A_927 : vector<16xi32>
      %and3A_929 = arith.constant 4095 : i32
      %and3A_930 = vector.broadcast %and3A_929 : i32 to vector<16xi32>
      %and3A_931 = arith.andi %convert_element_type3A_925, %and3A_930 : vector<16xi32>
      %gather3A_932 = tpu.vector_load_idx %arg16[%and3A_931] : memref<4096xf32, #tpu.memory_space<vmem>>[vector<16xi32>], vector<16xf32>,
      %shift_left3A_933 = arith.constant 11 : i32
      %shift_left3A_934 = vector.broadcast %shift_left3A_933 : i32 to vector<16xi32>
      %shift_left3A_935 = arith.shli %shift_right_logical3A_928, %shift_left3A_934 : vector<16xi32>
      %add3A_936 = arith.constant 14 : i32
      %add3A_937 = vector.broadcast %add3A_936 : i32 to vector<16xi32>
      %add3A_938 = arith.addi %shift_left3A_99, %add3A_937 : vector<16xi32>
      %add3A_939 = arith.addi %shift_left3A_935, %add3A_938 : vector<16xi32>
      %add3A_940 = arith.constant 2048 : i32
      %add3A_941 = vector.broadcast %add3A_940 : i32 to vector<16xi32>
      %add3A_942 = arith.addi %add3A_939, %add3A_941 : vector<16xi32>
      %mul3A_943 = arith.mulf %neg3A_97, %gather3A_932 : vector<16xf32>
      %sub3A_944 = arith.subf %neg3A_97, %mul3A_943 : vector<16xf32>
      %lt3A_945 = arith.constant 0.000000e+00 : f32
      %lt3A_946 = vector.broadcast %lt3A_945 : f32 to vector<16xf32>
      %lt3A_947 = arith.cmpf olt, %mul3A_943, %lt3A_946 : vector<16xf32>
      tpu.vector_store_idx %arg17[%add3A_939], %mul3A_943 masked %lt3A_947 {add = true} : memref<34816xf32, #tpu.memory_space<vmem>>[vector<16xi32>], vector<16xf32>, vector<16xi1>
      %lt3A_948 = arith.constant 0.000000e+00 : f32
      %lt3A_949 = vector.broadcast %lt3A_948 : f32 to vector<16xf32>
      %lt3A_950 = arith.cmpf olt, %sub3A_944, %lt3A_949 : vector<16xf32>
      %lt3A_951 = arith.constant 32768 : i32
      %lt3A_952 = vector.broadcast %lt3A_951 : i32 to vector<16xi32>
      %lt3A_953 = arith.cmpi slt, %add3A_942, %lt3A_952 : vector<16xi32>
      %and3A_954 = arith.andi %lt3A_950, %lt3A_953 : vector<16xi1>
      tpu.vector_store_idx %arg17[%add3A_942], %sub3A_944 masked %and3A_954 {add = true} : memref<34816xf32, #tpu.memory_space<vmem>>[vector<16xi32>], vector<16xf32>, vector<16xi1>
      %mul3A_955 = arith.constant 1.74845553E-7 : f32
      %mul3A_956 = vector.broadcast %mul3A_955 : f32 to vector<16xf32>
      %mul3A_957 = arith.mulf %gather3A_100, %mul3A_956 : vector<16xf32>
      %mul3A_958 = arith.constant 1.000000e+00 : f32
      %mul3A_959 = vector.broadcast %mul3A_958 : f32 to vector<16xf32>
      %mul3A_960 = arith.mulf %gather3A_101, %mul3A_959 : vector<16xf32>
      %add3A_961 = arith.addf %mul3A_957, %mul3A_960 : vector<16xf32>
      %mul3A_962 = arith.constant 1.74845553E-7 : f32
      %mul3A_963 = vector.broadcast %mul3A_962 : f32 to vector<16xf32>
      %mul3A_964 = arith.mulf %gather3A_102, %mul3A_963 : vector<16xf32>
      %mul3A_965 = arith.constant 1.000000e+00 : f32
      %mul3A_966 = vector.broadcast %mul3A_965 : f32 to vector<16xf32>
      %mul3A_967 = arith.mulf %gather3A_103, %mul3A_966 : vector<16xf32>
      %add3A_968 = arith.addf %mul3A_964, %mul3A_967 : vector<16xf32>
      %max3A_969 = arith.maximumf %add3A_961, %add3A_968 : vector<16xf32>
      %mul3A_970 = arith.constant 27927.2734 : f32
      %mul3A_971 = vector.broadcast %mul3A_970 : f32 to vector<16xf32>
      %mul3A_972 = arith.mulf %max3A_969, %mul3A_971 : vector<16xf32>
      %add3A_973 = arith.constant 3.276800e+04 : f32
      %add3A_974 = vector.broadcast %add3A_973 : f32 to vector<16xf32>
      %add3A_975 = arith.addf %mul3A_972, %add3A_974 : vector<16xf32>
      %max3A_976 = arith.constant 0.000000e+00 : f32
      %max3A_977 = vector.broadcast %max3A_976 : f32 to vector<16xf32>
      %max3A_978 = arith.maximumf %add3A_975, %max3A_977 : vector<16xf32>
      %min3A_979 = arith.constant 6.553500e+04 : f32
      %min3A_980 = vector.broadcast %min3A_979 : f32 to vector<16xf32>
      %min3A_981 = arith.minimumf %max3A_978, %min3A_980 : vector<16xf32>
      %convert_element_type3A_982 = arith.fptosi %min3A_981 : vector<16xf32> to vector<16xi32>
      %shift_right_logical3A_983 = arith.constant 12 : i32
      %shift_right_logical3A_984 = vector.broadcast %shift_right_logical3A_983 : i32 to vector<16xi32>
      %shift_right_logical3A_985 = arith.shrui %convert_element_type3A_982, %shift_right_logical3A_984 : vector<16xi32>
      %and3A_986 = arith.constant 4095 : i32
      %and3A_987 = vector.broadcast %and3A_986 : i32 to vector<16xi32>
      %and3A_988 = arith.andi %convert_element_type3A_982, %and3A_987 : vector<16xi32>
      %gather3A_989 = tpu.vector_load_idx %arg16[%and3A_988] : memref<4096xf32, #tpu.memory_space<vmem>>[vector<16xi32>], vector<16xf32>,
      %shift_left3A_990 = arith.constant 11 : i32
      %shift_left3A_991 = vector.broadcast %shift_left3A_990 : i32 to vector<16xi32>
      %shift_left3A_992 = arith.shli %shift_right_logical3A_985, %shift_left3A_991 : vector<16xi32>
      %add3A_993 = arith.constant 15 : i32
      %add3A_994 = vector.broadcast %add3A_993 : i32 to vector<16xi32>
      %add3A_995 = arith.addi %shift_left3A_99, %add3A_994 : vector<16xi32>
      %add3A_996 = arith.addi %shift_left3A_992, %add3A_995 : vector<16xi32>
      %add3A_997 = arith.constant 2048 : i32
      %add3A_998 = vector.broadcast %add3A_997 : i32 to vector<16xi32>
      %add3A_999 = arith.addi %add3A_996, %add3A_998 : vector<16xi32>
      %mul3A_1000 = arith.mulf %neg3A_97, %gather3A_989 : vector<16xf32>
      %sub3A_1001 = arith.subf %neg3A_97, %mul3A_1000 : vector<16xf32>
      %lt3A_1002 = arith.constant 0.000000e+00 : f32
      %lt3A_1003 = vector.broadcast %lt3A_1002 : f32 to vector<16xf32>
      %lt3A_1004 = arith.cmpf olt, %mul3A_1000, %lt3A_1003 : vector<16xf32>
      tpu.vector_store_idx %arg17[%add3A_996], %mul3A_1000 masked %lt3A_1004 {add = true} : memref<34816xf32, #tpu.memory_space<vmem>>[vector<16xi32>], vector<16xf32>, vector<16xi1>
      %lt3A_1005 = arith.constant 0.000000e+00 : f32
      %lt3A_1006 = vector.broadcast %lt3A_1005 : f32 to vector<16xf32>
      %lt3A_1007 = arith.cmpf olt, %sub3A_1001, %lt3A_1006 : vector<16xf32>
      %lt3A_1008 = arith.constant 32768 : i32
      %lt3A_1009 = vector.broadcast %lt3A_1008 : i32 to vector<16xi32>
      %lt3A_1010 = arith.cmpi slt, %add3A_999, %lt3A_1009 : vector<16xi32>
      %and3A_1011 = arith.andi %lt3A_1007, %lt3A_1010 : vector<16xi1>
      tpu.vector_store_idx %arg17[%add3A_999], %sub3A_1001 masked %and3A_1011 {add = true} : memref<34816xf32, #tpu.memory_space<vmem>>[vector<16xi32>], vector<16xf32>, vector<16xi1>
    }
    %scan3A_87 = arith.constant 313 : i32
    "tpu.region"() ({
      %run_scoped3A = tpu.sem_alloc : memref<!tpu.dma_semaphore, #tpu.memory_space<semaphore_mem>>
      %dma_start3A_88 = arith.constant 0 : i32
      %dma_start3A_89 = tpu.memref_slice %arg9[%add3A, %dma_start3A_88] : memref<32x34816xf32, #tpu.memory_space<hbm>> -> memref<1x34816xf32, #tpu.memory_space<hbm>>
      %dma_start3A_90 = tpu.memref_squeeze %dma_start3A_89 : memref<1x34816xf32, #tpu.memory_space<hbm>> -> memref<34816xf32, #tpu.memory_space<hbm>>
      %dma_start3A_91 = arith.constant 0 : i32
      %dma_start3A_92 = tpu.memref_slice %arg9[%add3A, %dma_start3A_91] : memref<32x34816xf32, #tpu.memory_space<hbm>> -> memref<1x34816xf32, #tpu.memory_space<hbm>>
      %dma_start3A_93 = tpu.memref_squeeze %dma_start3A_92 : memref<1x34816xf32, #tpu.memory_space<hbm>> -> memref<34816xf32, #tpu.memory_space<hbm>>
      tpu.enqueue_dma source(%arg17 : memref<34816xf32, #tpu.memory_space<vmem>>) target(%dma_start3A_93 : memref<34816xf32, #tpu.memory_space<hbm>>) target_semaphore(%run_scoped3A : memref<!tpu.dma_semaphore, #tpu.memory_space<semaphore_mem>>)
      %dma_wait3A_94 = arith.constant 0 : i32
      %dma_wait3A_95 = tpu.memref_slice %arg9[%add3A, %dma_wait3A_94] : memref<32x34816xf32, #tpu.memory_space<hbm>> -> memref<1x34816xf32, #tpu.memory_space<hbm>>
      %dma_wait3A_96 = tpu.memref_squeeze %dma_wait3A_95 : memref<1x34816xf32, #tpu.memory_space<hbm>> -> memref<34816xf32, #tpu.memory_space<hbm>>
      %dma_wait3A_97 = arith.constant 0 : i32
      %dma_wait3A_98 = tpu.memref_slice %arg9[%add3A, %dma_wait3A_97] : memref<32x34816xf32, #tpu.memory_space<hbm>> -> memref<1x34816xf32, #tpu.memory_space<hbm>>
      %dma_wait3A_99 = tpu.memref_squeeze %dma_wait3A_98 : memref<1x34816xf32, #tpu.memory_space<hbm>> -> memref<34816xf32, #tpu.memory_space<hbm>>
      tpu.wait_dma2 semaphore(%run_scoped3A : memref<!tpu.dma_semaphore, #tpu.memory_space<semaphore_mem>>) src(%arg17 : memref<34816xf32, #tpu.memory_space<vmem>>) dst(%dma_wait3A_99 : memref<34816xf32, #tpu.memory_space<hbm>>)
      tpu.yield
    }) : () -> ()
    return
  }
}

module attributes {stable_mosaic.version = 14 : i64} {
  func.func @_fin_body(%arg0: memref<32x17x2048xf32, #tpu.memory_space<vmem>>, %arg1: memref<16x2048xf32, #tpu.memory_space<vmem>>) attributes {dimension_semantics = [], scalar_prefetch = 0 : i64, scratch_operands = 0 : i64, tpu.core_type = #tpu.core_type<tc>} {
    %get3A = arith.constant 0 : index
    %get3A_0 = arith.constant 0 : index
    %get3A_1 = arith.constant 0 : index
    %get3A_2 = vector.load %arg0[%get3A, %get3A_0, %get3A_1] : memref<32x17x2048xf32, #tpu.memory_space<vmem>>, vector<32x17x2048xf32>
    %reduce_sum3A = arith.constant dense<0.000000e+00> : vector<17x2048xf32>
    %reduce_sum3A_3 = vector.multi_reduction <add>, %get3A_2, %reduce_sum3A [0] : vector<32x17x2048xf32> to vector<17x2048xf32>
    %slice3A = vector.extract_strided_slice %reduce_sum3A_3 {offsets = [0, 0], sizes = [16, 2048], strides = [1, 1]} : vector<17x2048xf32> to vector<16x2048xf32>
    %iota3A = tpu.iota {dimensions = array<i32: 0>} : vector<16x16xi32>
    %iota3A_4 = tpu.iota {dimensions = array<i32: 1>} : vector<16x16xi32>
    %le3A = arith.cmpi sle, %iota3A_4, %iota3A : vector<16x16xi32>
    %convert_element_type3A = arith.extui %le3A : vector<16x16xi1> to vector<16x16xi32>
    %convert_element_type3A_5 = arith.sitofp %convert_element_type3A : vector<16x16xi32> to vector<16x16xf32>
    %dot_general3A = arith.constant dense<0.000000e+00> : vector<16x2048xf32>
    %dot_general3A_6 = tpu.matmul %convert_element_type3A_5, %slice3A, %dot_general3A {dimension_numbers = #tpu.dot_dimension_numbers<[1], [0], [0], [1], [0, 0, 1, 1], [], []>, transpose_lhs_hint = false} : vector<16x16xf32>, vector<16x2048xf32>, vector<16x2048xf32> -> vector<16x2048xf32>
    %swap3A = arith.constant 0 : index
    %swap3A_7 = arith.constant 0 : index
    %swap3A_8 = vector.load %arg1[%swap3A, %swap3A_7] : memref<16x2048xf32, #tpu.memory_space<vmem>>, vector<16x2048xf32>
    tpu.vector_store %arg1[%swap3A, %swap3A_7], %dot_general3A_6 {strides = array<i32>} : memref<16x2048xf32, #tpu.memory_space<vmem>>, vector<16x2048xf32>,
    return
  }
}

</mosaic_0001>

<sc_bundles>
// kernel: kernel.4.cloned.1.call-start
scs
__scs_entry_jumppad:
0x0: {  	(pc) =	sbr.rel $0x88, $3  }
0x1: {  	(tag) =	ssettag $0x0;
	lr =	simm.s32 $0x1  }
0x2: {  	[smem:$0x3F9D] =	sst lr;
	_ =	strace $0xD0000000  }
0x3: {  	_ = 	snop  }
0x4: {  	_ = 	snop  }
0x5: {  	_ = 	snop  }
0x6: {  	_ = 	snop  }
0x7: {  	_ = 	snop  }
__scs_overlays_trampoline_lowered:
0x8: {  	[smem:$0x3FAC] =	sst s0  }
0x9: {  	[smem:$0x3FAD] =	sst s1  }
0xa: {  	[smem:$0x3FAE] =	sst s2  }
0xb: {  	[smem:$0x3FAF] =	sst s3  }
0xc: {  	[smem:$0x3FB0] =	sst s4  }
0xd: {  	[smem:$0x3FB1] =	sst s5  }
0xe: {  	[smem:$0x3FB2] =	sst s6  }
0xf: {  	[smem:$0x3FB3] =	sst s7  }
0x10: {  	[smem:$0x3FB4] =	sst s8  }
0x11: {  	[smem:$0x3FB5] =	sst s9;
	s0 =	simm.s32 @!p0 $0x0  }
0x12: {  	s1 =	sld [smem:$0x3F9B];
	s0 =	simm.s32 @p0 $0x1  }
0x13: {  	[smem:$0x3FB6] =	sst s0;
	s0 =	simm.s32 @!p1 $0x0  }
0x14: {  	s2 =	sld [smem:$0x3F9A];
	s0 =	simm.s32 @p1 $0x1  }
0x15: {  	[smem:$0x3FB7] =	sst s0;
	s0 =	simm.s32 @!p2 $0x0  }
0x16: {  	s3 =	sld [smem:$0x3FDB];
	s0 =	simm.s32 @p2 $0x1  }
0x17: {  	s4 =	simm.s32 $0x1BF5;
	[smem:$0x3FB9] =	sst s0  }
0x18: {  	s0 =	sld [smem:$0x3F9C];
	_ =	swait.ge [sflag:s4], $0x0  }
0x19: {  	s7 =	sld [smem:$0x3F9D]  }
0x1a: {  	s8 =	sadd.s32 $0xFFFFE003, lr  }
0x1b: {  	s9 =	sadd.s32 $0xFFFFFEF7, lr;
	s5 =	simm.s32 $0xFFFFFFFF;
	p2 =	slt.u32 s8, $0xFFFFF086  }
0x1c: {  	p1 =	slt.u32 s9, $0xF7A;
	s5 =	simm.s32 @!p2 $0x0  }
0x1d: {  	s5 =	simm.s32 @p1 $0x1;
	p0 =	seq.s32 s7, s2  }
0x1e: {  	s7 =	smul.u32 @!p0 $0xF7A, s2;
	p2 =	seq.s32 @!p0 s5, $0x0  }
0x1f: {  	s9 =	smul.u32 $0xF7A, s1;
	s8 =	simm.s32 @!p0 $0x1BF5;
	p2 =	por !p2, p0  }
0x20: {  	[sflag:s8] =	ssyncset.s32 @!p0 $0xFFFFF086;
	s6 =	sadd.s32 @!p0 s3, s7;
	s7 =	simm.s32 @!p0 $0x108  }
0x21: {  	s3 =	sadd.s32 s3, s9;
	s6 =	sadd.s32 @!p0 $0x88, s6;
	s7 =	simm.s32 @p2 $0x1082  }
0x22: {  	[simem:s7], [sflag:s8] =	dma.local @!p0 [hbm:s6], $0xF7A  }
0x23: {  	s9 =	sor.u32 $0xD0000000, s2;
	s6 =	simm.s32 $0x108;
	_ =	swait.ge @!p0 [sflag:s8], $0x0  }
0x24: {  	s3 =	sadd.s32 $0x88, s3;
	s6 =	simm.s32 @!p1 $0x1082;
	[sflag:s4] =	ssyncset.s32 $0xFFFFF086  }
0x25: {  	[simem:s6], [sflag:s4] =	dma.local [hbm:s3], $0xF7A  }
0x26: {  	[smem:$0x3F9D] =	sst s1;
	(tag) =	ssettag s2;
	_ =	strace s9  }
0x27: {  	s1 =	sld [smem:$0x3FAD]  }
0x28: {  	s2 =	sld [smem:$0x3FAE]  }
0x29: {  	s4 =	sld [smem:$0x3FB0]  }
0x2a: {  	p0 =	seq.s32 s5, $0x0;
	s5 =	sld [smem:$0x3FB1]  }
0x2b: {  	s6 =	sld [smem:$0x3FB2]  }
0x2c: {  	s7 =	sld [smem:$0x3FB3]  }
0x2d: {  	s3 =	simm.s32 $0x108;
	s8 =	sld [smem:$0x3FB4]  }
0x2e: {  	s3 =	simm.s32 @!p0 $0x1082;
	s9 =	sld [smem:$0x3FB5]  }
0x2f: {  	lr =	sadd.s32 s0, s3;
	s0 =	sld [smem:$0x3FAC]  }
0x30: {  	s3 =	sld [smem:$0x3FAF]  }
0x31: {  	[smem:$0x3FB8] =	sst s10  }
0x32: {  	s10 =	sld [smem:$0x3FB6];
	_ =	sdelay $0x3  }
0x33: {  	p0 =	seq.s32 s10, $0x1;
	s10 =	sld [smem:$0x3FB8];
	_ =	sdelay $0x3  }
0x34: {  	[smem:$0x3FB8] =	sst s10  }
0x35: {  	s10 =	sld [smem:$0x3FB7];
	_ =	sdelay $0x3  }
0x36: {  	p1 =	seq.s32 s10, $0x1;
	s10 =	sld [smem:$0x3FB8];
	_ =	sdelay $0x3  }
0x37: {  	[smem:$0x3FB8] =	sst s10  }
0x38: {  	s10 =	sld [smem:$0x3FB9]  }
0x39: {  	_ = 	snop;
	(pc) =	sbr.ind lr, $3  }
0x3a: {  	_ = 	snop  }
0x3b: {  	_ = 	snop  }
0x3c: {  	p2 =	seq.s32 s10, $0x1;
	s10 =	sld [smem:$0x3FB8]  }
0x3d: {  	_ =	shalt  }
0x3e: {  	_ =	shalt  }
0x3f: {  	_ =	shalt  }
0x40: {  	_ =	shalt  }
0x41: {  	_ =	shalt  }
0x42: {  	_ =	shalt  }
0x43: {  	_ =	shalt  }
0x44: {  	_ =	shalt  }
0x45: {  	_ =	shalt  }
0x46: {  	_ =	shalt  }
0x47: {  	_ =	shalt  }
0x48: {  	_ =	shalt  }
0x49: {  	_ =	shalt  }
0x4a: {  	_ =	shalt  }
0x4b: {  	_ =	shalt  }
0x4c: {  	_ =	shalt  }
0x4d: {  	_ =	shalt  }
0x4e: {  	_ =	shalt  }
0x4f: {  	_ =	shalt  }
0x50: {  	_ =	shalt  }
0x51: {  	_ =	shalt  }
0x52: {  	_ =	shalt  }
0x53: {  	_ =	shalt  }
0x54: {  	_ =	shalt  }
0x55: {  	_ =	shalt  }
0x56: {  	_ =	shalt  }
0x57: {  	_ =	shalt  }
0x58: {  	_ =	shalt  }
0x59: {  	_ =	shalt  }
0x5a: {  	_ =	shalt  }
0x5b: {  	_ =	shalt  }
0x5c: {  	_ =	shalt  }
0x5d: {  	_ =	shalt  }
0x5e: {  	_ =	shalt  }
0x5f: {  	_ =	shalt  }
0x60: {  	_ =	shalt  }
0x61: {  	_ =	shalt  }
0x62: {  	_ =	shalt  }
0x63: {  	_ =	shalt  }
0x64: {  	_ =	shalt  }
0x65: {  	_ =	shalt  }
0x66: {  	_ =	shalt  }
0x67: {  	_ =	shalt  }
0x68: {  	_ =	shalt  }
0x69: {  	_ =	shalt  }
0x6a: {  	_ =	shalt  }
0x6b: {  	_ =	shalt  }
0x6c: {  	_ =	shalt  }
0x6d: {  	_ =	shalt  }
0x6e: {  	_ =	shalt  }
0x6f: {  	_ =	shalt  }
0x70: {  	_ =	shalt  }
0x71: {  	_ =	shalt  }
0x72: {  	_ =	shalt  }
0x73: {  	_ =	shalt  }
0x74: {  	_ =	shalt  }
0x75: {  	_ =	shalt  }
0x76: {  	_ =	shalt  }
0x77: {  	_ =	shalt  }
0x78: {  	_ =	shalt  }
0x79: {  	_ =	shalt  }
0x7a: {  	_ =	shalt  }
0x7b: {  	_ =	shalt  }
0x7c: {  	_ =	shalt  }
0x7d: {  	_ =	shalt  }
0x7e: {  	_ =	shalt  }
0x7f: {  	_ =	shalt  }
0x80: {  	_ =	shalt  }
0x81: {  	_ =	shalt  }
0x82: {  	_ =	shalt  }
0x83: {  	_ =	shalt  }
0x84: {  	_ =	shalt  }
0x85: {  	_ =	shalt  }
0x86: {  	_ =	shalt  }
0x87: {  	_ =	shalt  }
.Lfunc_end0:
.L_simem_size_0:
called_computation_lowered:
.L_overlay_start_0:
0x88: {  	s2 =	sld [smem:$0x3FD9]  }
0x89: {  	s3 =	sld [smem:$0x3FFE];
	_ =	sdelay $0x1  }
0x8a: {  	s1 =	srdreg.scid  }
0x8b: {  	s0 =	sand.u32 $0x1, s1  }
0x8c: {  	s17 =	sshll.u32 s0, $0xA;
	s2 =	sadd.s32 s3, s2  }
0x8d: {  	s2 =	sadd.s32 s2, s17  }
0x8e: {  	[smem:$0x3FC4] =	sst s2  }
0x8f: {  	_ = 	snop  }
0x90: {  	s2 =	sld [smem:$0x3FC7]  }
0x91: {  	s18 =	sld [smem:$0x3FC6]  }
0x92: {  	s4 =	sld [smem:$0x3FD0];
	(tm) =	ssettm $0x1  }
0x93: {  	s5 =	sld [smem:$0x3FFB];
	_ =	sdelay $0x3  }
0x94: {  	_ =	strace s5  }
0x95: {  	s5 =	sld [smem:$0x3FFC];
	_ =	sdelay $0x3  }
0x96: {  	_ =	strace s5  }
0x97: {  	s5 =	sld [smem:$0x3FFD];
	_ =	sdelay $0x3  }
0x98: {  	_ =	strace s5  }
0x99: {  	_ =	strace $0x8FFFFFFF  }
0x9a: {  	s19 =	sld [smem:$0x3FDB];
	_ =	sdelay $0x1  }
0x9b: {  	s6 =	simm.s32 $_scs_section_size  }
0x9c: {  	s7 =	simm.s32 $_size__tile_overlayer_lowered;
	s8 =	simm.s32 $_tile_overlayer_lowered  }
0x9d: {  	s22 =	simm.s32 $0x1BFF;
	s21 =	sshll.u32 s8, $0x1;
	s5 =	sadd.s32 s6, s19  }
0x9e: {  	s9 =	simm.s32 $0x0;
	s20 =	sshll.u32 s7, $0x1;
	s7 =	sadd.s32 s21, s5  }
0x9f: {  	[timem:s9], [sflag:s22] =	dma.local [hbm:s7], s20  }
0xa0: {  	_ =	swait.ge [sflag:s22], s20  }
0xa1: {  	s6 =	ssub.s32 $0x0, s20;
	[sflag:s22] =	ssyncset.done $0x0  }
0xa2: {  	[sflag:s22] =	ssyncadd.s32 s6;
	_ =	sdelay $0x1  }
0xa3: {  	s23 =	simm.s32 $0x1B8B  }
0xa4: {  	_ =	swait.ge [sflag:s23], $0x1  }
0xa5: {  	[sflag:s23] =	ssyncset.done $0x0  }
0xa6: {  	s25 =	simm.s32 $0x1B8E;
	s24 =	sld [smem:$0x3FFE];
	[sflag:s23] =	ssyncadd.s32 $0xFFFFFFFF  }
0xa7: {  	s26 =	simm.s32 $execute0_lowered;
	[smem:$0x3FD2] =	sst s25  }
0xa8: {  	s7 =	sshll.u32 s26, $0x1;
	_ =	strace $0x80000046;
	[dreg:$0x1] =	wrdreg $0xFFFFFFFF  }
0xa9: {  	s28 =	simm.s32 $_size_execute0_lowered;
	s5 =	sadd.s32 s5, s7;
	[dreg:$0x0] =	wrdreg $0x0  }
0xaa: {  	s7 =	sshll.u32 s28, $0x1;
	[dreg:$0x2] =	wrdreg s5  }
0xab: {  	[dreg:$0x3] =	wrdreg s7  }
0xac: {  	[dreg:$0x4] =	wrdreg $0xC0  }
0xad: {  	_ =	task [dreg:s9], $0x5FFFF  }
0xae: {  	[dreg:$0x1] =	wrdreg $0xFFFFFFFF  }
0xaf: {  	[dreg:$0x0] =	wrdreg $0x60  }
0xb0: {  	[dreg:$0x2] =	wrdreg s24  }
0xb1: {  	[dreg:$0x3] =	wrdreg s4  }
0xb2: {  	[dreg:$0x4] =	wrdreg s2  }
0xb3: {  	[dreg:$0x5] =	wrdreg s18  }
0xb4: {  	[dreg:$0x6] =	wrdreg $0x9  }
0xb5: {  	_ =	task.clear_ibuf [dreg:s9], $0x7FFFF;
	_ =	strace $0x90000046  }
0xb6: {  	s29 =	simm.s32 $0x9;
	_ =	strace $0x80000048  }
0xb7: {  	_ =	swait.ge [sflag:s29], $0x1  }
0xb8: {  	[sflag:s29] =	ssyncadd.s32 $0xFFFFFFFF  }
0xb9: {  	_ =	strace $0x90000048  }
0xba: {  	_ =	sfence  }
0xbb: {  	s30 =	sld [smem:$0x0];
	_ =	sdelay $0x2  }
0xbc: {  	s31 =	sshll.u32 s1, $0xD;
	s1 =	sshrl.u32 s1, $0x2  }
0xbd: {  	s3 =	sand.u32 $0x4000, s31;
	s1 =	sadd.s32 s1, s30  }
0xbe: {  	s0 =	sor.u32 s3, s0;
	s1 =	sshll.u32 s1, $0x11  }
0xbf: {  	s0 =	sor.u32 s1, s0  }
0xc0: {  	s0 =	sadd.s32 $0x8F2B, s0  }
0xc1: {  	[sflag:s0] =	ssyncadd.remote.s32 $0x1  }
0xc2: {  	_ =	sfence.sel $0xFFFF  }
0xc3: {  	[dreg:$0x0] =	wrdreg $0xFFFFFFFF;
	(pc) =	sbr.abs _section_cstart, $3  }
0xc4: {  	[dreg:$0x1] =	wrdreg $0xFFFFFFFF  }
0xc5: {  	_ =	task.clear_ibuf [dreg:s9], $0x2FFFF;
	_ =	strace $0x9FFFFFFF  }
0xc6: {  	(tm) =	ssettm $0x7FFFFFFF  }
0xc7: {  	_ =	shalt  }
tec
execute0_lowered:
.L_overlay_start_1:
0x0: {  	(tag) =	ssettag $0x1  }
0x1: {  	s1 =	rddreg [dreg:$0x0]  }
0x2: {  	s2 =	rddreg [dreg:$0x1]  }
0x3: {  	s9 =	rddreg [dreg:$0x2];
	s3 =	srdreg.scid  }
0x4: {  	s0 =	stileid.u32;
	s4 =	rddreg [dreg:$0x3]  }
0x5: {  	s5 =	simm.s32 $0x0;
	s17 =	simm.s32 $0x4E20;
	s18 =	simm.s32 $0xAFE0  }
0x6: {  	s19 =	simm.s32 $0x7530;
	s20 =	simm.s32 $0x88C0;
	s21 =	simm.s32 $0x9C50  }
0x7: {  	s22 =	simm.s32 $0x1;
	s23 =	simm.s32 $0xBFE0;
	s15 =	smul.u32 $0xFFFFFD80, s0  }
0x8: {  	s24 =	simm.s32 $0x2;
	s8 =	sand.u32 $0x1, s3;
	s29 =	smul.u32 $0xA00, s0  }
0x9: {  	s25 =	simm.s32 $0x0;
	s6 =	sshll.u32 s0, $0x1;
	s13 =	smul.u32 $0xFFFFFEC0, s8  }
0xa: {  	s3 =	rddreg [dreg:$0x4];
	s6 =	sor.u32 s8, s6;
	s30 =	smul.u32 $0x500, s8  }
0xb: {  	[smem:$0x7FF] =	sst s5;
	s12 =	ssub.s32 $0x2, s8;
	s10 =	smul.u32 $0x271, s6  }
0xc: {  	_ =	strace $0x80000047;
	s7 =	smul.u32 $0x1100, s6;
	s14 =	sshrl.u32 s12, $0x1  }
0xd: {  	s6 =	sadd.s32 $0xA600, s1;
	s12 =	ssub.s32 s12, s14;
	s13 =	sadd.s32 s15, s13  }
0xe: {  	s14 =	sadd.s32 s30, s29;
	s11 =	sadd.s32 s10, s1;
	s16 =	sadd.s32 s7, s1  }
0xf: {  	s9 =	sadd.s32 s9, s10;
	s31 =	sadd.s32 $0x2710, s13;
	s7 =	sadd.s32 $0x5600, s11  }
0x10: {  	s8 =	sadd.s32 $0x600, s11;
	s10 =	sadd.s32 $0xA800, s16;
	s13 =	smin.u32 s31, $0x140  }
0x11: {  	s11 =	smax.u32 s12, $0x1;
	s12 =	sshll.u32 s13, $0x2;
	s13 =	sshrl.u32 s14, $0x2  }
0x12: {  	v0 =	vimm.f32 $0.0e+00;
	v1 =	vimm.s32 $0x0;
	s16 =	simm.s32 $0x2710;
	s14 =	sadd.s32 $0x2710, s13;
	s15 =	sadd.s32 $0x4E20, s13  }
.LBB2_1:
0x13: {  	[tilespmem:s5], [sflag:$0x1] =	stream.linear.gather [hbm4b:s1+s5], $0x2710, $0x38;
	[tilespmem:$0x147E0] =	vst v63  }
0x14: {  	_ = 	snop  }
0x15: {  	[tilespmem:s16], [sflag:$0x1] =	stream.linear.gather [hbm4b:s2+s5], $0x2710, $0x38;
	[tilespmem:$0x147E0] =	vst v63  }
0x16: {  	_ = 	snop  }
0x17: {  	[tilespmem:s17], [sflag:$0x1] =	stream.linear.gather [hbm4b:s4+s5], $0x2710, $0x38;
	[tilespmem:$0x147E0] =	vst v63  }
0x18: {  	_ = 	snop  }
0x19: {  	[tilespmem:s18], [sflag:$0x1] =	stream.linear.gather [hbm4b:s6+s5], $0x1000, $0x38;
	[tilespmem:$0x147E0] =	vst v63  }
0x1a: {  	_ = 	snop  }
0x1b: {  	[tilespmem:s19], [sflag:$0x1] =	stream.linear.gather [hbm4b:s7+s5], $0x1388, $0x38;
	[tilespmem:$0x147E0] =	vst v63  }
0x1c: {  	_ = 	snop  }
0x1d: {  	[tilespmem:s20], [sflag:$0x1] =	stream.linear.gather [hbm4b:s8+s5], $0x1388, $0x38;
	[tilespmem:$0x147E0] =	vst v63  }
0x1e: {  	s26 =	simm.s32 $0x0;
	s28 =	simm.s32 $0x200  }
0x1f: {  	[tilespmem:s21], [sflag:$0x1] =	stream.linear.gather [hbm4b:s9+s5], $0x1388, $0x38;
	[tilespmem:$0x147E0] =	vst v63  }
.LBB2_2:
0x20: {  	p0 =	sne.s32 s28, $0x21E00;
	[tilespmem:s26+$0xC050] =	vst v0  }
0x21: {  	[tilespmem:s26+$0xBFE0] =	vst v0  }
0x22: {  	[tilespmem:s26+$0xBFF0] =	vst v0  }
.Ltmp0:
0x23: {  	[tilespmem:s26+$0xC000] =	vst v0;
	(pc) =	sbr.rel @p0 .LBB2_2-.Ltmp0, $4  }
0x24: {  	[tilespmem:s26+$0xC010] =	vst v0  }
0x25: {  	[tilespmem:s26+$0xC020] =	vst v0  }
0x26: {  	[tilespmem:s26+$0xC030] =	vst v0  }
0x27: {  	[tilespmem:s26+$0xC040] =	vst v0;
	s26 =	sshra.s32 s28, $0x2;
	s28 =	sadd.s32 $0x200, s28  }
0x28: {  	[tilespmem:s26+$0xC050] =	vst v0  }
0x29: {  	[tilespmem:s26+$0xBFE0] =	vst v0  }
0x2a: {  	[tilespmem:s26+$0xBFF0] =	vst v0  }
0x2b: {  	[tilespmem:s26+$0xC000] =	vst v0  }
0x2c: {  	[tilespmem:s26+$0xC010] =	vst v0  }
0x2d: {  	[tilespmem:s26+$0xC020] =	vst v0  }
0x2e: {  	[tilespmem:s26+$0xC030] =	vst v0  }
0x2f: {  	[tilespmem:s26+$0xC040] =	vst v0  }
0x30: {  	_ =	swait.ge [sflag:s22], $0x2710  }
0x31: {  	[sflag:s22] =	ssyncset.done $0x0  }
0x32: {  	[sflag:s22] =	ssyncadd.s32 $0xFFFFD8F0  }
0x33: {  	_ =	swait.ge [sflag:s22], $0x2710  }
0x34: {  	[sflag:s22] =	ssyncset.done $0x0  }
0x35: {  	[sflag:s22] =	ssyncadd.s32 $0xFFFFD8F0  }
0x36: {  	_ =	swait.ge [sflag:s22], $0x2710  }
0x37: {  	[sflag:s22] =	ssyncset.done $0x0  }
0x38: {  	[sflag:s22] =	ssyncadd.s32 $0xFFFFD8F0  }
0x39: {  	_ =	swait.ge [sflag:s22], $0x1000  }
0x3a: {  	[sflag:s22] =	ssyncset.done $0x0  }
0x3b: {  	[sflag:s22] =	ssyncadd.s32 $0xFFFFF000  }
0x3c: {  	_ =	swait.ge [sflag:s22], $0x1388  }
0x3d: {  	[sflag:s22] =	ssyncset.done $0x0  }
0x3e: {  	[sflag:s22] =	ssyncadd.s32 $0xFFFFEC78  }
0x3f: {  	_ =	swait.ge [sflag:s22], $0x1388  }
0x40: {  	[sflag:s22] =	ssyncset.done $0x0  }
0x41: {  	[sflag:s22] =	ssyncadd.s32 $0xFFFFEC78  }
0x42: {  	_ =	swait.ge [sflag:s22], $0x1388  }
0x43: {  	[sflag:s22] =	ssyncset.done $0x0  }
0x44: {  	[sflag:s22] =	ssyncadd.s32 $0xFFFFEC78  }
0x45: {  	[tilespmem:$0x88B0] =	vst v1  }
0x46: {  	s26 =	smov.u32 s15;
	[tilespmem:$0x9C40] =	vst v1  }
0x47: {  	s28 =	smov.u32 s14;
	s29 =	smov.u32 s13;
	s30 =	smov.u32 s12;
	[tilespmem:$0xAFD0] =	vst v0  }
.LBB2_4:
0x48: {  	v4 =	vld [tilespmem:s29+$0x0];
	_ =	sdelay $0x1  }
0x49: {  	v3 =	vld [tilespmem:s28+$0x0];
	_ =	sdelay $0x2  }
0x4a: {  	v2 =	vmul.f32 $0.0e+00, v4;
	_ =	sdelay $0x1  }
0x4b: {  	v2 =	vadd.f32 v3, v2;
	_ =	sdelay $0x1  }
0x4c: {  	v2 =	vmul.f32 $2.792727340e+04, v2;
	_ =	sdelay $0x1  }
0x4d: {  	v2 =	vadd.f32 $3.276800000e+04, v2;
	_ =	sdelay $0x1  }
0x4e: {  	v2 =	vmax.f32 v2, $0.0e+00  }
0x4f: {  	v2 =	vmin.f32 v2, $6.553500000e+04  }
0x50: {  	v2 =	vtrunc.f32 v2  }
0x51: {  	v2 =	vcvt.f32.s32 v2;
	_ =	sdelay $0x1  }
0x52: {  	v5 =	vand.u32 $0xFFF, v2  }
0x53: {  	v6 =	vmul.f32 $4.067366420e-01, v4;
	v7 =	vmul.f32 $9.135454290e-01, v3;
	_ =	sdelay $0x1  }
0x54: {  	v6 =	vadd.f32 v7, v6  }
0x55: {  	v8 =	vld [tilespmem:s26+$0x0]  }
0x56: {  	v6 =	vmul.f32 $2.792727340e+04, v6;
	v5 =	vld.idx.msk [tilespmem:v5+s18+$0x0], $0xffff;
	_ =	sdelay $0x1  }
0x57: {  	v6 =	vadd.f32 $3.276800000e+04, v6  }
0x58: {  	v29 =	vshrl.u32 v2, $0x1  }
0x59: {  	v6 =	vmax.f32 v6, $0.0e+00;
	v2 =	vshll.u32 v8, $0x4;
	v7 =	vand.u32 $0x7FFFF800, v29  }
0x5a: {  	v6 =	vmin.f32 v6, $6.553500000e+04;
	v7 =	vadd.s32 v2, v7;
	v30 =	vsub.f32 $1.000000000e+00, v5  }
0x5b: {  	v6 =	vtrunc.f32 v6;
	v9 =	vadd.s32 $0x800, v7  }
0x5c: {  	vm2 =	vlt.s32 v9, $0x8000;
	vm0 =	vgt.f32 v5, $0.0e+00;
	vm1 =	vgt.f32 v30, $0.0e+00  }
0x5d: {  	v6 =	vcvt.f32.s32 v6;
	vm1 =	vmand vm1, vm2;
	_ =	sdelay $0x1  }
0x5e: {  	v10 =	vand.u32 $0xFFF, v6;
	_ =	sdelay $0x1  }
0x5f: {  	v11 =	vmul.f32 $7.431448700e-01, v4;
	v12 =	vmul.f32 $6.691305640e-01, v3  }
0x60: {  	[tilespmem:v7+s23+$0x0] =	vst.idx.add.f32.msk vm0, v5  }
0x61: {  	v31 =	vadd.f32 v12, v11;
	[tilespmem:v9+s23+$0x0] =	vst.idx.add.f32.msk vm1, v30  }
0x62: {  	v7 =	vld.idx.msk [tilespmem:v10+s18+$0x0], $0xffff  }
0x63: {  	v5 =	vmul.f32 $2.792727340e+04, v31  }
0x64: {  	v6 =	vshrl.u32 v6, $0x1  }
0x65: {  	v6 =	vand.u32 $0x7FFFF800, v6;
	v5 =	vadd.f32 $3.276800000e+04, v5  }
0x66: {  	v6 =	vadd.s32 v2, v6  }
0x67: {  	v33 =	vadd.s32 $0x801, v6;
	v5 =	vmax.f32 v5, $0.0e+00;
	v32 =	vsub.f32 $1.000000000e+00, v7  }
0x68: {  	vm9 =	vlt.s32 v33, $0x8000;
	v5 =	vmin.f32 v5, $6.553500000e+04  }
0x69: {  	v5 =	vtrunc.f32 v5;
	vm7 =	vgt.f32 v7, $0.0e+00;
	vm8 =	vgt.f32 v32, $0.0e+00  }
0x6a: {  	v6 =	vor.u32 $0x1, v6;
	v5 =	vcvt.f32.s32 v5;
	vm1 =	vmand vm8, vm9;
	_ =	sdelay $0x1  }
0x6b: {  	v34 =	vand.u32 $0xFFF, v5;
	_ =	sdelay $0x1  }
0x6c: {  	v35 =	vmul.f32 $9.510565400e-01, v4;
	v36 =	vmul.f32 $3.090169730e-01, v3  }
0x6d: {  	[tilespmem:v6+s23+$0x0] =	vst.idx.add.f32.msk vm7, v7  }
0x6e: {  	v37 =	vadd.f32 v36, v35;
	[tilespmem:v33+s23+$0x0] =	vst.idx.add.f32.msk vm1, v32  }
0x6f: {  	v7 =	vld.idx.msk [tilespmem:v34+s18+$0x0], $0xffff  }
0x70: {  	v6 =	vmul.f32 $2.792727340e+04, v37  }
0x71: {  	v5 =	vshrl.u32 v5, $0x1  }
0x72: {  	v5 =	vand.u32 $0x7FFFF800, v5;
	v6 =	vadd.f32 $3.276800000e+04, v6  }
0x73: {  	v5 =	vadd.s32 v2, v5  }
0x74: {  	v39 =	vadd.s32 $0x802, v5;
	v6 =	vmax.f32 v6, $0.0e+00;
	v38 =	vsub.f32 $1.000000000e+00, v7  }
0x75: {  	vm12 =	vlt.s32 v39, $0x8000;
	v6 =	vmin.f32 v6, $6.553500000e+04  }
0x76: {  	v6 =	vtrunc.f32 v6;
	vm10 =	vgt.f32 v7, $0.0e+00;
	vm11 =	vgt.f32 v38, $0.0e+00  }
0x77: {  	v5 =	vor.u32 $0x2, v5;
	v6 =	vcvt.f32.s32 v6;
	vm1 =	vmand vm11, vm12;
	_ =	sdelay $0x1  }
0x78: {  	v40 =	vand.u32 $0xFFF, v6;
	_ =	sdelay $0x1  }
0x79: {  	v41 =	vmul.f32 $9.945219150e-01, v4;
	v42 =	vmul.f32 $-1.045285090e-01, v3  }
0x7a: {  	[tilespmem:v5+s23+$0x0] =	vst.idx.add.f32.msk vm10, v7  }
0x7b: {  	v43 =	vadd.f32 v42, v41;
	[tilespmem:v39+s23+$0x0] =	vst.idx.add.f32.msk vm1, v38  }
0x7c: {  	v7 =	vld.idx.msk [tilespmem:v40+s18+$0x0], $0xffff  }
0x7d: {  	v5 =	vmul.f32 $2.792727340e+04, v43  }
0x7e: {  	v6 =	vshrl.u32 v6, $0x1  }
0x7f: {  	v6 =	vand.u32 $0x7FFFF800, v6;
	v5 =	vadd.f32 $3.276800000e+04, v5  }
0x80: {  	v6 =	vadd.s32 v2, v6  }
0x81: {  	v45 =	vadd.s32 $0x803, v6;
	v5 =	vmax.f32 v5, $0.0e+00;
	v44 =	vsub.f32 $1.000000000e+00, v7  }
0x82: {  	vm15 =	vlt.s32 v45, $0x8000;
	v5 =	vmin.f32 v5, $6.553500000e+04  }
0x83: {  	v5 =	vtrunc.f32 v5;
	vm13 =	vgt.f32 v7, $0.0e+00;
	vm14 =	vgt.f32 v44, $0.0e+00  }
0x84: {  	v6 =	vor.u32 $0x3, v6;
	v5 =	vcvt.f32.s32 v5;
	vm1 =	vmand vm15, vm14;
	_ =	sdelay $0x1  }
0x85: {  	v46 =	vand.u32 $0xFFF, v5;
	_ =	sdelay $0x1  }
0x86: {  	v47 =	vmul.f32 $8.660253880e-01, v4;
	v48 =	vmul.f32 $-5.000000600e-01, v3  }
0x87: {  	[tilespmem:v6+s23+$0x0] =	vst.idx.add.f32.msk vm13, v7  }
0x88: {  	v49 =	vadd.f32 v48, v47;
	[tilespmem:v45+s23+$0x0] =	vst.idx.add.f32.msk vm1, v44  }
0x89: {  	v7 =	vld.idx.msk [tilespmem:v46+s18+$0x0], $0xffff  }
0x8a: {  	v6 =	vmul.f32 $2.792727340e+04, v49  }
0x8b: {  	v5 =	vshrl.u32 v5, $0x1  }
0x8c: {  	v5 =	vand.u32 $0x7FFFF800, v5;
	v6 =	vadd.f32 $3.276800000e+04, v6  }
0x8d: {  	v5 =	vadd.s32 v2, v5  }
0x8e: {  	v51 =	vadd.s32 $0x804, v5;
	v6 =	vmax.f32 v6, $0.0e+00;
	v50 =	vsub.f32 $1.000000000e+00, v7  }
0x8f: {  	vm6 =	vlt.s32 v51, $0x8000;
	v6 =	vmin.f32 v6, $6.553500000e+04  }
0x90: {  	v6 =	vtrunc.f32 v6;
	vm4 =	vgt.f32 v7, $0.0e+00;
	vm5 =	vgt.f32 v50, $0.0e+00  }
0x91: {  	v5 =	vor.u32 $0x4, v5;
	v6 =	vcvt.f32.s32 v6;
	vm1 =	vmand vm6, vm5;
	_ =	sdelay $0x1  }
0x92: {  	v52 =	vand.u32 $0xFFF, v6;
	_ =	sdelay $0x1  }
0x93: {  	v53 =	vmul.f32 $5.877852440e-01, v4;
	v54 =	vmul.f32 $-8.090170020e-01, v3  }
0x94: {  	[tilespmem:v5+s23+$0x0] =	vst.idx.add.f32.msk vm4, v7  }
0x95: {  	v55 =	vadd.f32 v54, v53;
	[tilespmem:v51+s23+$0x0] =	vst.idx.add.f32.msk vm1, v50  }
0x96: {  	v7 =	vld.idx.msk [tilespmem:v52+s18+$0x0], $0xffff  }
0x97: {  	v5 =	vmul.f32 $2.792727340e+04, v55  }
0x98: {  	v6 =	vshrl.u32 v6, $0x1  }
0x99: {  	v6 =	vand.u32 $0x7FFFF800, v6;
	v5 =	vadd.f32 $3.276800000e+04, v5  }
0x9a: {  	v6 =	vadd.s32 v2, v6  }
0x9b: {  	v57 =	vadd.s32 $0x805, v6;
	v5 =	vmax.f32 v5, $0.0e+00;
	v56 =	vsub.f32 $1.000000000e+00, v7  }
0x9c: {  	vm9 =	vlt.s32 v57, $0x8000;
	v5 =	vmin.f32 v5, $6.553500000e+04  }
0x9d: {  	v5 =	vtrunc.f32 v5;
	vm7 =	vgt.f32 v7, $0.0e+00;
	vm8 =	vgt.f32 v56, $0.0e+00  }
0x9e: {  	v6 =	vor.u32 $0x5, v6;
	v5 =	vcvt.f32.s32 v5;
	vm1 =	vmand vm9, vm8;
	_ =	sdelay $0x1  }
0x9f: {  	v58 =	vand.u32 $0xFFF, v5;
	_ =	sdelay $0x1  }
0xa0: {  	v59 =	vmul.f32 $2.079116110e-01, v4;
	v60 =	vmul.f32 $-9.781476250e-01, v3  }
0xa1: {  	[tilespmem:v6+s23+$0x0] =	vst.idx.add.f32.msk vm7, v7  }
0xa2: {  	v61 =	vadd.f32 v60, v59;
	[tilespmem:v57+s23+$0x0] =	vst.idx.add.f32.msk vm1, v56  }
0xa3: {  	v7 =	vld.idx.msk [tilespmem:v58+s18+$0x0], $0xffff  }
0xa4: {  	v6 =	vmul.f32 $2.792727340e+04, v61  }
0xa5: {  	v5 =	vshrl.u32 v5, $0x1  }
0xa6: {  	v5 =	vand.u32 $0x7FFFF800, v5;
	v6 =	vadd.f32 $3.276800000e+04, v6  }
0xa7: {  	v5 =	vadd.s32 v2, v5  }
0xa8: {  	v63 =	vadd.s32 $0x806, v5;
	v6 =	vmax.f32 v6, $0.0e+00;
	v62 =	vsub.f32 $1.000000000e+00, v7  }
0xa9: {  	vm12 =	vlt.s32 v63, $0x8000;
	v6 =	vmin.f32 v6, $6.553500000e+04  }
0xaa: {  	v6 =	vtrunc.f32 v6;
	vm10 =	vgt.f32 v7, $0.0e+00;
	vm11 =	vgt.f32 v62, $0.0e+00  }
0xab: {  	v5 =	vor.u32 $0x6, v5;
	v6 =	vcvt.f32.s32 v6;
	vm1 =	vmand vm12, vm11;
	_ =	sdelay $0x1  }
0xac: {  	v16 =	vand.u32 $0xFFF, v6;
	_ =	sdelay $0x1  }
0xad: {  	v17 =	vmul.f32 $-2.079117890e-01, v4;
	v18 =	vmul.f32 $-9.781475660e-01, v3  }
0xae: {  	[tilespmem:v5+s23+$0x0] =	vst.idx.add.f32.msk vm10, v7  }
0xaf: {  	v19 =	vadd.f32 v18, v17;
	[tilespmem:v63+s23+$0x0] =	vst.idx.add.f32.msk vm1, v62  }
0xb0: {  	v7 =	vld.idx.msk [tilespmem:v16+s18+$0x0], $0xffff  }
0xb1: {  	v5 =	vmul.f32 $2.792727340e+04, v19  }
0xb2: {  	v6 =	vshrl.u32 v6, $0x1  }
0xb3: {  	v6 =	vand.u32 $0x7FFFF800, v6;
	v5 =	vadd.f32 $3.276800000e+04, v5  }
0xb4: {  	v6 =	vadd.s32 v2, v6  }
0xb5: {  	v21 =	vadd.s32 $0x807, v6;
	v5 =	vmax.f32 v5, $0.0e+00;
	v20 =	vsub.f32 $1.000000000e+00, v7  }
0xb6: {  	vm15 =	vlt.s32 v21, $0x8000;
	v5 =	vmin.f32 v5, $6.553500000e+04  }
0xb7: {  	v5 =	vtrunc.f32 v5;
	vm13 =	vgt.f32 v7, $0.0e+00;
	vm14 =	vgt.f32 v20, $0.0e+00  }
0xb8: {  	v6 =	vor.u32 $0x7, v6;
	v5 =	vcvt.f32.s32 v5;
	vm1 =	vmand vm15, vm14;
	_ =	sdelay $0x1  }
0xb9: {  	v22 =	vand.u32 $0xFFF, v5;
	_ =	sdelay $0x1  }
0xba: {  	v23 =	vmul.f32 $-5.877853040e-01, v4;
	v24 =	vmul.f32 $-8.090169430e-01, v3  }
0xbb: {  	[tilespmem:v6+s23+$0x0] =	vst.idx.add.f32.msk vm13, v7  }
0xbc: {  	v25 =	vadd.f32 v24, v23;
	[tilespmem:v21+s23+$0x0] =	vst.idx.add.f32.msk vm1, v20  }
0xbd: {  	v7 =	vld.idx.msk [tilespmem:v22+s18+$0x0], $0xffff  }
0xbe: {  	v6 =	vmul.f32 $2.792727340e+04, v25  }
0xbf: {  	v5 =	vshrl.u32 v5, $0x1  }
0xc0: {  	v5 =	vand.u32 $0x7FFFF800, v5;
	v6 =	vadd.f32 $3.276800000e+04, v6  }
0xc1: {  	v5 =	vadd.s32 v2, v5  }
0xc2: {  	v27 =	vadd.s32 $0x808, v5;
	v6 =	vmax.f32 v6, $0.0e+00;
	v26 =	vsub.f32 $1.000000000e+00, v7  }
0xc3: {  	vm6 =	vlt.s32 v27, $0x8000;
	v6 =	vmin.f32 v6, $6.553500000e+04  }
0xc4: {  	v6 =	vtrunc.f32 v6;
	vm4 =	vgt.f32 v7, $0.0e+00;
	vm5 =	vgt.f32 v26, $0.0e+00  }
0xc5: {  	v5 =	vor.u32 $0x8, v5;
	v6 =	vcvt.f32.s32 v6;
	vm1 =	vmand vm6, vm5;
	_ =	sdelay $0x1  }
0xc6: {  	v28 =	vand.u32 $0xFFF, v6;
	_ =	sdelay $0x1  }
0xc7: {  	v29 =	vmul.f32 $-8.660254470e-01, v4;
	v30 =	vmul.f32 $-4.999999110e-01, v3  }
0xc8: {  	[tilespmem:v5+s23+$0x0] =	vst.idx.add.f32.msk vm4, v7  }
0xc9: {  	v31 =	vadd.f32 v30, v29;
	[tilespmem:v27+s23+$0x0] =	vst.idx.add.f32.msk vm1, v26  }
0xca: {  	v7 =	vld.idx.msk [tilespmem:v28+s18+$0x0], $0xffff  }
0xcb: {  	v5 =	vmul.f32 $2.792727340e+04, v31  }
0xcc: {  	v6 =	vshrl.u32 v6, $0x1  }
0xcd: {  	v6 =	vand.u32 $0x7FFFF800, v6;
	v5 =	vadd.f32 $3.276800000e+04, v5  }
0xce: {  	v6 =	vadd.s32 v2, v6  }
0xcf: {  	v33 =	vadd.s32 $0x809, v6;
	v5 =	vmax.f32 v5, $0.0e+00;
	v32 =	vsub.f32 $1.000000000e+00, v7  }
0xd0: {  	vm9 =	vlt.s32 v33, $0x8000;
	v5 =	vmin.f32 v5, $6.553500000e+04  }
0xd1: {  	v5 =	vtrunc.f32 v5;
	vm7 =	vgt.f32 v7, $0.0e+00;
	vm8 =	vgt.f32 v32, $0.0e+00  }
0xd2: {  	v6 =	vor.u32 $0x9, v6;
	v5 =	vcvt.f32.s32 v5;
	vm1 =	vmand vm9, vm8;
	_ =	sdelay $0x1  }
0xd3: {  	v34 =	vand.u32 $0xFFF, v5;
	_ =	sdelay $0x1  }
0xd4: {  	v35 =	vmul.f32 $-9.945219150e-01, v4;
	v36 =	vmul.f32 $-1.045283300e-01, v3  }
0xd5: {  	[tilespmem:v6+s23+$0x0] =	vst.idx.add.f32.msk vm7, v7  }
0xd6: {  	v37 =	vadd.f32 v36, v35;
	[tilespmem:v33+s23+$0x0] =	vst.idx.add.f32.msk vm1, v32  }
0xd7: {  	v7 =	vld.idx.msk [tilespmem:v34+s18+$0x0], $0xffff  }
0xd8: {  	v6 =	vmul.f32 $2.792727340e+04, v37  }
0xd9: {  	v5 =	vshrl.u32 v5, $0x1  }
0xda: {  	v5 =	vand.u32 $0x7FFFF800, v5;
	v6 =	vadd.f32 $3.276800000e+04, v6  }
0xdb: {  	v5 =	vadd.s32 v2, v5  }
0xdc: {  	v39 =	vadd.s32 $0x80A, v5;
	v6 =	vmax.f32 v6, $0.0e+00;
	v38 =	vsub.f32 $1.000000000e+00, v7  }
0xdd: {  	vm12 =	vlt.s32 v39, $0x8000;
	v6 =	vmin.f32 v6, $6.553500000e+04  }
0xde: {  	v6 =	vtrunc.f32 v6;
	vm10 =	vgt.f32 v7, $0.0e+00;
	vm11 =	vgt.f32 v38, $0.0e+00  }
0xdf: {  	v5 =	vor.u32 $0xA, v5;
	v6 =	vcvt.f32.s32 v6;
	vm1 =	vmand vm12, vm11;
	_ =	sdelay $0x1  }
0xe0: {  	v40 =	vand.u32 $0xFFF, v6;
	_ =	sdelay $0x1  }
0xe1: {  	v41 =	vmul.f32 $-9.510564800e-01, v4;
	v42 =	vmul.f32 $3.090171220e-01, v3  }
0xe2: {  	[tilespmem:v5+s23+$0x0] =	vst.idx.add.f32.msk vm10, v7  }
0xe3: {  	v43 =	vadd.f32 v41, v42;
	[tilespmem:v39+s23+$0x0] =	vst.idx.add.f32.msk vm1, v38  }
0xe4: {  	v7 =	vld.idx.msk [tilespmem:v40+s18+$0x0], $0xffff  }
0xe5: {  	v5 =	vmul.f32 $2.792727340e+04, v43  }
0xe6: {  	v6 =	vshrl.u32 v6, $0x1  }
0xe7: {  	v6 =	vand.u32 $0x7FFFF800, v6;
	v5 =	vadd.f32 $3.276800000e+04, v5  }
0xe8: {  	v6 =	vadd.s32 v2, v6  }
0xe9: {  	v45 =	vadd.s32 $0x80B, v6;
	v5 =	vmax.f32 v5, $0.0e+00;
	v44 =	vsub.f32 $1.000000000e+00, v7  }
0xea: {  	vm15 =	vlt.s32 v45, $0x8000;
	v5 =	vmin.f32 v5, $6.553500000e+04  }
0xeb: {  	v5 =	vtrunc.f32 v5;
	vm13 =	vgt.f32 v7, $0.0e+00;
	vm14 =	vgt.f32 v44, $0.0e+00  }
0xec: {  	v6 =	vor.u32 $0xB, v6;
	v5 =	vcvt.f32.s32 v5;
	vm1 =	vmand vm15, vm14;
	_ =	sdelay $0x1  }
0xed: {  	v46 =	vand.u32 $0xFFF, v5;
	_ =	sdelay $0x1  }
0xee: {  	v47 =	vmul.f32 $-7.431446900e-01, v4;
	v48 =	vmul.f32 $6.691307420e-01, v3  }
0xef: {  	[tilespmem:v6+s23+$0x0] =	vst.idx.add.f32.msk vm13, v7  }
0xf0: {  	v49 =	vadd.f32 v47, v48;
	[tilespmem:v45+s23+$0x0] =	vst.idx.add.f32.msk vm1, v44  }
0xf1: {  	v7 =	vld.idx.msk [tilespmem:v46+s18+$0x0], $0xffff  }
0xf2: {  	v6 =	vmul.f32 $2.792727340e+04, v49  }
0xf3: {  	v5 =	vshrl.u32 v5, $0x1  }
0xf4: {  	v5 =	vand.u32 $0x7FFFF800, v5;
	v6 =	vadd.f32 $3.276800000e+04, v6  }
0xf5: {  	v5 =	vadd.s32 v2, v5  }
0xf6: {  	v51 =	vadd.s32 $0x80C, v5;
	v6 =	vmax.f32 v6, $0.0e+00;
	v50 =	vsub.f32 $1.000000000e+00, v7  }
0xf7: {  	vm6 =	vlt.s32 v51, $0x8000;
	v6 =	vmin.f32 v6, $6.553500000e+04  }
0xf8: {  	v6 =	vtrunc.f32 v6;
	vm4 =	vgt.f32 v7, $0.0e+00;
	vm5 =	vgt.f32 v50, $0.0e+00  }
0xf9: {  	v5 =	vor.u32 $0xC, v5;
	v6 =	vcvt.f32.s32 v6;
	vm1 =	vmand vm6, vm5;
	_ =	sdelay $0x1  }
0xfa: {  	v52 =	vand.u32 $0xFFF, v6;
	_ =	sdelay $0x1  }
0xfb: {  	v53 =	vmul.f32 $-4.067364930e-01, v4;
	v54 =	vmul.f32 $9.135455480e-01, v3  }
0xfc: {  	[tilespmem:v5+s23+$0x0] =	vst.idx.add.f32.msk vm4, v7  }
0xfd: {  	v55 =	vadd.f32 v53, v54;
	[tilespmem:v51+s23+$0x0] =	vst.idx.add.f32.msk vm1, v50  }
0xfe: {  	v7 =	vld.idx.msk [tilespmem:v52+s18+$0x0], $0xffff  }
0xff: {  	v5 =	vmul.f32 $2.792727340e+04, v55  }
0x100: {  	v6 =	vshrl.u32 v6, $0x1  }
0x101: {  	v6 =	vand.u32 $0x7FFFF800, v6;
	v5 =	vadd.f32 $3.276800000e+04, v5  }
0x102: {  	v6 =	vadd.s32 v2, v6  }
0x103: {  	v57 =	vadd.s32 $0x80D, v6;
	v5 =	vmax.f32 v5, $0.0e+00;
	v56 =	vsub.f32 $1.000000000e+00, v7  }
0x104: {  	vm9 =	vlt.s32 v57, $0x8000;
	v5 =	vmin.f32 v5, $6.553500000e+04  }
0x105: {  	v5 =	vtrunc.f32 v5;
	vm7 =	vgt.f32 v7, $0.0e+00;
	vm8 =	vgt.f32 v56, $0.0e+00  }
0x106: {  	v6 =	vor.u32 $0xD, v6;
	v5 =	vcvt.f32.s32 v5;
	vm1 =	vmand vm9, vm8;
	_ =	sdelay $0x1  }
0x107: {  	v58 =	vand.u32 $0xFFF, v5  }
0x108: {  	v4 =	vmul.f32 $1.748455530e-07, v4;
	_ =	sdelay $0x1  }
0x109: {  	v3 =	vadd.f32 v3, v4;
	[tilespmem:v6+s23+$0x0] =	vst.idx.add.f32.msk vm7, v7  }
0x10a: {  	[tilespmem:v57+s23+$0x0] =	vst.idx.add.f32.msk vm1, v56  }
0x10b: {  	v3 =	vmul.f32 $2.792727340e+04, v3;
	v59 =	vld.idx.msk [tilespmem:v58+s18+$0x0], $0xffff;
	_ =	sdelay $0x1  }
0x10c: {  	v3 =	vadd.f32 $3.276800000e+04, v3  }
0x10d: {  	v5 =	vshrl.u32 v5, $0x1  }
0x10e: {  	v3 =	vmax.f32 v3, $0.0e+00;
	v5 =	vand.u32 $0x7FFFF800, v5  }
0x10f: {  	v3 =	vmin.f32 v3, $6.553500000e+04;
	v5 =	vadd.s32 v2, v5;
	v60 =	vsub.f32 $1.000000000e+00, v59  }
0x110: {  	v3 =	vtrunc.f32 v3;
	v61 =	vadd.s32 $0x80E, v5  }
0x111: {  	vm12 =	vlt.s32 v61, $0x8000;
	vm10 =	vgt.f32 v59, $0.0e+00;
	vm11 =	vgt.f32 v60, $0.0e+00  }
0x112: {  	v3 =	vcvt.f32.s32 v3;
	v5 =	vor.u32 $0xE, v5;
	vm1 =	vmand vm12, vm11;
	_ =	sdelay $0x1  }
0x113: {  	v62 =	vand.u32 $0xFFF, v3;
	_ =	sdelay $0x2  }
0x114: {  	[tilespmem:v5+s23+$0x0] =	vst.idx.add.f32.msk vm10, v59  }
0x115: {  	[tilespmem:v61+s23+$0x0] =	vst.idx.add.f32.msk vm1, v60  }
0x116: {  	v4 =	vld.idx.msk [tilespmem:v62+s18+$0x0], $0xffff;
	_ =	sdelay $0x2  }
0x117: {  	v3 =	vshrl.u32 v3, $0x1  }
0x118: {  	v3 =	vand.u32 $0x7FFFF800, v3  }
0x119: {  	v2 =	vadd.s32 v2, v3;
	v3 =	vsub.f32 $1.000000000e+00, v4  }
0x11a: {  	v63 =	vadd.s32 $0x80F, v2  }
0x11b: {  	vm15 =	vlt.s32 v63, $0x8000;
	vm13 =	vgt.f32 v4, $0.0e+00;
	vm14 =	vgt.f32 v3, $0.0e+00  }
0x11c: {  	v2 =	vor.u32 $0xF, v2;
	vm1 =	vmand vm15, vm14  }
0x11d: {  	p0 =	sne.s32 s30, $0x40  }
.Ltmp1:
0x11e: {  	_ = 	snop;
	(pc) =	sbr.rel @p0 .LBB2_4-.Ltmp1, $3  }
0x11f: {  	_ =	sdelay $0x1  }
0x120: {  	s29 =	sadd.s32 $0x10, s29;
	[tilespmem:v2+s23+$0x0] =	vst.idx.add.f32.msk vm13, v4  }
0x121: {  	s28 =	sadd.s32 $0x10, s28;
	s26 =	sadd.s32 $0x10, s26;
	s30 =	sadd.s32 $0xFFFFFFC0, s30;
	[tilespmem:v63+s23+$0x0] =	vst.idx.add.f32.msk vm1, v3  }
0x122: {  	s26 =	simm.s32 $0x0  }
.LBB2_6:
0x123: {  	s28 =	sshra.s32 s26, $0x2  }
0x124: {  	v2 =	vld [tilespmem:s28+$0x7530]  }
0x125: {  	v4 =	vld [tilespmem:s28+$0x88C0];
	_ =	sdelay $0x6  }
0x126: {  	v6 =	vld.idx.msk [tilespmem:v2+s5+$0x0], $0xffff  }
0x127: {  	v7 =	vld.idx.msk [tilespmem:v4+s5+$0x0], $0xffff  }
0x128: {  	v3 =	vld.idx.msk [tilespmem:v2+s16+$0x0], $0xffff  }
0x129: {  	v4 =	vld.idx.msk [tilespmem:v4+s16+$0x0], $0xffff;
	_ =	sdelay $0x2  }
0x12a: {  	v5 =	vmul.f32 $0.0e+00, v6;
	v8 =	vmul.f32 $0.0e+00, v7;
	_ =	sdelay $0x1  }
0x12b: {  	v5 =	vadd.f32 v3, v5;
	v8 =	vadd.f32 v4, v8;
	_ =	sdelay $0x1  }
0x12c: {  	v5 =	vmax.f32 v5, v8  }
0x12d: {  	v5 =	vmul.f32 $2.792727340e+04, v5;
	_ =	sdelay $0x1  }
0x12e: {  	v5 =	vadd.f32 $3.276800000e+04, v5;
	_ =	sdelay $0x1  }
0x12f: {  	v5 =	vmax.f32 v5, $0.0e+00  }
0x130: {  	v5 =	vmin.f32 v5, $6.553500000e+04  }
0x131: {  	v5 =	vtrunc.f32 v5  }
0x132: {  	v5 =	vcvt.f32.s32 v5;
	_ =	sdelay $0x1  }
0x133: {  	v43 =	vand.u32 $0xFFF, v5  }
0x134: {  	v9 =	vmul.f32 $4.067366420e-01, v6;
	v10 =	vmul.f32 $9.135454290e-01, v3  }
0x135: {  	v12 =	vmul.f32 $4.067366420e-01, v7;
	v13 =	vmul.f32 $9.135454290e-01, v4  }
0x136: {  	v11 =	vld [tilespmem:s28+$0x9C50]  }
0x137: {  	v9 =	vadd.f32 v10, v9;
	v44 =	vadd.f32 v13, v12  }
0x138: {  	v8 =	vld.idx.msk [tilespmem:v43+s18+$0x0], $0xffff  }
0x139: {  	v45 =	vld.idx.msk [tilespmem:v2+s17+$0x0], $0xffff;
	v9 =	vmax.f32 v9, v44  }
0x13a: {  	v9 =	vmul.f32 $2.792727340e+04, v9  }
0x13b: {  	v2 =	vsub.f32 $0.0e+00, v11  }
0x13c: {  	v9 =	vadd.f32 $3.276800000e+04, v9  }
0x13d: {  	v46 =	vshrl.u32 v5, $0x1;
	v8 =	vmul.f32 v8, v2  }
0x13e: {  	v9 =	vmax.f32 v9, $0.0e+00;
	v5 =	vshll.u32 v45, $0x4;
	v10 =	vand.u32 $0x7FFFF800, v46  }
0x13f: {  	v9 =	vmin.f32 v9, $6.553500000e+04;
	v10 =	vadd.s32 v5, v10;
	v11 =	vsub.f32 v2, v8  }
0x140: {  	v9 =	vtrunc.f32 v9;
	v47 =	vadd.s32 $0x800, v10  }
0x141: {  	vm2 =	vlt.s32 v47, $0x8000;
	vm0 =	vlt.f32 v8, $0.0e+00;
	vm1 =	vlt.f32 v11, $0.0e+00  }
0x142: {  	v9 =	vcvt.f32.s32 v9;
	vm1 =	vmand vm1, vm2;
	_ =	sdelay $0x1  }
0x143: {  	v48 =	vand.u32 $0xFFF, v9;
	_ =	sdelay $0x1  }
0x144: {  	v14 =	vmul.f32 $7.431448700e-01, v6;
	v15 =	vmul.f32 $6.691305640e-01, v3  }
0x145: {  	v49 =	vmul.f32 $7.431448700e-01, v7;
	v50 =	vmul.f32 $6.691305640e-01, v4;
	[tilespmem:v10+s23+$0x0] =	vst.idx.add.f32.msk vm0, v8  }
0x146: {  	[tilespmem:v47+s23+$0x0] =	vst.idx.add.f32.msk vm1, v11  }
0x147: {  	v51 =	vadd.f32 v15, v14;
	v8 =	vadd.f32 v50, v49;
	v11 =	vld.idx.msk [tilespmem:v48+s18+$0x0], $0xffff;
	_ =	sdelay $0x1  }
0x148: {  	v8 =	vmax.f32 v51, v8  }
0x149: {  	v8 =	vmul.f32 $2.792727340e+04, v8  }
0x14a: {  	v9 =	vshrl.u32 v9, $0x1  }
0x14b: {  	v9 =	vand.u32 $0x7FFFF800, v9;
	v8 =	vadd.f32 $3.276800000e+04, v8;
	v52 =	vmul.f32 v11, v2  }
0x14c: {  	v9 =	vadd.s32 v5, v9  }
0x14d: {  	v53 =	vadd.s32 $0x801, v9;
	v8 =	vmax.f32 v8, $0.0e+00;
	v11 =	vsub.f32 v2, v52  }
0x14e: {  	vm9 =	vlt.s32 v53, $0x8000;
	v8 =	vmin.f32 v8, $6.553500000e+04  }
0x14f: {  	v8 =	vtrunc.f32 v8;
	vm7 =	vlt.f32 v52, $0.0e+00;
	vm8 =	vlt.f32 v11, $0.0e+00  }
0x150: {  	v9 =	vor.u32 $0x1, v9;
	v8 =	vcvt.f32.s32 v8;
	vm1 =	vmand vm8, vm9;
	_ =	sdelay $0x1  }
0x151: {  	v54 =	vand.u32 $0xFFF, v8;
	_ =	sdelay $0x1  }
0x152: {  	v55 =	vmul.f32 $9.510565400e-01, v6;
	v56 =	vmul.f32 $3.090169730e-01, v3  }
0x153: {  	v57 =	vmul.f32 $9.510565400e-01, v7;
	v58 =	vmul.f32 $3.090169730e-01, v4;
	[tilespmem:v9+s23+$0x0] =	vst.idx.add.f32.msk vm7, v52  }
0x154: {  	[tilespmem:v53+s23+$0x0] =	vst.idx.add.f32.msk vm1, v11  }
0x155: {  	v59 =	vadd.f32 v56, v55;
	v9 =	vadd.f32 v58, v57;
	v11 =	vld.idx.msk [tilespmem:v54+s18+$0x0], $0xffff;
	_ =	sdelay $0x1  }
0x156: {  	v9 =	vmax.f32 v59, v9  }
0x157: {  	v9 =	vmul.f32 $2.792727340e+04, v9  }
0x158: {  	v8 =	vshrl.u32 v8, $0x1  }
0x159: {  	v8 =	vand.u32 $0x7FFFF800, v8;
	v9 =	vadd.f32 $3.276800000e+04, v9;
	v60 =	vmul.f32 v11, v2  }
0x15a: {  	v8 =	vadd.s32 v5, v8  }
0x15b: {  	v61 =	vadd.s32 $0x802, v8;
	v9 =	vmax.f32 v9, $0.0e+00;
	v11 =	vsub.f32 v2, v60  }
0x15c: {  	vm12 =	vlt.s32 v61, $0x8000;
	v9 =	vmin.f32 v9, $6.553500000e+04  }
0x15d: {  	v9 =	vtrunc.f32 v9;
	vm10 =	vlt.f32 v60, $0.0e+00;
	vm11 =	vlt.f32 v11, $0.0e+00  }
0x15e: {  	v8 =	vor.u32 $0x2, v8;
	v9 =	vcvt.f32.s32 v9;
	vm1 =	vmand vm11, vm12;
	_ =	sdelay $0x1  }
0x15f: {  	v62 =	vand.u32 $0xFFF, v9;
	_ =	sdelay $0x1  }
0x160: {  	v63 =	vmul.f32 $9.945219150e-01, v6;
	v18 =	vmul.f32 $1.045285090e-01, v3  }
0x161: {  	v19 =	vmul.f32 $9.945219150e-01, v7;
	v20 =	vmul.f32 $1.045285090e-01, v4;
	[tilespmem:v8+s23+$0x0] =	vst.idx.add.f32.msk vm10, v60  }
0x162: {  	[tilespmem:v61+s23+$0x0] =	vst.idx.add.f32.msk vm1, v11  }
0x163: {  	v21 =	vsub.f32 v63, v18;
	v8 =	vsub.f32 v19, v20;
	v11 =	vld.idx.msk [tilespmem:v62+s18+$0x0], $0xffff;
	_ =	sdelay $0x1  }
0x164: {  	v8 =	vmax.f32 v21, v8  }
0x165: {  	v8 =	vmul.f32 $2.792727340e+04, v8  }
0x166: {  	v9 =	vshrl.u32 v9, $0x1  }
0x167: {  	v9 =	vand.u32 $0x7FFFF800, v9;
	v8 =	vadd.f32 $3.276800000e+04, v8;
	v22 =	vmul.f32 v11, v2  }
0x168: {  	v9 =	vadd.s32 v5, v9  }
0x169: {  	v23 =	vadd.s32 $0x803, v9;
	v8 =	vmax.f32 v8, $0.0e+00;
	v11 =	vsub.f32 v2, v22  }
0x16a: {  	vm15 =	vlt.s32 v23, $0x8000;
	v8 =	vmin.f32 v8, $6.553500000e+04  }
0x16b: {  	v8 =	vtrunc.f32 v8;
	vm13 =	vlt.f32 v22, $0.0e+00;
	vm14 =	vlt.f32 v11, $0.0e+00  }
0x16c: {  	v9 =	vor.u32 $0x3, v9;
	v8 =	vcvt.f32.s32 v8;
	vm1 =	vmand vm14, vm15;
	_ =	sdelay $0x1  }
0x16d: {  	v24 =	vand.u32 $0xFFF, v8;
	_ =	sdelay $0x1  }
0x16e: {  	v25 =	vmul.f32 $8.660253880e-01, v6;
	v26 =	vmul.f32 $5.000000600e-01, v3  }
0x16f: {  	v27 =	vmul.f32 $8.660253880e-01, v7;
	v28 =	vmul.f32 $5.000000600e-01, v4;
	[tilespmem:v9+s23+$0x0] =	vst.idx.add.f32.msk vm13, v22  }
0x170: {  	[tilespmem:v23+s23+$0x0] =	vst.idx.add.f32.msk vm1, v11  }
0x171: {  	v29 =	vsub.f32 v25, v26;
	v9 =	vsub.f32 v27, v28;
	v11 =	vld.idx.msk [tilespmem:v24+s18+$0x0], $0xffff;
	_ =	sdelay $0x1  }
0x172: {  	v9 =	vmax.f32 v29, v9  }
0x173: {  	v9 =	vmul.f32 $2.792727340e+04, v9  }
0x174: {  	v8 =	vshrl.u32 v8, $0x1  }
0x175: {  	v8 =	vand.u32 $0x7FFFF800, v8;
	v9 =	vadd.f32 $3.276800000e+04, v9;
	v30 =	vmul.f32 v11, v2  }
0x176: {  	v8 =	vadd.s32 v5, v8  }
0x177: {  	v31 =	vadd.s32 $0x804, v8;
	v9 =	vmax.f32 v9, $0.0e+00;
	v11 =	vsub.f32 v2, v30  }
0x178: {  	vm6 =	vlt.s32 v31, $0x8000;
	v9 =	vmin.f32 v9, $6.553500000e+04  }
0x179: {  	v9 =	vtrunc.f32 v9;
	vm4 =	vlt.f32 v30, $0.0e+00;
	vm5 =	vlt.f32 v11, $0.0e+00  }
0x17a: {  	v8 =	vor.u32 $0x4, v8;
	v9 =	vcvt.f32.s32 v9;
	vm1 =	vmand vm6, vm5;
	_ =	sdelay $0x1  }
0x17b: {  	v32 =	vand.u32 $0xFFF, v9;
	_ =	sdelay $0x1  }
0x17c: {  	v33 =	vmul.f32 $5.877852440e-01, v6;
	v34 =	vmul.f32 $8.090170020e-01, v3  }
0x17d: {  	v35 =	vmul.f32 $5.877852440e-01, v7;
	v36 =	vmul.f32 $8.090170020e-01, v4;
	[tilespmem:v8+s23+$0x0] =	vst.idx.add.f32.msk vm4, v30  }
0x17e: {  	[tilespmem:v31+s23+$0x0] =	vst.idx.add.f32.msk vm1, v11  }
0x17f: {  	v37 =	vsub.f32 v33, v34;
	v8 =	vsub.f32 v35, v36;
	v11 =	vld.idx.msk [tilespmem:v32+s18+$0x0], $0xffff;
	_ =	sdelay $0x1  }
0x180: {  	v8 =	vmax.f32 v37, v8  }
0x181: {  	v8 =	vmul.f32 $2.792727340e+04, v8  }
0x182: {  	v9 =	vshrl.u32 v9, $0x1  }
0x183: {  	v9 =	vand.u32 $0x7FFFF800, v9;
	v8 =	vadd.f32 $3.276800000e+04, v8;
	v38 =	vmul.f32 v11, v2  }
0x184: {  	v9 =	vadd.s32 v5, v9  }
0x185: {  	v39 =	vadd.s32 $0x805, v9;
	v8 =	vmax.f32 v8, $0.0e+00;
	v11 =	vsub.f32 v2, v38  }
0x186: {  	vm9 =	vlt.s32 v39, $0x8000;
	v8 =	vmin.f32 v8, $6.553500000e+04  }
0x187: {  	v8 =	vtrunc.f32 v8;
	vm7 =	vlt.f32 v38, $0.0e+00;
	vm8 =	vlt.f32 v11, $0.0e+00  }
0x188: {  	v9 =	vor.u32 $0x5, v9;
	v8 =	vcvt.f32.s32 v8;
	vm1 =	vmand vm9, vm8;
	_ =	sdelay $0x1  }
0x189: {  	v40 =	vand.u32 $0xFFF, v8;
	_ =	sdelay $0x1  }
0x18a: {  	v41 =	vmul.f32 $2.079116110e-01, v6;
	v42 =	vmul.f32 $9.781476250e-01, v3  }
0x18b: {  	v44 =	vmul.f32 $9.781476250e-01, v4;
	v43 =	vmul.f32 $2.079116110e-01, v7;
	[tilespmem:v9+s23+$0x0] =	vst.idx.add.f32.msk vm7, v38  }
0x18c: {  	[tilespmem:v39+s23+$0x0] =	vst.idx.add.f32.msk vm1, v11  }
0x18d: {  	v45 =	vsub.f32 v41, v42;
	v9 =	vsub.f32 v43, v44;
	v11 =	vld.idx.msk [tilespmem:v40+s18+$0x0], $0xffff;
	_ =	sdelay $0x1  }
0x18e: {  	v9 =	vmax.f32 v45, v9  }
0x18f: {  	v9 =	vmul.f32 $2.792727340e+04, v9  }
0x190: {  	v8 =	vshrl.u32 v8, $0x1  }
0x191: {  	v8 =	vand.u32 $0x7FFFF800, v8;
	v9 =	vadd.f32 $3.276800000e+04, v9;
	v46 =	vmul.f32 v11, v2  }
0x192: {  	v8 =	vadd.s32 v5, v8  }
0x193: {  	v47 =	vadd.s32 $0x806, v8;
	v9 =	vmax.f32 v9, $0.0e+00;
	v11 =	vsub.f32 v2, v46  }
0x194: {  	vm12 =	vlt.s32 v47, $0x8000;
	v9 =	vmin.f32 v9, $6.553500000e+04  }
0x195: {  	v9 =	vtrunc.f32 v9;
	vm10 =	vlt.f32 v46, $0.0e+00;
	vm11 =	vlt.f32 v11, $0.0e+00  }
0x196: {  	v8 =	vor.u32 $0x6, v8;
	v9 =	vcvt.f32.s32 v9;
	vm1 =	vmand vm12, vm11;
	_ =	sdelay $0x1  }
0x197: {  	v48 =	vand.u32 $0xFFF, v9;
	_ =	sdelay $0x1  }
0x198: {  	v49 =	vmul.f32 $-2.079117890e-01, v6;
	v50 =	vmul.f32 $9.781475660e-01, v3  }
0x199: {  	v51 =	vmul.f32 $-2.079117890e-01, v7;
	v52 =	vmul.f32 $9.781475660e-01, v4;
	[tilespmem:v8+s23+$0x0] =	vst.idx.add.f32.msk vm10, v46  }
0x19a: {  	[tilespmem:v47+s23+$0x0] =	vst.idx.add.f32.msk vm1, v11  }
0x19b: {  	v53 =	vsub.f32 v49, v50;
	v8 =	vsub.f32 v51, v52;
	v11 =	vld.idx.msk [tilespmem:v48+s18+$0x0], $0xffff;
	_ =	sdelay $0x1  }
0x19c: {  	v8 =	vmax.f32 v53, v8  }
0x19d: {  	v8 =	vmul.f32 $2.792727340e+04, v8  }
0x19e: {  	v9 =	vshrl.u32 v9, $0x1  }
0x19f: {  	v9 =	vand.u32 $0x7FFFF800, v9;
	v8 =	vadd.f32 $3.276800000e+04, v8;
	v54 =	vmul.f32 v11, v2  }
0x1a0: {  	v9 =	vadd.s32 v5, v9  }
0x1a1: {  	v55 =	vadd.s32 $0x807, v9;
	v8 =	vmax.f32 v8, $0.0e+00;
	v11 =	vsub.f32 v2, v54  }
0x1a2: {  	vm15 =	vlt.s32 v55, $0x8000;
	v8 =	vmin.f32 v8, $6.553500000e+04  }
0x1a3: {  	v8 =	vtrunc.f32 v8;
	vm13 =	vlt.f32 v54, $0.0e+00;
	vm14 =	vlt.f32 v11, $0.0e+00  }
0x1a4: {  	v9 =	vor.u32 $0x7, v9;
	v8 =	vcvt.f32.s32 v8;
	vm1 =	vmand vm15, vm14;
	_ =	sdelay $0x1  }
0x1a5: {  	v56 =	vand.u32 $0xFFF, v8;
	_ =	sdelay $0x1  }
0x1a6: {  	v57 =	vmul.f32 $-5.877853040e-01, v6;
	v58 =	vmul.f32 $8.090169430e-01, v3  }
0x1a7: {  	v59 =	vmul.f32 $-5.877853040e-01, v7;
	v60 =	vmul.f32 $8.090169430e-01, v4;
	[tilespmem:v9+s23+$0x0] =	vst.idx.add.f32.msk vm13, v54  }
0x1a8: {  	[tilespmem:v55+s23+$0x0] =	vst.idx.add.f32.msk vm1, v11  }
0x1a9: {  	v61 =	vsub.f32 v57, v58;
	v9 =	vsub.f32 v59, v60;
	v11 =	vld.idx.msk [tilespmem:v56+s18+$0x0], $0xffff;
	_ =	sdelay $0x1  }
0x1aa: {  	v9 =	vmax.f32 v61, v9  }
0x1ab: {  	v9 =	vmul.f32 $2.792727340e+04, v9  }
0x1ac: {  	v8 =	vshrl.u32 v8, $0x1  }
0x1ad: {  	v8 =	vand.u32 $0x7FFFF800, v8;
	v9 =	vadd.f32 $3.276800000e+04, v9;
	v62 =	vmul.f32 v11, v2  }
0x1ae: {  	v8 =	vadd.s32 v5, v8  }
0x1af: {  	v63 =	vadd.s32 $0x808, v8;
	v9 =	vmax.f32 v9, $0.0e+00;
	v11 =	vsub.f32 v2, v62  }
0x1b0: {  	vm6 =	vlt.s32 v63, $0x8000;
	v9 =	vmin.f32 v9, $6.553500000e+04  }
0x1b1: {  	v9 =	vtrunc.f32 v9;
	vm4 =	vlt.f32 v62, $0.0e+00;
	vm5 =	vlt.f32 v11, $0.0e+00  }
0x1b2: {  	v8 =	vor.u32 $0x8, v8;
	v9 =	vcvt.f32.s32 v9;
	vm1 =	vmand vm6, vm5;
	_ =	sdelay $0x1  }
0x1b3: {  	v18 =	vand.u32 $0xFFF, v9;
	_ =	sdelay $0x1  }
0x1b4: {  	v19 =	vmul.f32 $-8.660254470e-01, v6;
	v20 =	vmul.f32 $4.999999110e-01, v3  }
0x1b5: {  	v21 =	vmul.f32 $-8.660254470e-01, v7;
	v22 =	vmul.f32 $4.999999110e-01, v4;
	[tilespmem:v8+s23+$0x0] =	vst.idx.add.f32.msk vm4, v62  }
0x1b6: {  	[tilespmem:v63+s23+$0x0] =	vst.idx.add.f32.msk vm1, v11  }
0x1b7: {  	v23 =	vsub.f32 v19, v20;
	v8 =	vsub.f32 v21, v22;
	v11 =	vld.idx.msk [tilespmem:v18+s18+$0x0], $0xffff;
	_ =	sdelay $0x1  }
0x1b8: {  	v8 =	vmax.f32 v23, v8  }
0x1b9: {  	v8 =	vmul.f32 $2.792727340e+04, v8  }
0x1ba: {  	v9 =	vshrl.u32 v9, $0x1  }
0x1bb: {  	v9 =	vand.u32 $0x7FFFF800, v9;
	v8 =	vadd.f32 $3.276800000e+04, v8;
	v24 =	vmul.f32 v11, v2  }
0x1bc: {  	v9 =	vadd.s32 v5, v9  }
0x1bd: {  	v25 =	vadd.s32 $0x809, v9;
	v8 =	vmax.f32 v8, $0.0e+00;
	v11 =	vsub.f32 v2, v24  }
0x1be: {  	vm9 =	vlt.s32 v25, $0x8000;
	v8 =	vmin.f32 v8, $6.553500000e+04  }
0x1bf: {  	v8 =	vtrunc.f32 v8;
	vm7 =	vlt.f32 v24, $0.0e+00;
	vm8 =	vlt.f32 v11, $0.0e+00  }
0x1c0: {  	v9 =	vor.u32 $0x9, v9;
	v8 =	vcvt.f32.s32 v8;
	vm1 =	vmand vm9, vm8;
	_ =	sdelay $0x1  }
0x1c1: {  	v26 =	vand.u32 $0xFFF, v8;
	_ =	sdelay $0x1  }
0x1c2: {  	v27 =	vmul.f32 $-9.945219150e-01, v6;
	v28 =	vmul.f32 $1.045283300e-01, v3  }
0x1c3: {  	v29 =	vmul.f32 $-9.945219150e-01, v7;
	v30 =	vmul.f32 $1.045283300e-01, v4;
	[tilespmem:v9+s23+$0x0] =	vst.idx.add.f32.msk vm7, v24  }
0x1c4: {  	[tilespmem:v25+s23+$0x0] =	vst.idx.add.f32.msk vm1, v11  }
0x1c5: {  	v31 =	vsub.f32 v27, v28;
	v9 =	vsub.f32 v29, v30;
	v11 =	vld.idx.msk [tilespmem:v26+s18+$0x0], $0xffff;
	_ =	sdelay $0x1  }
0x1c6: {  	v9 =	vmax.f32 v31, v9  }
0x1c7: {  	v9 =	vmul.f32 $2.792727340e+04, v9  }
0x1c8: {  	v8 =	vshrl.u32 v8, $0x1  }
0x1c9: {  	v8 =	vand.u32 $0x7FFFF800, v8;
	v9 =	vadd.f32 $3.276800000e+04, v9;
	v32 =	vmul.f32 v11, v2  }
0x1ca: {  	v8 =	vadd.s32 v5, v8  }
0x1cb: {  	v33 =	vadd.s32 $0x80A, v8;
	v9 =	vmax.f32 v9, $0.0e+00;
	v11 =	vsub.f32 v2, v32  }
0x1cc: {  	vm12 =	vlt.s32 v33, $0x8000;
	v9 =	vmin.f32 v9, $6.553500000e+04  }
0x1cd: {  	v9 =	vtrunc.f32 v9;
	vm10 =	vlt.f32 v32, $0.0e+00;
	vm11 =	vlt.f32 v11, $0.0e+00  }
0x1ce: {  	v8 =	vor.u32 $0xA, v8;
	v9 =	vcvt.f32.s32 v9;
	vm1 =	vmand vm12, vm11;
	_ =	sdelay $0x1  }
0x1cf: {  	v34 =	vand.u32 $0xFFF, v9;
	_ =	sdelay $0x1  }
0x1d0: {  	v35 =	vmul.f32 $9.510564800e-01, v6;
	v36 =	vmul.f32 $3.090171220e-01, v3  }
0x1d1: {  	v37 =	vmul.f32 $9.510564800e-01, v7;
	v38 =	vmul.f32 $3.090171220e-01, v4;
	[tilespmem:v8+s23+$0x0] =	vst.idx.add.f32.msk vm10, v32  }
0x1d2: {  	[tilespmem:v33+s23+$0x0] =	vst.idx.add.f32.msk vm1, v11  }
0x1d3: {  	v39 =	vsub.f32 v36, v35;
	v8 =	vsub.f32 v38, v37;
	v11 =	vld.idx.msk [tilespmem:v34+s18+$0x0], $0xffff;
	_ =	sdelay $0x1  }
0x1d4: {  	v8 =	vmax.f32 v39, v8  }
0x1d5: {  	v8 =	vmul.f32 $2.792727340e+04, v8  }
0x1d6: {  	v9 =	vshrl.u32 v9, $0x1  }
0x1d7: {  	v9 =	vand.u32 $0x7FFFF800, v9;
	v8 =	vadd.f32 $3.276800000e+04, v8;
	v40 =	vmul.f32 v11, v2  }
0x1d8: {  	v9 =	vadd.s32 v5, v9  }
0x1d9: {  	v41 =	vadd.s32 $0x80B, v9;
	v8 =	vmax.f32 v8, $0.0e+00;
	v11 =	vsub.f32 v2, v40  }
0x1da: {  	vm15 =	vlt.s32 v41, $0x8000;
	v8 =	vmin.f32 v8, $6.553500000e+04  }
0x1db: {  	v8 =	vtrunc.f32 v8;
	vm13 =	vlt.f32 v40, $0.0e+00;
	vm14 =	vlt.f32 v11, $0.0e+00  }
0x1dc: {  	v9 =	vor.u32 $0xB, v9;
	v8 =	vcvt.f32.s32 v8;
	vm1 =	vmand vm15, vm14;
	_ =	sdelay $0x1  }
0x1dd: {  	v42 =	vand.u32 $0xFFF, v8;
	_ =	sdelay $0x1  }
0x1de: {  	v43 =	vmul.f32 $7.431446900e-01, v6;
	v44 =	vmul.f32 $6.691307420e-01, v3  }
0x1df: {  	v45 =	vmul.f32 $7.431446900e-01, v7;
	v46 =	vmul.f32 $6.691307420e-01, v4;
	[tilespmem:v9+s23+$0x0] =	vst.idx.add.f32.msk vm13, v40  }
0x1e0: {  	[tilespmem:v41+s23+$0x0] =	vst.idx.add.f32.msk vm1, v11  }
0x1e1: {  	v47 =	vsub.f32 v44, v43;
	v9 =	vsub.f32 v46, v45;
	v11 =	vld.idx.msk [tilespmem:v42+s18+$0x0], $0xffff;
	_ =	sdelay $0x1  }
0x1e2: {  	v9 =	vmax.f32 v47, v9  }
0x1e3: {  	v9 =	vmul.f32 $2.792727340e+04, v9  }
0x1e4: {  	v8 =	vshrl.u32 v8, $0x1  }
0x1e5: {  	v8 =	vand.u32 $0x7FFFF800, v8;
	v9 =	vadd.f32 $3.276800000e+04, v9;
	v48 =	vmul.f32 v11, v2  }
0x1e6: {  	v8 =	vadd.s32 v5, v8  }
0x1e7: {  	v49 =	vadd.s32 $0x80C, v8;
	v9 =	vmax.f32 v9, $0.0e+00;
	v11 =	vsub.f32 v2, v48  }
0x1e8: {  	vm6 =	vlt.s32 v49, $0x8000;
	v9 =	vmin.f32 v9, $6.553500000e+04  }
0x1e9: {  	v9 =	vtrunc.f32 v9;
	vm4 =	vlt.f32 v48, $0.0e+00;
	vm5 =	vlt.f32 v11, $0.0e+00  }
0x1ea: {  	v8 =	vor.u32 $0xC, v8;
	v9 =	vcvt.f32.s32 v9;
	vm1 =	vmand vm6, vm5;
	_ =	sdelay $0x1  }
0x1eb: {  	v50 =	vand.u32 $0xFFF, v9;
	_ =	sdelay $0x1  }
0x1ec: {  	v51 =	vmul.f32 $4.067364930e-01, v6;
	v52 =	vmul.f32 $9.135455480e-01, v3  }
0x1ed: {  	v53 =	vmul.f32 $4.067364930e-01, v7;
	v54 =	vmul.f32 $9.135455480e-01, v4;
	[tilespmem:v8+s23+$0x0] =	vst.idx.add.f32.msk vm4, v48  }
0x1ee: {  	[tilespmem:v49+s23+$0x0] =	vst.idx.add.f32.msk vm1, v11  }
0x1ef: {  	v55 =	vsub.f32 v52, v51;
	v8 =	vsub.f32 v54, v53;
	v11 =	vld.idx.msk [tilespmem:v50+s18+$0x0], $0xffff;
	_ =	sdelay $0x1  }
0x1f0: {  	v8 =	vmax.f32 v55, v8  }
0x1f1: {  	v8 =	vmul.f32 $2.792727340e+04, v8  }
0x1f2: {  	v9 =	vshrl.u32 v9, $0x1  }
0x1f3: {  	v9 =	vand.u32 $0x7FFFF800, v9;
	v8 =	vadd.f32 $3.276800000e+04, v8;
	v56 =	vmul.f32 v11, v2  }
0x1f4: {  	v9 =	vadd.s32 v5, v9  }
0x1f5: {  	v57 =	vadd.s32 $0x80D, v9;
	v8 =	vmax.f32 v8, $0.0e+00;
	v11 =	vsub.f32 v2, v56  }
0x1f6: {  	vm9 =	vlt.s32 v57, $0x8000;
	v8 =	vmin.f32 v8, $6.553500000e+04  }
0x1f7: {  	v8 =	vtrunc.f32 v8;
	vm7 =	vlt.f32 v56, $0.0e+00;
	vm8 =	vlt.f32 v11, $0.0e+00  }
0x1f8: {  	v9 =	vor.u32 $0xD, v9;
	v8 =	vcvt.f32.s32 v8;
	vm1 =	vmand vm9, vm8;
	_ =	sdelay $0x1  }
0x1f9: {  	v58 =	vand.u32 $0xFFF, v8;
	_ =	sdelay $0x1  }
0x1fa: {  	v6 =	vmul.f32 $1.748455530e-07, v6;
	v7 =	vmul.f32 $1.748455530e-07, v7  }
0x1fb: {  	[tilespmem:v9+s23+$0x0] =	vst.idx.add.f32.msk vm7, v56  }
0x1fc: {  	v3 =	vadd.f32 v3, v6;
	v4 =	vadd.f32 v4, v7;
	[tilespmem:v57+s23+$0x0] =	vst.idx.add.f32.msk vm1, v11  }
0x1fd: {  	v9 =	vld.idx.msk [tilespmem:v58+s18+$0x0], $0xffff  }
0x1fe: {  	v3 =	vmax.f32 v3, v4  }
0x1ff: {  	v3 =	vmul.f32 $2.792727340e+04, v3;
	_ =	sdelay $0x1  }
0x200: {  	v3 =	vadd.f32 $3.276800000e+04, v3  }
0x201: {  	v59 =	vshrl.u32 v8, $0x1;
	v60 =	vmul.f32 v9, v2  }
0x202: {  	v3 =	vmax.f32 v3, $0.0e+00;
	v4 =	vand.u32 $0x7FFFF800, v59  }
0x203: {  	v3 =	vmin.f32 v3, $6.553500000e+04;
	v4 =	vadd.s32 v5, v4;
	v61 =	vsub.f32 v2, v60  }
0x204: {  	v3 =	vtrunc.f32 v3;
	v62 =	vadd.s32 $0x80E, v4  }
0x205: {  	vm12 =	vlt.s32 v62, $0x8000;
	vm10 =	vlt.f32 v60, $0.0e+00;
	vm11 =	vlt.f32 v61, $0.0e+00  }
0x206: {  	v3 =	vcvt.f32.s32 v3;
	v4 =	vor.u32 $0xE, v4;
	vm1 =	vmand vm12, vm11;
	_ =	sdelay $0x1  }
0x207: {  	v63 =	vand.u32 $0xFFF, v3;
	_ =	sdelay $0x2  }
0x208: {  	[tilespmem:v4+s23+$0x0] =	vst.idx.add.f32.msk vm10, v60  }
0x209: {  	[tilespmem:v62+s23+$0x0] =	vst.idx.add.f32.msk vm1, v61  }
0x20a: {  	v4 =	vld.idx.msk [tilespmem:v63+s18+$0x0], $0xffff;
	_ =	sdelay $0x4  }
0x20b: {  	v3 =	vshrl.u32 v3, $0x1;
	v4 =	vmul.f32 v4, v2  }
0x20c: {  	v3 =	vand.u32 $0x7FFFF800, v3  }
0x20d: {  	v3 =	vadd.s32 v5, v3;
	v2 =	vsub.f32 v2, v4  }
0x20e: {  	v5 =	vadd.s32 $0x80F, v3  }
0x20f: {  	vm15 =	vlt.s32 v5, $0x8000;
	vm13 =	vlt.f32 v4, $0.0e+00;
	vm14 =	vlt.f32 v2, $0.0e+00  }
0x210: {  	v3 =	vor.u32 $0xF, v3;
	vm1 =	vmand vm15, vm14  }
0x211: {  	p0 =	sne.s32 s26, $0x4E00  }
.Ltmp2:
0x212: {  	_ = 	snop;
	(pc) =	sbr.rel @p0 .LBB2_6-.Ltmp2, $3  }
0x213: {  	_ =	sdelay $0x1  }
0x214: {  	[tilespmem:v3+s23+$0x0] =	vst.idx.add.f32.msk vm13, v4  }
0x215: {  	s26 =	sadd.s32 $0x40, s26;
	[tilespmem:v5+s23+$0x0] =	vst.idx.add.f32.msk vm1, v2  }
0x216: {  	s25 =	sadd.s32 $0x1, s25  }
0x217: {  	p0 =	sne.s32 s25, s11  }
.Ltmp3:
0x218: {  	_ = 	snop;
	(pc) =	sbr.rel @p0 .LBB2_1-.Ltmp3, $4  }
0x219: {  	[hbm4b:s10+s5] =	stream.linear.scatter [tilespmem:s23], [sflag:$0x2], $0x8800, $0x38;
	[tilespmem:$0x147E0] =	vst v63  }
0x21a: {  	_ =	swait.ge [sflag:s24], $0x8800  }
0x21b: {  	[sflag:s24] =	ssyncset.done $0x0  }
0x21c: {  	[sflag:s24] =	ssyncadd.s32 $0xFFFF7800  }
0x21d: {  	_ =	sfence.sel $0x180000  }
0x21e: {  	[bflag:$0x0] =	sbarrier.arrive $0xFFFF  }
0x21f: {  	p0 =	sne.s32 s0, $0x0;
	_ =	strace $0x90000047  }
0x220: {  	s0 =	sadd.s32 @!p0 $0x100000, s3;
	[bflag:$0x2] =	sbarrier.arrive $0xFFFF  }
0x221: {  	[sflag:s0] =	ssyncadd.tile.s32 @!p0 $0x1;
	_ =	shalt  }
.Lfunc_end2:
_tile_overlayer_lowered:
.L_overlay_start_2:
0x222: {  	(tag) =	ssettag $0x2  }
0x223: {  	s0 =	rddreg [dreg:$0x0];
	s2 =	stileid.u32  }
0x224: {  	s1 =	rddreg [dreg:$0x1];
	p0 =	sne.s32 s2, $0x0  }
0x225: {  	s3 =	rddreg [dreg:$0x2];
	[bflag:$0x3] =	sbarrier.arrive $0xFFFF;
	s2 =	simm.s32 @!p0 $0x1C02  }
0x226: {  	[timem:s3], [sflag:s2] =	dma.local @!p0 [hbm:s0], s1  }
0x227: {  	s0 =	simm.s32 @!p0 $0x2  }
0x228: {  	_ =	swait.ge @!p0 [sflag:s0], s1  }
0x229: {  	s1 =	ssub.s32 @!p0 $0x0, s1;
	[sflag:s0] =	ssyncset.done @!p0 $0x0  }
0x22a: {  	[sflag:s0] =	ssyncadd.s32 @!p0 s1  }
0x22b: {  	[bflag:$0x3] =	sbarrier.arrive $0xFFFF  }
0x22c: {  	_ =	shalt  }

</sc_bundles>
